<compile_context>
chip_gen: v7x
topology: tpu7x:2x2x1
jax: 0.10.2.dev20260603
libtpu: 0.0.44.dev20260713+nightly
codegen_flags: <defaults>
</compile_context>

<pallas_src>
import numpy as np
import jax
import jax.numpy as jnp
from jax import lax
from jax.experimental import pallas as pl
from jax.experimental.pallas import tpu as pltpu
from jax.experimental.pallas import tpu_sc as plsc

N = 512
E = 8192
HID = 256
_BN = float(1.0 / np.sqrt(1.0 + 1e-5))
_NEG = -1e30

_row_np = np.repeat(np.arange(N), N)
_col_np = np.tile(np.arange(N), N)
_offdiag = _row_np != _col_np
_FULL_EI = np.stack([_row_np[_offdiag], _col_np[_offdiag]]).astype(np.int32)

_NC = 2
_NS = 16
_NW = _NC * _NS
_EPW = E // _NW
_ZCH = (N * N) // _NS
_ZBUF = 2048


def _sc_counts_body(src_hbm, dst_hbm, out_hbm, src_v, dst_v, idx_v, ones_v,
                    zero_v, shared, dma_sem):
    cid = lax.axis_index("c")
    sid = lax.axis_index("s")
    wid = sid * _NC + cid
    base = wid * _EPW

    def _fill_zero(i, carry):
        zero_v[pl.ds(i * 16, 16)] = jnp.zeros((16,), jnp.float32)
        return carry

    lax.fori_loop(0, _ZBUF // 16, _fill_zero, 0)
    for i in range(128 // 16):
        ones_v[pl.ds(i * 16, 16)] = jnp.ones((16,), jnp.float32)

    pltpu.sync_copy(src_hbm.at[pl.ds(base, _EPW)], src_v)
    pltpu.sync_copy(dst_hbm.at[pl.ds(base, _EPW)], dst_v)

    for i in range(_ZCH // _ZBUF):
        pltpu.sync_copy(zero_v, shared.at[pl.ds(sid * _ZCH + i * _ZBUF, _ZBUF)])

    for j in range(_EPW // 16):
        s16 = src_v[pl.ds(j * 16, 16)]
        d16 = dst_v[pl.ds(j * 16, 16)]
        idx_v[j // 8, pl.ds((j % 8) * 16, 16)] = d16 * N + s16

    plsc.subcore_barrier()
    for r in range(2):
        pltpu.sync_copy(ones_v, shared.at[idx_v.at[r]], add=True)
    plsc.subcore_barrier()

    pltpu.sync_copy(shared.at[pl.ds(sid * _ZCH, _ZCH)],
                    out_hbm.at[cid, pl.ds(sid * _ZCH, _ZCH)])


def _sc_counts(src, dst):
    mesh = plsc.VectorSubcoreMesh(core_axis_name="c", subcore_axis_name="s")
    f = pl.kernel(
        _sc_counts_body,
        out_type=jax.ShapeDtypeStruct((_NC, N * N), jnp.float32),
        mesh=mesh,
        scratch_types=[
            pltpu.VMEM((_EPW,), jnp.int32),
            pltpu.VMEM((_EPW,), jnp.int32),
            pltpu.VMEM((2, 128), jnp.int32),
            pltpu.VMEM((128,), jnp.float32),
            pltpu.VMEM((_ZBUF,), jnp.float32),
            pltpu.VMEM_SHARED((N * N,), jnp.float32),
            pltpu.SemaphoreType.DMA,
        ],
    )
    return f(src, dst)


def _masked_softmax_agg(logits, logw, values):
    w = jnp.exp(logits + logw)
    f = values.shape[1]
    vals1 = jnp.concatenate([values, jnp.ones((N, 1), jnp.float32)], axis=1)
    prod = w @ vals1
    return prod[:, :f] / (prod[:, f:f + 1] + 1e-16)


_GNN_PARAM_NAMES = (
    ['enc_w1', 'enc_b1', 'enc_g1', 'enc_be1',
     'enc_w2', 'enc_b2', 'enc_g2', 'enc_be2']
    + [f'gat{i}_{k}' for i in range(3) for k in ('w', 'asrc', 'adst', 'b')]
    + [f'tc{i}_{k}' for i in range(3)
       for k in ('wq', 'bq', 'wk', 'bk', 'wv', 'bv', 'ws', 'bs')]
    + ['ep_w1', 'ep_b1', 'ep_g', 'ep_be']
    + ['pr_w1', 'pr_b1', 'pr_g', 'pr_be', 'pr_w2', 'pr_b2', 'pr_w3', 'pr_b3']
    + ['fr_w1', 'fr_b1', 'fr_w2', 'fr_b2']
)


def _gnn_body(x_ref, pos_ref, c0_ref, c1_ref, *refs):
    prm = dict(zip(_GNN_PARAM_NAMES, refs[:-5]))
    h_out, a_out, b_out, d_out, r_out = refs[-5:]

    x = x_ref[...]
    pos = pos_ref[...]
    c = c0_ref[...] + c1_ref[...]
    ri = lax.broadcasted_iota(jnp.int32, (N, N), 0)
    ci = lax.broadcasted_iota(jnp.int32, (N, N), 1)
    eye = (ri == ci).astype(jnp.float32)
    cg = c + eye
    logw_g = jnp.where(cg > 0.0, jnp.log(jnp.maximum(cg, 1.0)), _NEG)
    logw_c = jnp.where(c > 0.0, jnp.log(jnp.maximum(c, 1.0)), _NEG)

    s1 = prm['enc_g1'][...] * _BN
    h = jnp.maximum(x @ (prm['enc_w1'][...] * s1[None, :])
                    + (prm['enc_b1'][...] * s1 + prm['enc_be1'][...]), 0.0)
    s2 = prm['enc_g2'][...] * _BN
    h = jnp.maximum(h @ (prm['enc_w2'][...] * s2[None, :])
                    + (prm['enc_b2'][...] * s2 + prm['enc_be2'][...]), 0.0)

    for li in range(3):
        xh = h @ prm[f'gat{li}_w'][...]
        gas = prm[f'gat{li}_asrc'][...]
        gad = prm[f'gat{li}_adst'][...]
        outs = []
        for hd in range(8):
            xh_h = xh[:, 32 * hd:32 * (hd + 1)]
            asr = gas[hd].reshape(1, 32)
            ads = gad[hd].reshape(32, 1)
            al_s = lax.dot_general(asr, xh_h, (((1,), (1,)), ((), ())))
            al_d = xh_h @ ads
            logit = al_d + al_s
            logit = jnp.where(logit >= 0.0, logit, 0.2 * logit)
            outs.append(_masked_softmax_agg(logit, logw_g, xh_h))
        out = jnp.concatenate(outs, axis=1) + prm[f'gat{li}_b'][...]
        h = jnp.maximum(h + out, 0.0)

    for li in range(3):
        q = (h @ prm[f'tc{li}_wq'][...] + prm[f'tc{li}_bq'][...]) * 0.125
        k = h @ prm[f'tc{li}_wk'][...] + prm[f'tc{li}_bk'][...]
        v = h @ prm[f'tc{li}_wv'][...] + prm[f'tc{li}_bv'][...]
        outs = []
        for hd in range(4):
            sl = slice(64 * hd, 64 * (hd + 1))
            qh, kh, vh = q[:, sl], k[:, sl], v[:, sl]
            logit = lax.dot_general(qh, kh, (((1,), (1,)), ((), ())))
            outs.append(_masked_softmax_agg(logit, logw_c, vh))
        out = jnp.concatenate(outs, axis=1) + (h @ prm[f'tc{li}_ws'][...]
                                               + prm[f'tc{li}_bs'][...])
        h = jnp.maximum(h + out, 0.0)

    h_out[...] = h

    epw1 = prm['ep_w1'][...]
    eps = prm['ep_g'][...] * _BN
    epwa = epw1[:HID] * eps[None, :]
    epwb = epw1[HID:2 * HID] * eps[None, :]
    epwp = epw1[2 * HID:] * eps[None, :]
    epb = prm['ep_b1'][...] * eps + prm['ep_be'][...]
    a_out[...] = h @ epwa - pos @ epwp + epb
    b_out[...] = h @ epwb + pos @ epwp

    prw1 = prm['pr_w1'][...]
    prs = prm['pr_g'][...] * _BN
    z = (h @ (prw1[:HID] * prs[None, :]) + pos @ (prw1[HID:] * prs[None, :])
         + (prm['pr_b1'][...] * prs + prm['pr_be'][...]))
    z = jnp.maximum(z, 0.0)
    z = jnp.maximum(z @ prm['pr_w2'][...] + prm['pr_b2'][...], 0.0)
    d_out[...] = jnp.tanh(z @ prm['pr_w3'][...] + prm['pr_b3'][...])

    r = jnp.maximum(h @ prm['fr_w1'][...] + prm['fr_b1'][...], 0.0)
    r = r @ prm['fr_w2'][...] + prm['fr_b2'][...]
    r_out[...] = 1.0 / (1.0 + jnp.exp(-r))


def _gnn_call(x, pos, c0, c1, params):
    out_shapes = (
        jax.ShapeDtypeStruct((N, HID), jnp.float32),
        jax.ShapeDtypeStruct((N, HID), jnp.float32),
        jax.ShapeDtypeStruct((N, HID), jnp.float32),
        jax.ShapeDtypeStruct((N, 2), jnp.float32),
        jax.ShapeDtypeStruct((N, 5), jnp.float32),
    )
    args = [params[k] for k in _GNN_PARAM_NAMES]
    return pl.pallas_call(_gnn_body, out_shape=out_shapes)(x, pos, c0, c1,
                                                           *args)


_RB = 32


def _pairs_body(a_ref, b_ref, w2_ref, b2_ref, w3_ref, b3_ref, out_ref):
    a = a_ref[...]
    b = b_ref[...]
    e1 = jnp.maximum(a[:, None, :] + b[None, :, :], 0.0)
    e1f = e1.reshape(_RB * N, HID)
    e2 = jnp.maximum(e1f @ w2_ref[...] + b2_ref[...], 0.0)
    e2w = (e2 * w3_ref[...][None, :]).reshape(_RB, N, 128)
    logit = jnp.sum(e2w, axis=2) + b3_ref[0]
    out_ref[...] = 1.0 / (1.0 + jnp.exp(-logit))


def _pairs_call(a, b, w2, b2, w3, b3):
    grid = (N // _RB,)
    return pl.pallas_call(
        _pairs_body,
        grid=grid,
        in_specs=[
            pl.BlockSpec((_RB, HID), lambda i: (i, 0)),
            pl.BlockSpec((N, HID), lambda i: (0, 0)),
            pl.BlockSpec((HID, 128), lambda i: (0, 0)),
            pl.BlockSpec((128,), lambda i: (0,)),
            pl.BlockSpec((128,), lambda i: (0,)),
            pl.BlockSpec((1,), lambda i: (0,)),
        ],
        out_specs=pl.BlockSpec((_RB, N), lambda i: (i, 0)),
        out_shape=jax.ShapeDtypeStruct((N, N), jnp.float32),
    )(a, b, w2, b2, w3, b3)


def kernel(x, edge_index, positions, params):
    p = params
    src = edge_index[0]
    dst = edge_index[1]

    cparts = _sc_counts(src, dst)

    h, a_half, b_half, deltas, recon = _gnn_call(
        x, positions, cparts[0].reshape(N, N), cparts[1].reshape(N, N), p)

    grid_pred = _pairs_call(a_half, b_half, p['ep_w2'], p['ep_b2'],
                            p['ep_w3'][:, 0], p['ep_b3'])

    edge_pred = grid_pred.reshape(N * N)[1:].reshape(N - 1, N + 1)[:, :N]
    edge_pred = edge_pred.reshape(N * (N - 1))

    full_ei = jnp.asarray(_FULL_EI)
    return (h, full_ei, edge_pred, deltas, recon)

# --- scband reference (transcript-rebuilt; emitter-appended) ---
"""Pipeline reference for scband-advanced-pcbgnn-62062277427583 (READ-ONLY COPY).

The authoritative reference and input builder live on the scoring server;
editing this copy changes nothing except your own understanding.
"""

import jax
import jax.numpy as jnp
import numpy as np

N_NODES = 512
N_EDGES = 8192
IN_DIM = 5
HID = 256


def glorot(key, shape):
    lim = float(np.sqrt(6.0 / (shape[0] + shape[1])))
    return jax.random.uniform(key, shape, minval=-lim, maxval=lim, dtype=jnp.float32)


def make_params(key):
    p = {}
    c = [0]
    def nk():
        c[0] += 1
        return jax.random.fold_in(key, c[0])
    p['enc_w1'] = glorot(nk(), (IN_DIM, HID)); p['enc_b1'] = jnp.zeros((HID,), jnp.float32)
    p['enc_g1'] = jnp.ones((HID,), jnp.float32); p['enc_be1'] = jnp.zeros((HID,), jnp.float32)
    p['enc_w2'] = glorot(nk(), (HID, HID)); p['enc_b2'] = jnp.zeros((HID,), jnp.float32)
    p['enc_g2'] = jnp.ones((HID,), jnp.float32); p['enc_be2'] = jnp.zeros((HID,), jnp.float32)
    for i in range(3):
        p[f'gat{i}_w'] = glorot(nk(), (HID, HID))
        p[f'gat{i}_asrc'] = 0.1 * jax.random.normal(nk(), (8, 32), dtype=jnp.float32)
        p[f'gat{i}_adst'] = 0.1 * jax.random.normal(nk(), (8, 32), dtype=jnp.float32)
        p[f'gat{i}_b'] = jnp.zeros((HID,), jnp.float32)
        p[f'tc{i}_wq'] = glorot(nk(), (HID, HID)); p[f'tc{i}_bq'] = jnp.zeros((HID,), jnp.float32)
        p[f'tc{i}_wk'] = glorot(nk(), (HID, HID)); p[f'tc{i}_bk'] = jnp.zeros((HID,), jnp.float32)
        p[f'tc{i}_wv'] = glorot(nk(), (HID, HID)); p[f'tc{i}_bv'] = jnp.zeros((HID,), jnp.float32)
        p[f'tc{i}_ws'] = glorot(nk(), (HID, HID)); p[f'tc{i}_bs'] = jnp.zeros((HID,), jnp.float32)
    p['ep_w1'] = glorot(nk(), (2 * HID + 2, HID)); p['ep_b1'] = jnp.zeros((HID,), jnp.float32)
    p['ep_g'] = jnp.ones((HID,), jnp.float32); p['ep_be'] = jnp.zeros((HID,), jnp.float32)
    p['ep_w2'] = glorot(nk(), (HID, HID // 2)); p['ep_b2'] = jnp.zeros((HID // 2,), jnp.float32)
    p['ep_w3'] = glorot(nk(), (HID // 2, 1)); p['ep_b3'] = jnp.zeros((1,), jnp.float32)
    p['pr_w1'] = glorot(nk(), (HID + 2, HID)); p['pr_b1'] = jnp.zeros((HID,), jnp.float32)
    p['pr_g'] = jnp.ones((HID,), jnp.float32); p['pr_be'] = jnp.zeros((HID,), jnp.float32)
    p['pr_w2'] = glorot(nk(), (HID, HID // 2)); p['pr_b2'] = jnp.zeros((HID // 2,), jnp.float32)
    p['pr_w3'] = glorot(nk(), (HID // 2, 2)); p['pr_b3'] = jnp.zeros((2,), jnp.float32)
    p['fr_w1'] = glorot(nk(), (HID, HID // 2)); p['fr_b1'] = jnp.zeros((HID // 2,), jnp.float32)
    p['fr_w2'] = glorot(nk(), (HID // 2, IN_DIM)); p['fr_b2'] = jnp.zeros((IN_DIM,), jnp.float32)
    return p


def setup_inputs(seed: int = 0):
    key = jax.random.key(seed)
    x = jax.random.normal(jax.random.fold_in(key, 1000), (N_NODES, IN_DIM), dtype=jnp.float32)
    edge_index = jax.random.randint(jax.random.fold_in(key, 1001), (2, N_EDGES), 0, N_NODES, dtype=jnp.int32)
    positions = jax.random.uniform(jax.random.fold_in(key, 1002), (N_NODES, 2), dtype=jnp.float32)
    params = make_params(key)
    return {'x': x, 'edge_index': edge_index, 'positions': positions, 'params': params}


def bn_eval(x, g, b):
    # BatchNorm1d in eval mode with freshly-initialized running stats (mean=0, var=1)
    return g * x / np.sqrt(1.0 + 1e-5) + b


def seg_softmax(logits, seg, num_segments):
    m = jax.ops.segment_max(logits, seg, num_segments=num_segments)
    m = jnp.where(jnp.isfinite(m), m, 0.0)
    ex = jnp.exp(logits - m[seg])
    s = jax.ops.segment_sum(ex, seg, num_segments=num_segments)
    return ex / (s[seg] + 1e-16)


def gat_layer(h, src, dst, w, a_src, a_dst, bias):
    # PyG GATConv(256, 32, heads=8), concat=True, with self-loops added
    n = h.shape[0]
    xh = (h @ w).reshape(n, 8, 32)
    al_s = (xh * a_src[None]).sum(-1)
    al_d = (xh * a_dst[None]).sum(-1)
    alpha = al_s[src] + al_d[dst]
    alpha = jax.nn.leaky_relu(alpha, negative_slope=0.2)
    alpha = seg_softmax(alpha, dst, n)
    out = jax.ops.segment_sum(xh[src] * alpha[..., None], dst, num_segments=n)
    return out.reshape(n, HID) + bias


def tconv_layer(h, src, dst, wq, bq, wk, bk, wv, bv, ws, bs):
    # PyG TransformerConv(256, 64, heads=4), root_weight=True (lin_skip)
    n = h.shape[0]
    q = (h @ wq + bq).reshape(n, 4, 64)
    k = (h @ wk + bk).reshape(n, 4, 64)
    v = (h @ wv + bv).reshape(n, 4, 64)
    alpha = (q[dst] * k[src]).sum(-1) / np.sqrt(64.0)
    alpha = seg_softmax(alpha, dst, n)
    out = jax.ops.segment_sum(v[src] * alpha[..., None], dst, num_segments=n)
    return out.reshape(n, HID) + (h @ ws + bs)


def forward_core(x, positions, edge_index, p):
    n = x.shape[0]
    h = jax.nn.relu(bn_eval(x @ p['enc_w1'] + p['enc_b1'], p['enc_g1'], p['enc_be1']))
    h = jax.nn.relu(bn_eval(h @ p['enc_w2'] + p['enc_b2'], p['enc_g2'], p['enc_be2']))
    src, dst = edge_index[0], edge_index[1]
    loop = jnp.arange(n, dtype=src.dtype)
    src_sl = jnp.concatenate([src, loop])
    dst_sl = jnp.concatenate([dst, loop])
    for i in range(3):
        h = jax.nn.relu(h + gat_layer(h, src_sl, dst_sl, p[f'gat{i}_w'], p[f'gat{i}_asrc'], p[f'gat{i}_adst'], p[f'gat{i}_b']))
    for i in range(3):
        h = jax.nn.relu(h + tconv_layer(h, src, dst, p[f'tc{i}_wq'], p[f'tc{i}_bq'], p[f'tc{i}_wk'], p[f'tc{i}_bk'], p[f'tc{i}_wv'], p[f'tc{i}_bv'], p[f'tc{i}_ws'], p[f'tc{i}_bs']))
    # all-pairs edge prediction (the global-context half of h_combined is sliced
    # away by src_h[:, :hidden_dim] in the original code, so it has no effect)
    idx_np = np.arange(n)
    row_np = np.repeat(idx_np, n)
    col_np = np.tile(idx_np, n)
    mask_np = row_np != col_np
    row = jnp.asarray(row_np[mask_np], dtype=jnp.int32)
    col = jnp.asarray(col_np[mask_np], dtype=jnp.int32)
    rel_pos = positions[col] - positions[row]
    ef = jnp.concatenate([h[row], h[col], rel_pos], axis=1)
    e = jax.nn.relu(bn_eval(ef @ p['ep_w1'] + p['ep_b1'], p['ep_g'], p['ep_be']))
    e = jax.nn.relu(e @ p['ep_w2'] + p['ep_b2'])
    edge_pred = jax.nn.sigmoid(e @ p['ep_w3'] + p['ep_b3'])[:, 0]
    pf = jnp.concatenate([h, positions], axis=1)
    d = jax.nn.relu(bn_eval(pf @ p['pr_w1'] + p['pr_b1'], p['pr_g'], p['pr_be']))
    d = jax.nn.relu(d @ p['pr_w2'] + p['pr_b2'])
    deltas = jnp.tanh(d @ p['pr_w3'] + p['pr_b3'])
    r = jax.nn.relu(h @ p['fr_w1'] + p['fr_b1'])
    recon = jax.nn.sigmoid(r @ p['fr_w2'] + p['fr_b2'])
    return h, edge_pred, deltas, recon, jnp.stack([row, col])


def reference(x, edge_index, positions, params):
    h, edge_pred, deltas, recon, full_ei = forward_core(x, positions, edge_index, params)
    return (h, full_ei, edge_pred, deltas, recon)

if __name__ == "__main__":
    import jax
    _d = setup_inputs()
    print(jax.jit(kernel)(*tuple(_d.values())))

</pallas_src>

<mosaic_0001>
#map = affine_map<(d0, d1) -> (0)>
#map1 = affine_map<(d0, d1) -> (0, 0)>
module attributes {stable_mosaic.version = 14 : i64} {
  func.func @_sc_counts_body(%arg0: i32, %arg1: i32, %arg2: memref<8192xi32, #tpu.memory_space<hbm>>, %arg3: memref<8192xi32, #tpu.memory_space<hbm>>, %arg4: memref<2x262144xf32, #tpu.memory_space<hbm>>, %arg5: memref<256xi32, #tpu.memory_space<vmem>>, %arg6: memref<256xi32, #tpu.memory_space<vmem>>, %arg7: memref<2x128xi32, #tpu.memory_space<vmem>>, %arg8: memref<128xf32, #tpu.memory_space<vmem>>, %arg9: memref<2048xf32, #tpu.memory_space<vmem>>, %arg10: memref<262144xf32, #tpu.memory_space<vmem_shared>>, %arg11: memref<!tpu.dma_semaphore, #tpu.memory_space<semaphore_mem>>) attributes {dimension_semantics = [#tpu.dimension_semantics<core_parallel>, #tpu.dimension_semantics<subcore_parallel>], iteration_bounds = array<i64: 2, 16>, scalar_prefetch = 0 : i64, scratch_operands = 7 : i64, tpu.core_type = #tpu.core_type<sc_vector_subcore>, window_params = [{transform_indices = #map}, {transform_indices = #map}, {transform_indices = #map1}]} {
    %mul3A = arith.constant 2 : i32
    %mul3A_0 = arith.muli %arg1, %mul3A : i32
    %add3A = arith.addi %mul3A_0, %arg0 : i32
    %mul3A_1 = arith.constant 256 : i32
    %mul3A_2 = arith.muli %add3A, %mul3A_1 : i32
    %scan3A = arith.constant 0 : i32
    %scan3A_3 = arith.constant 0 : i32
    %scan3A_4 = arith.constant 128 : i32
    %scan3A_5 = arith.addi %scan3A_3, %scan3A_4 : i32
    %scan3A_6 = arith.constant 1 : i32
    scf.for %scan3A_347 = %scan3A_3 to %scan3A_5 step %scan3A_6  : i32 {
      %broadcast_in_dim3A_348 = arith.constant 0.000000e+00 : f32
      %broadcast_in_dim3A_349 = vector.broadcast %broadcast_in_dim3A_348 : f32 to vector<16xf32>
      %mul3A_350 = arith.constant 16 : i32
      %mul3A_351 = arith.muli %scan3A_347, %mul3A_350 : i32
      %swap3A_352 = arith.index_cast %mul3A_351 : i32 to index
      %swap3A_353 = tpu.vector_load %arg9[%swap3A_352] {strides = array<i32>} : memref<2048xf32, #tpu.memory_space<vmem>>, vector<16xf32>,
      %swap3A_354 = vector.shape_cast %swap3A_353 : vector<16xf32> to vector<16xf32>
      %swap3A_355 = vector.shape_cast %broadcast_in_dim3A_349 : vector<16xf32> to vector<16xf32>
      tpu.vector_store %arg9[%swap3A_352], %swap3A_355 {strides = array<i32>} : memref<2048xf32, #tpu.memory_space<vmem>>, vector<16xf32>,
    }
    %scan3A_7 = arith.constant 128 : i32
    %broadcast_in_dim3A = arith.constant 1.000000e+00 : f32
    %broadcast_in_dim3A_8 = vector.broadcast %broadcast_in_dim3A : f32 to vector<16xf32>
    %swap3A = arith.constant 0 : index
    %swap3A_9 = tpu.vector_load %arg8[%swap3A] {strides = array<i32>} : memref<128xf32, #tpu.memory_space<vmem>>, vector<16xf32>,
    %swap3A_10 = vector.shape_cast %swap3A_9 : vector<16xf32> to vector<16xf32>
    %swap3A_11 = vector.shape_cast %broadcast_in_dim3A_8 : vector<16xf32> to vector<16xf32>
    tpu.vector_store %arg8[%swap3A], %swap3A_11 {strides = array<i32>} : memref<128xf32, #tpu.memory_space<vmem>>, vector<16xf32>,
    %broadcast_in_dim3A_12 = arith.constant 1.000000e+00 : f32
    %broadcast_in_dim3A_13 = vector.broadcast %broadcast_in_dim3A_12 : f32 to vector<16xf32>
    %swap3A_14 = arith.constant 16 : index
    %swap3A_15 = tpu.vector_load %arg8[%swap3A_14] {strides = array<i32>} : memref<128xf32, #tpu.memory_space<vmem>>, vector<16xf32>,
    %swap3A_16 = vector.shape_cast %swap3A_15 : vector<16xf32> to vector<16xf32>
    %swap3A_17 = vector.shape_cast %broadcast_in_dim3A_13 : vector<16xf32> to vector<16xf32>
    tpu.vector_store %arg8[%swap3A_14], %swap3A_17 {strides = array<i32>} : memref<128xf32, #tpu.memory_space<vmem>>, vector<16xf32>,
    %broadcast_in_dim3A_18 = arith.constant 1.000000e+00 : f32
    %broadcast_in_dim3A_19 = vector.broadcast %broadcast_in_dim3A_18 : f32 to vector<16xf32>
    %swap3A_20 = arith.constant 32 : index
    %swap3A_21 = tpu.vector_load %arg8[%swap3A_20] {strides = array<i32>} : memref<128xf32, #tpu.memory_space<vmem>>, vector<16xf32>,
    %swap3A_22 = vector.shape_cast %swap3A_21 : vector<16xf32> to vector<16xf32>
    %swap3A_23 = vector.shape_cast %broadcast_in_dim3A_19 : vector<16xf32> to vector<16xf32>
    tpu.vector_store %arg8[%swap3A_20], %swap3A_23 {strides = array<i32>} : memref<128xf32, #tpu.memory_space<vmem>>, vector<16xf32>,
    %broadcast_in_dim3A_24 = arith.constant 1.000000e+00 : f32
    %broadcast_in_dim3A_25 = vector.broadcast %broadcast_in_dim3A_24 : f32 to vector<16xf32>
    %swap3A_26 = arith.constant 48 : index
    %swap3A_27 = tpu.vector_load %arg8[%swap3A_26] {strides = array<i32>} : memref<128xf32, #tpu.memory_space<vmem>>, vector<16xf32>,
    %swap3A_28 = vector.shape_cast %swap3A_27 : vector<16xf32> to vector<16xf32>
    %swap3A_29 = vector.shape_cast %broadcast_in_dim3A_25 : vector<16xf32> to vector<16xf32>
    tpu.vector_store %arg8[%swap3A_26], %swap3A_29 {strides = array<i32>} : memref<128xf32, #tpu.memory_space<vmem>>, vector<16xf32>,
    %broadcast_in_dim3A_30 = arith.constant 1.000000e+00 : f32
    %broadcast_in_dim3A_31 = vector.broadcast %broadcast_in_dim3A_30 : f32 to vector<16xf32>
    %swap3A_32 = arith.constant 64 : index
    %swap3A_33 = tpu.vector_load %arg8[%swap3A_32] {strides = array<i32>} : memref<128xf32, #tpu.memory_space<vmem>>, vector<16xf32>,
    %swap3A_34 = vector.shape_cast %swap3A_33 : vector<16xf32> to vector<16xf32>
    %swap3A_35 = vector.shape_cast %broadcast_in_dim3A_31 : vector<16xf32> to vector<16xf32>
    tpu.vector_store %arg8[%swap3A_32], %swap3A_35 {strides = array<i32>} : memref<128xf32, #tpu.memory_space<vmem>>, vector<16xf32>,
    %broadcast_in_dim3A_36 = arith.constant 1.000000e+00 : f32
    %broadcast_in_dim3A_37 = vector.broadcast %broadcast_in_dim3A_36 : f32 to vector<16xf32>
    %swap3A_38 = arith.constant 80 : index
    %swap3A_39 = tpu.vector_load %arg8[%swap3A_38] {strides = array<i32>} : memref<128xf32, #tpu.memory_space<vmem>>, vector<16xf32>,
    %swap3A_40 = vector.shape_cast %swap3A_39 : vector<16xf32> to vector<16xf32>
    %swap3A_41 = vector.shape_cast %broadcast_in_dim3A_37 : vector<16xf32> to vector<16xf32>
    tpu.vector_store %arg8[%swap3A_38], %swap3A_41 {strides = array<i32>} : memref<128xf32, #tpu.memory_space<vmem>>, vector<16xf32>,
    %broadcast_in_dim3A_42 = arith.constant 1.000000e+00 : f32
    %broadcast_in_dim3A_43 = vector.broadcast %broadcast_in_dim3A_42 : f32 to vector<16xf32>
    %swap3A_44 = arith.constant 96 : index
    %swap3A_45 = tpu.vector_load %arg8[%swap3A_44] {strides = array<i32>} : memref<128xf32, #tpu.memory_space<vmem>>, vector<16xf32>,
    %swap3A_46 = vector.shape_cast %swap3A_45 : vector<16xf32> to vector<16xf32>
    %swap3A_47 = vector.shape_cast %broadcast_in_dim3A_43 : vector<16xf32> to vector<16xf32>
    tpu.vector_store %arg8[%swap3A_44], %swap3A_47 {strides = array<i32>} : memref<128xf32, #tpu.memory_space<vmem>>, vector<16xf32>,
    %broadcast_in_dim3A_48 = arith.constant 1.000000e+00 : f32
    %broadcast_in_dim3A_49 = vector.broadcast %broadcast_in_dim3A_48 : f32 to vector<16xf32>
    %swap3A_50 = arith.constant 112 : index
    %swap3A_51 = tpu.vector_load %arg8[%swap3A_50] {strides = array<i32>} : memref<128xf32, #tpu.memory_space<vmem>>, vector<16xf32>,
    %swap3A_52 = vector.shape_cast %swap3A_51 : vector<16xf32> to vector<16xf32>
    %swap3A_53 = vector.shape_cast %broadcast_in_dim3A_49 : vector<16xf32> to vector<16xf32>
    tpu.vector_store %arg8[%swap3A_50], %swap3A_53 {strides = array<i32>} : memref<128xf32, #tpu.memory_space<vmem>>, vector<16xf32>,
    "tpu.region"() ({
      %run_scoped3A_347 = tpu.sem_alloc : memref<!tpu.dma_semaphore, #tpu.memory_space<semaphore_mem>>
      %dma_start3A = tpu.memref_slice %arg2[%mul3A_2] : memref<8192xi32, #tpu.memory_space<hbm>> -> memref<256xi32, #tpu.memory_space<hbm>>
      %dma_start3A_348 = tpu.memref_slice %arg2[%mul3A_2] : memref<8192xi32, #tpu.memory_space<hbm>> -> memref<256xi32, #tpu.memory_space<hbm>>
      tpu.enqueue_dma source(%dma_start3A_348 : memref<256xi32, #tpu.memory_space<hbm>>) target(%arg5 : memref<256xi32, #tpu.memory_space<vmem>>) target_semaphore(%run_scoped3A_347 : memref<!tpu.dma_semaphore, #tpu.memory_space<semaphore_mem>>)
      %dma_wait3A = tpu.memref_slice %arg2[%mul3A_2] : memref<8192xi32, #tpu.memory_space<hbm>> -> memref<256xi32, #tpu.memory_space<hbm>>
      %dma_wait3A_349 = tpu.memref_slice %arg2[%mul3A_2] : memref<8192xi32, #tpu.memory_space<hbm>> -> memref<256xi32, #tpu.memory_space<hbm>>
      tpu.wait_dma2 semaphore(%run_scoped3A_347 : memref<!tpu.dma_semaphore, #tpu.memory_space<semaphore_mem>>) src(%dma_wait3A_349 : memref<256xi32, #tpu.memory_space<hbm>>) dst(%arg5 : memref<256xi32, #tpu.memory_space<vmem>>)
      tpu.yield
    }) : () -> ()
    "tpu.region"() ({
      %run_scoped3A_347 = tpu.sem_alloc : memref<!tpu.dma_semaphore, #tpu.memory_space<semaphore_mem>>
      %dma_start3A = tpu.memref_slice %arg3[%mul3A_2] : memref<8192xi32, #tpu.memory_space<hbm>> -> memref<256xi32, #tpu.memory_space<hbm>>
      %dma_start3A_348 = tpu.memref_slice %arg3[%mul3A_2] : memref<8192xi32, #tpu.memory_space<hbm>> -> memref<256xi32, #tpu.memory_space<hbm>>
      tpu.enqueue_dma source(%dma_start3A_348 : memref<256xi32, #tpu.memory_space<hbm>>) target(%arg6 : memref<256xi32, #tpu.memory_space<vmem>>) target_semaphore(%run_scoped3A_347 : memref<!tpu.dma_semaphore, #tpu.memory_space<semaphore_mem>>)
      %dma_wait3A = tpu.memref_slice %arg3[%mul3A_2] : memref<8192xi32, #tpu.memory_space<hbm>> -> memref<256xi32, #tpu.memory_space<hbm>>
      %dma_wait3A_349 = tpu.memref_slice %arg3[%mul3A_2] : memref<8192xi32, #tpu.memory_space<hbm>> -> memref<256xi32, #tpu.memory_space<hbm>>
      tpu.wait_dma2 semaphore(%run_scoped3A_347 : memref<!tpu.dma_semaphore, #tpu.memory_space<semaphore_mem>>) src(%dma_wait3A_349 : memref<256xi32, #tpu.memory_space<hbm>>) dst(%arg6 : memref<256xi32, #tpu.memory_space<vmem>>)
      tpu.yield
    }) : () -> ()
    %mul3A_54 = arith.constant 16384 : i32
    %mul3A_55 = arith.muli %arg1, %mul3A_54 : i32
    %add3A_56 = arith.constant 0 : i32
    %add3A_57 = arith.addi %mul3A_55, %add3A_56 : i32
    "tpu.region"() ({
      %run_scoped3A_347 = tpu.sem_alloc : memref<!tpu.dma_semaphore, #tpu.memory_space<semaphore_mem>>
      %dma_start3A = tpu.memref_slice %arg10[%add3A_57] : memref<262144xf32, #tpu.memory_space<vmem_shared>> -> memref<2048xf32, #tpu.memory_space<vmem_shared>>
      %dma_start3A_348 = tpu.memref_slice %arg10[%add3A_57] : memref<262144xf32, #tpu.memory_space<vmem_shared>> -> memref<2048xf32, #tpu.memory_space<vmem_shared>>
      tpu.enqueue_dma source(%arg9 : memref<2048xf32, #tpu.memory_space<vmem>>) target(%dma_start3A_348 : memref<2048xf32, #tpu.memory_space<vmem_shared>>) target_semaphore(%run_scoped3A_347 : memref<!tpu.dma_semaphore, #tpu.memory_space<semaphore_mem>>)
      %dma_wait3A = tpu.memref_slice %arg10[%add3A_57] : memref<262144xf32, #tpu.memory_space<vmem_shared>> -> memref<2048xf32, #tpu.memory_space<vmem_shared>>
      %dma_wait3A_349 = tpu.memref_slice %arg10[%add3A_57] : memref<262144xf32, #tpu.memory_space<vmem_shared>> -> memref<2048xf32, #tpu.memory_space<vmem_shared>>
      tpu.wait_dma2 semaphore(%run_scoped3A_347 : memref<!tpu.dma_semaphore, #tpu.memory_space<semaphore_mem>>) src(%arg9 : memref<2048xf32, #tpu.memory_space<vmem>>) dst(%dma_wait3A_349 : memref<2048xf32, #tpu.memory_space<vmem_shared>>)
      tpu.yield
    }) : () -> ()
    %mul3A_58 = arith.constant 16384 : i32
    %mul3A_59 = arith.muli %arg1, %mul3A_58 : i32
    %add3A_60 = arith.constant 2048 : i32
    %add3A_61 = arith.addi %mul3A_59, %add3A_60 : i32
    "tpu.region"() ({
      %run_scoped3A_347 = tpu.sem_alloc : memref<!tpu.dma_semaphore, #tpu.memory_space<semaphore_mem>>
      %dma_start3A = tpu.memref_slice %arg10[%add3A_61] : memref<262144xf32, #tpu.memory_space<vmem_shared>> -> memref<2048xf32, #tpu.memory_space<vmem_shared>>
      %dma_start3A_348 = tpu.memref_slice %arg10[%add3A_61] : memref<262144xf32, #tpu.memory_space<vmem_shared>> -> memref<2048xf32, #tpu.memory_space<vmem_shared>>
      tpu.enqueue_dma source(%arg9 : memref<2048xf32, #tpu.memory_space<vmem>>) target(%dma_start3A_348 : memref<2048xf32, #tpu.memory_space<vmem_shared>>) target_semaphore(%run_scoped3A_347 : memref<!tpu.dma_semaphore, #tpu.memory_space<semaphore_mem>>)
      %dma_wait3A = tpu.memref_slice %arg10[%add3A_61] : memref<262144xf32, #tpu.memory_space<vmem_shared>> -> memref<2048xf32, #tpu.memory_space<vmem_shared>>
      %dma_wait3A_349 = tpu.memref_slice %arg10[%add3A_61] : memref<262144xf32, #tpu.memory_space<vmem_shared>> -> memref<2048xf32, #tpu.memory_space<vmem_shared>>
      tpu.wait_dma2 semaphore(%run_scoped3A_347 : memref<!tpu.dma_semaphore, #tpu.memory_space<semaphore_mem>>) src(%arg9 : memref<2048xf32, #tpu.memory_space<vmem>>) dst(%dma_wait3A_349 : memref<2048xf32, #tpu.memory_space<vmem_shared>>)
      tpu.yield
    }) : () -> ()
    %mul3A_62 = arith.constant 16384 : i32
    %mul3A_63 = arith.muli %arg1, %mul3A_62 : i32
    %add3A_64 = arith.constant 4096 : i32
    %add3A_65 = arith.addi %mul3A_63, %add3A_64 : i32
    "tpu.region"() ({
      %run_scoped3A_347 = tpu.sem_alloc : memref<!tpu.dma_semaphore, #tpu.memory_space<semaphore_mem>>
      %dma_start3A = tpu.memref_slice %arg10[%add3A_65] : memref<262144xf32, #tpu.memory_space<vmem_shared>> -> memref<2048xf32, #tpu.memory_space<vmem_shared>>
      %dma_start3A_348 = tpu.memref_slice %arg10[%add3A_65] : memref<262144xf32, #tpu.memory_space<vmem_shared>> -> memref<2048xf32, #tpu.memory_space<vmem_shared>>
      tpu.enqueue_dma source(%arg9 : memref<2048xf32, #tpu.memory_space<vmem>>) target(%dma_start3A_348 : memref<2048xf32, #tpu.memory_space<vmem_shared>>) target_semaphore(%run_scoped3A_347 : memref<!tpu.dma_semaphore, #tpu.memory_space<semaphore_mem>>)
      %dma_wait3A = tpu.memref_slice %arg10[%add3A_65] : memref<262144xf32, #tpu.memory_space<vmem_shared>> -> memref<2048xf32, #tpu.memory_space<vmem_shared>>
      %dma_wait3A_349 = tpu.memref_slice %arg10[%add3A_65] : memref<262144xf32, #tpu.memory_space<vmem_shared>> -> memref<2048xf32, #tpu.memory_space<vmem_shared>>
      tpu.wait_dma2 semaphore(%run_scoped3A_347 : memref<!tpu.dma_semaphore, #tpu.memory_space<semaphore_mem>>) src(%arg9 : memref<2048xf32, #tpu.memory_space<vmem>>) dst(%dma_wait3A_349 : memref<2048xf32, #tpu.memory_space<vmem_shared>>)
      tpu.yield
    }) : () -> ()
    %mul3A_66 = arith.constant 16384 : i32
    %mul3A_67 = arith.muli %arg1, %mul3A_66 : i32
    %add3A_68 = arith.constant 6144 : i32
    %add3A_69 = arith.addi %mul3A_67, %add3A_68 : i32
    "tpu.region"() ({
      %run_scoped3A_347 = tpu.sem_alloc : memref<!tpu.dma_semaphore, #tpu.memory_space<semaphore_mem>>
      %dma_start3A = tpu.memref_slice %arg10[%add3A_69] : memref<262144xf32, #tpu.memory_space<vmem_shared>> -> memref<2048xf32, #tpu.memory_space<vmem_shared>>
      %dma_start3A_348 = tpu.memref_slice %arg10[%add3A_69] : memref<262144xf32, #tpu.memory_space<vmem_shared>> -> memref<2048xf32, #tpu.memory_space<vmem_shared>>
      tpu.enqueue_dma source(%arg9 : memref<2048xf32, #tpu.memory_space<vmem>>) target(%dma_start3A_348 : memref<2048xf32, #tpu.memory_space<vmem_shared>>) target_semaphore(%run_scoped3A_347 : memref<!tpu.dma_semaphore, #tpu.memory_space<semaphore_mem>>)
      %dma_wait3A = tpu.memref_slice %arg10[%add3A_69] : memref<262144xf32, #tpu.memory_space<vmem_shared>> -> memref<2048xf32, #tpu.memory_space<vmem_shared>>
      %dma_wait3A_349 = tpu.memref_slice %arg10[%add3A_69] : memref<262144xf32, #tpu.memory_space<vmem_shared>> -> memref<2048xf32, #tpu.memory_space<vmem_shared>>
      tpu.wait_dma2 semaphore(%run_scoped3A_347 : memref<!tpu.dma_semaphore, #tpu.memory_space<semaphore_mem>>) src(%arg9 : memref<2048xf32, #tpu.memory_space<vmem>>) dst(%dma_wait3A_349 : memref<2048xf32, #tpu.memory_space<vmem_shared>>)
      tpu.yield
    }) : () -> ()
    %mul3A_70 = arith.constant 16384 : i32
    %mul3A_71 = arith.muli %arg1, %mul3A_70 : i32
    %add3A_72 = arith.constant 8192 : i32
    %add3A_73 = arith.addi %mul3A_71, %add3A_72 : i32
    "tpu.region"() ({
      %run_scoped3A_347 = tpu.sem_alloc : memref<!tpu.dma_semaphore, #tpu.memory_space<semaphore_mem>>
      %dma_start3A = tpu.memref_slice %arg10[%add3A_73] : memref<262144xf32, #tpu.memory_space<vmem_shared>> -> memref<2048xf32, #tpu.memory_space<vmem_shared>>
      %dma_start3A_348 = tpu.memref_slice %arg10[%add3A_73] : memref<262144xf32, #tpu.memory_space<vmem_shared>> -> memref<2048xf32, #tpu.memory_space<vmem_shared>>
      tpu.enqueue_dma source(%arg9 : memref<2048xf32, #tpu.memory_space<vmem>>) target(%dma_start3A_348 : memref<2048xf32, #tpu.memory_space<vmem_shared>>) target_semaphore(%run_scoped3A_347 : memref<!tpu.dma_semaphore, #tpu.memory_space<semaphore_mem>>)
      %dma_wait3A = tpu.memref_slice %arg10[%add3A_73] : memref<262144xf32, #tpu.memory_space<vmem_shared>> -> memref<2048xf32, #tpu.memory_space<vmem_shared>>
      %dma_wait3A_349 = tpu.memref_slice %arg10[%add3A_73] : memref<262144xf32, #tpu.memory_space<vmem_shared>> -> memref<2048xf32, #tpu.memory_space<vmem_shared>>
      tpu.wait_dma2 semaphore(%run_scoped3A_347 : memref<!tpu.dma_semaphore, #tpu.memory_space<semaphore_mem>>) src(%arg9 : memref<2048xf32, #tpu.memory_space<vmem>>) dst(%dma_wait3A_349 : memref<2048xf32, #tpu.memory_space<vmem_shared>>)
      tpu.yield
    }) : () -> ()
    %mul3A_74 = arith.constant 16384 : i32
    %mul3A_75 = arith.muli %arg1, %mul3A_74 : i32
    %add3A_76 = arith.constant 10240 : i32
    %add3A_77 = arith.addi %mul3A_75, %add3A_76 : i32
    "tpu.region"() ({
      %run_scoped3A_347 = tpu.sem_alloc : memref<!tpu.dma_semaphore, #tpu.memory_space<semaphore_mem>>
      %dma_start3A = tpu.memref_slice %arg10[%add3A_77] : memref<262144xf32, #tpu.memory_space<vmem_shared>> -> memref<2048xf32, #tpu.memory_space<vmem_shared>>
      %dma_start3A_348 = tpu.memref_slice %arg10[%add3A_77] : memref<262144xf32, #tpu.memory_space<vmem_shared>> -> memref<2048xf32, #tpu.memory_space<vmem_shared>>
      tpu.enqueue_dma source(%arg9 : memref<2048xf32, #tpu.memory_space<vmem>>) target(%dma_start3A_348 : memref<2048xf32, #tpu.memory_space<vmem_shared>>) target_semaphore(%run_scoped3A_347 : memref<!tpu.dma_semaphore, #tpu.memory_space<semaphore_mem>>)
      %dma_wait3A = tpu.memref_slice %arg10[%add3A_77] : memref<262144xf32, #tpu.memory_space<vmem_shared>> -> memref<2048xf32, #tpu.memory_space<vmem_shared>>
      %dma_wait3A_349 = tpu.memref_slice %arg10[%add3A_77] : memref<262144xf32, #tpu.memory_space<vmem_shared>> -> memref<2048xf32, #tpu.memory_space<vmem_shared>>
      tpu.wait_dma2 semaphore(%run_scoped3A_347 : memref<!tpu.dma_semaphore, #tpu.memory_space<semaphore_mem>>) src(%arg9 : memref<2048xf32, #tpu.memory_space<vmem>>) dst(%dma_wait3A_349 : memref<2048xf32, #tpu.memory_space<vmem_shared>>)
      tpu.yield
    }) : () -> ()
    %mul3A_78 = arith.constant 16384 : i32
    %mul3A_79 = arith.muli %arg1, %mul3A_78 : i32
    %add3A_80 = arith.constant 12288 : i32
    %add3A_81 = arith.addi %mul3A_79, %add3A_80 : i32
    "tpu.region"() ({
      %run_scoped3A_347 = tpu.sem_alloc : memref<!tpu.dma_semaphore, #tpu.memory_space<semaphore_mem>>
      %dma_start3A = tpu.memref_slice %arg10[%add3A_81] : memref<262144xf32, #tpu.memory_space<vmem_shared>> -> memref<2048xf32, #tpu.memory_space<vmem_shared>>
      %dma_start3A_348 = tpu.memref_slice %arg10[%add3A_81] : memref<262144xf32, #tpu.memory_space<vmem_shared>> -> memref<2048xf32, #tpu.memory_space<vmem_shared>>
      tpu.enqueue_dma source(%arg9 : memref<2048xf32, #tpu.memory_space<vmem>>) target(%dma_start3A_348 : memref<2048xf32, #tpu.memory_space<vmem_shared>>) target_semaphore(%run_scoped3A_347 : memref<!tpu.dma_semaphore, #tpu.memory_space<semaphore_mem>>)
      %dma_wait3A = tpu.memref_slice %arg10[%add3A_81] : memref<262144xf32, #tpu.memory_space<vmem_shared>> -> memref<2048xf32, #tpu.memory_space<vmem_shared>>
      %dma_wait3A_349 = tpu.memref_slice %arg10[%add3A_81] : memref<262144xf32, #tpu.memory_space<vmem_shared>> -> memref<2048xf32, #tpu.memory_space<vmem_shared>>
      tpu.wait_dma2 semaphore(%run_scoped3A_347 : memref<!tpu.dma_semaphore, #tpu.memory_space<semaphore_mem>>) src(%arg9 : memref<2048xf32, #tpu.memory_space<vmem>>) dst(%dma_wait3A_349 : memref<2048xf32, #tpu.memory_space<vmem_shared>>)
      tpu.yield
    }) : () -> ()
    %mul3A_82 = arith.constant 16384 : i32
    %mul3A_83 = arith.muli %arg1, %mul3A_82 : i32
    %add3A_84 = arith.constant 14336 : i32
    %add3A_85 = arith.addi %mul3A_83, %add3A_84 : i32
    "tpu.region"() ({
      %run_scoped3A_347 = tpu.sem_alloc : memref<!tpu.dma_semaphore, #tpu.memory_space<semaphore_mem>>
      %dma_start3A = tpu.memref_slice %arg10[%add3A_85] : memref<262144xf32, #tpu.memory_space<vmem_shared>> -> memref<2048xf32, #tpu.memory_space<vmem_shared>>
      %dma_start3A_348 = tpu.memref_slice %arg10[%add3A_85] : memref<262144xf32, #tpu.memory_space<vmem_shared>> -> memref<2048xf32, #tpu.memory_space<vmem_shared>>
      tpu.enqueue_dma source(%arg9 : memref<2048xf32, #tpu.memory_space<vmem>>) target(%dma_start3A_348 : memref<2048xf32, #tpu.memory_space<vmem_shared>>) target_semaphore(%run_scoped3A_347 : memref<!tpu.dma_semaphore, #tpu.memory_space<semaphore_mem>>)
      %dma_wait3A = tpu.memref_slice %arg10[%add3A_85] : memref<262144xf32, #tpu.memory_space<vmem_shared>> -> memref<2048xf32, #tpu.memory_space<vmem_shared>>
      %dma_wait3A_349 = tpu.memref_slice %arg10[%add3A_85] : memref<262144xf32, #tpu.memory_space<vmem_shared>> -> memref<2048xf32, #tpu.memory_space<vmem_shared>>
      tpu.wait_dma2 semaphore(%run_scoped3A_347 : memref<!tpu.dma_semaphore, #tpu.memory_space<semaphore_mem>>) src(%arg9 : memref<2048xf32, #tpu.memory_space<vmem>>) dst(%dma_wait3A_349 : memref<2048xf32, #tpu.memory_space<vmem_shared>>)
      tpu.yield
    }) : () -> ()
    %get3A = arith.constant 0 : index
    %get3A_86 = tpu.vector_load %arg5[%get3A] {strides = array<i32>} : memref<256xi32, #tpu.memory_space<vmem>>, vector<16xi32>,
    %get3A_87 = vector.shape_cast %get3A_86 : vector<16xi32> to vector<16xi32>
    %get3A_88 = arith.constant 0 : index
    %get3A_89 = tpu.vector_load %arg6[%get3A_88] {strides = array<i32>} : memref<256xi32, #tpu.memory_space<vmem>>, vector<16xi32>,
    %get3A_90 = vector.shape_cast %get3A_89 : vector<16xi32> to vector<16xi32>
    %mul3A_91 = arith.constant 512 : i32
    %mul3A_92 = vector.broadcast %mul3A_91 : i32 to vector<16xi32>
    %mul3A_93 = arith.muli %get3A_90, %mul3A_92 : vector<16xi32>
    %add3A_94 = arith.addi %mul3A_93, %get3A_87 : vector<16xi32>
    %swap3A_95 = arith.constant 0 : i32
    %swap3A_96 = arith.index_cast %swap3A_95 : i32 to index
    %swap3A_97 = arith.constant 0 : index
    %swap3A_98 = tpu.vector_load %arg7[%swap3A_96, %swap3A_97] {strides = array<i32>} : memref<2x128xi32, #tpu.memory_space<vmem>>, vector<1x16xi32>,
    %swap3A_99 = vector.shape_cast %swap3A_98 : vector<1x16xi32> to vector<16xi32>
    %swap3A_100 = vector.shape_cast %add3A_94 : vector<16xi32> to vector<1x16xi32>
    tpu.vector_store %arg7[%swap3A_96, %swap3A_97], %swap3A_100 {strides = array<i32>} : memref<2x128xi32, #tpu.memory_space<vmem>>, vector<1x16xi32>,
    %get3A_101 = arith.constant 16 : index
    %get3A_102 = tpu.vector_load %arg5[%get3A_101] {strides = array<i32>} : memref<256xi32, #tpu.memory_space<vmem>>, vector<16xi32>,
    %get3A_103 = vector.shape_cast %get3A_102 : vector<16xi32> to vector<16xi32>
    %get3A_104 = arith.constant 16 : index
    %get3A_105 = tpu.vector_load %arg6[%get3A_104] {strides = array<i32>} : memref<256xi32, #tpu.memory_space<vmem>>, vector<16xi32>,
    %get3A_106 = vector.shape_cast %get3A_105 : vector<16xi32> to vector<16xi32>
    %mul3A_107 = arith.constant 512 : i32
    %mul3A_108 = vector.broadcast %mul3A_107 : i32 to vector<16xi32>
    %mul3A_109 = arith.muli %get3A_106, %mul3A_108 : vector<16xi32>
    %add3A_110 = arith.addi %mul3A_109, %get3A_103 : vector<16xi32>
    %swap3A_111 = arith.constant 0 : i32
    %swap3A_112 = arith.index_cast %swap3A_111 : i32 to index
    %swap3A_113 = arith.constant 16 : index
    %swap3A_114 = tpu.vector_load %arg7[%swap3A_112, %swap3A_113] {strides = array<i32>} : memref<2x128xi32, #tpu.memory_space<vmem>>, vector<1x16xi32>,
    %swap3A_115 = vector.shape_cast %swap3A_114 : vector<1x16xi32> to vector<16xi32>
    %swap3A_116 = vector.shape_cast %add3A_110 : vector<16xi32> to vector<1x16xi32>
    tpu.vector_store %arg7[%swap3A_112, %swap3A_113], %swap3A_116 {strides = array<i32>} : memref<2x128xi32, #tpu.memory_space<vmem>>, vector<1x16xi32>,
    %get3A_117 = arith.constant 32 : index
    %get3A_118 = tpu.vector_load %arg5[%get3A_117] {strides = array<i32>} : memref<256xi32, #tpu.memory_space<vmem>>, vector<16xi32>,
    %get3A_119 = vector.shape_cast %get3A_118 : vector<16xi32> to vector<16xi32>
    %get3A_120 = arith.constant 32 : index
    %get3A_121 = tpu.vector_load %arg6[%get3A_120] {strides = array<i32>} : memref<256xi32, #tpu.memory_space<vmem>>, vector<16xi32>,
    %get3A_122 = vector.shape_cast %get3A_121 : vector<16xi32> to vector<16xi32>
    %mul3A_123 = arith.constant 512 : i32
    %mul3A_124 = vector.broadcast %mul3A_123 : i32 to vector<16xi32>
    %mul3A_125 = arith.muli %get3A_122, %mul3A_124 : vector<16xi32>
    %add3A_126 = arith.addi %mul3A_125, %get3A_119 : vector<16xi32>
    %swap3A_127 = arith.constant 0 : i32
    %swap3A_128 = arith.index_cast %swap3A_127 : i32 to index
    %swap3A_129 = arith.constant 32 : index
    %swap3A_130 = tpu.vector_load %arg7[%swap3A_128, %swap3A_129] {strides = array<i32>} : memref<2x128xi32, #tpu.memory_space<vmem>>, vector<1x16xi32>,
    %swap3A_131 = vector.shape_cast %swap3A_130 : vector<1x16xi32> to vector<16xi32>
    %swap3A_132 = vector.shape_cast %add3A_126 : vector<16xi32> to vector<1x16xi32>
    tpu.vector_store %arg7[%swap3A_128, %swap3A_129], %swap3A_132 {strides = array<i32>} : memref<2x128xi32, #tpu.memory_space<vmem>>, vector<1x16xi32>,
    %get3A_133 = arith.constant 48 : index
    %get3A_134 = tpu.vector_load %arg5[%get3A_133] {strides = array<i32>} : memref<256xi32, #tpu.memory_space<vmem>>, vector<16xi32>,
    %get3A_135 = vector.shape_cast %get3A_134 : vector<16xi32> to vector<16xi32>
    %get3A_136 = arith.constant 48 : index
    %get3A_137 = tpu.vector_load %arg6[%get3A_136] {strides = array<i32>} : memref<256xi32, #tpu.memory_space<vmem>>, vector<16xi32>,
    %get3A_138 = vector.shape_cast %get3A_137 : vector<16xi32> to vector<16xi32>
    %mul3A_139 = arith.constant 512 : i32
    %mul3A_140 = vector.broadcast %mul3A_139 : i32 to vector<16xi32>
    %mul3A_141 = arith.muli %get3A_138, %mul3A_140 : vector<16xi32>
    %add3A_142 = arith.addi %mul3A_141, %get3A_135 : vector<16xi32>
    %swap3A_143 = arith.constant 0 : i32
    %swap3A_144 = arith.index_cast %swap3A_143 : i32 to index
    %swap3A_145 = arith.constant 48 : index
    %swap3A_146 = tpu.vector_load %arg7[%swap3A_144, %swap3A_145] {strides = array<i32>} : memref<2x128xi32, #tpu.memory_space<vmem>>, vector<1x16xi32>,
    %swap3A_147 = vector.shape_cast %swap3A_146 : vector<1x16xi32> to vector<16xi32>
    %swap3A_148 = vector.shape_cast %add3A_142 : vector<16xi32> to vector<1x16xi32>
    tpu.vector_store %arg7[%swap3A_144, %swap3A_145], %swap3A_148 {strides = array<i32>} : memref<2x128xi32, #tpu.memory_space<vmem>>, vector<1x16xi32>,
    %get3A_149 = arith.constant 64 : index
    %get3A_150 = tpu.vector_load %arg5[%get3A_149] {strides = array<i32>} : memref<256xi32, #tpu.memory_space<vmem>>, vector<16xi32>,
    %get3A_151 = vector.shape_cast %get3A_150 : vector<16xi32> to vector<16xi32>
    %get3A_152 = arith.constant 64 : index
    %get3A_153 = tpu.vector_load %arg6[%get3A_152] {strides = array<i32>} : memref<256xi32, #tpu.memory_space<vmem>>, vector<16xi32>,
    %get3A_154 = vector.shape_cast %get3A_153 : vector<16xi32> to vector<16xi32>
    %mul3A_155 = arith.constant 512 : i32
    %mul3A_156 = vector.broadcast %mul3A_155 : i32 to vector<16xi32>
    %mul3A_157 = arith.muli %get3A_154, %mul3A_156 : vector<16xi32>
    %add3A_158 = arith.addi %mul3A_157, %get3A_151 : vector<16xi32>
    %swap3A_159 = arith.constant 0 : i32
    %swap3A_160 = arith.index_cast %swap3A_159 : i32 to index
    %swap3A_161 = arith.constant 64 : index
    %swap3A_162 = tpu.vector_load %arg7[%swap3A_160, %swap3A_161] {strides = array<i32>} : memref<2x128xi32, #tpu.memory_space<vmem>>, vector<1x16xi32>,
    %swap3A_163 = vector.shape_cast %swap3A_162 : vector<1x16xi32> to vector<16xi32>
    %swap3A_164 = vector.shape_cast %add3A_158 : vector<16xi32> to vector<1x16xi32>
    tpu.vector_store %arg7[%swap3A_160, %swap3A_161], %swap3A_164 {strides = array<i32>} : memref<2x128xi32, #tpu.memory_space<vmem>>, vector<1x16xi32>,
    %get3A_165 = arith.constant 80 : index
    %get3A_166 = tpu.vector_load %arg5[%get3A_165] {strides = array<i32>} : memref<256xi32, #tpu.memory_space<vmem>>, vector<16xi32>,
    %get3A_167 = vector.shape_cast %get3A_166 : vector<16xi32> to vector<16xi32>
    %get3A_168 = arith.constant 80 : index
    %get3A_169 = tpu.vector_load %arg6[%get3A_168] {strides = array<i32>} : memref<256xi32, #tpu.memory_space<vmem>>, vector<16xi32>,
    %get3A_170 = vector.shape_cast %get3A_169 : vector<16xi32> to vector<16xi32>
    %mul3A_171 = arith.constant 512 : i32
    %mul3A_172 = vector.broadcast %mul3A_171 : i32 to vector<16xi32>
    %mul3A_173 = arith.muli %get3A_170, %mul3A_172 : vector<16xi32>
    %add3A_174 = arith.addi %mul3A_173, %get3A_167 : vector<16xi32>
    %swap3A_175 = arith.constant 0 : i32
    %swap3A_176 = arith.index_cast %swap3A_175 : i32 to index
    %swap3A_177 = arith.constant 80 : index
    %swap3A_178 = tpu.vector_load %arg7[%swap3A_176, %swap3A_177] {strides = array<i32>} : memref<2x128xi32, #tpu.memory_space<vmem>>, vector<1x16xi32>,
    %swap3A_179 = vector.shape_cast %swap3A_178 : vector<1x16xi32> to vector<16xi32>
    %swap3A_180 = vector.shape_cast %add3A_174 : vector<16xi32> to vector<1x16xi32>
    tpu.vector_store %arg7[%swap3A_176, %swap3A_177], %swap3A_180 {strides = array<i32>} : memref<2x128xi32, #tpu.memory_space<vmem>>, vector<1x16xi32>,
    %get3A_181 = arith.constant 96 : index
    %get3A_182 = tpu.vector_load %arg5[%get3A_181] {strides = array<i32>} : memref<256xi32, #tpu.memory_space<vmem>>, vector<16xi32>,
    %get3A_183 = vector.shape_cast %get3A_182 : vector<16xi32> to vector<16xi32>
    %get3A_184 = arith.constant 96 : index
    %get3A_185 = tpu.vector_load %arg6[%get3A_184] {strides = array<i32>} : memref<256xi32, #tpu.memory_space<vmem>>, vector<16xi32>,
    %get3A_186 = vector.shape_cast %get3A_185 : vector<16xi32> to vector<16xi32>
    %mul3A_187 = arith.constant 512 : i32
    %mul3A_188 = vector.broadcast %mul3A_187 : i32 to vector<16xi32>
    %mul3A_189 = arith.muli %get3A_186, %mul3A_188 : vector<16xi32>
    %add3A_190 = arith.addi %mul3A_189, %get3A_183 : vector<16xi32>
    %swap3A_191 = arith.constant 0 : i32
    %swap3A_192 = arith.index_cast %swap3A_191 : i32 to index
    %swap3A_193 = arith.constant 96 : index
    %swap3A_194 = tpu.vector_load %arg7[%swap3A_192, %swap3A_193] {strides = array<i32>} : memref<2x128xi32, #tpu.memory_space<vmem>>, vector<1x16xi32>,
    %swap3A_195 = vector.shape_cast %swap3A_194 : vector<1x16xi32> to vector<16xi32>
    %swap3A_196 = vector.shape_cast %add3A_190 : vector<16xi32> to vector<1x16xi32>
    tpu.vector_store %arg7[%swap3A_192, %swap3A_193], %swap3A_196 {strides = array<i32>} : memref<2x128xi32, #tpu.memory_space<vmem>>, vector<1x16xi32>,
    %get3A_197 = arith.constant 112 : index
    %get3A_198 = tpu.vector_load %arg5[%get3A_197] {strides = array<i32>} : memref<256xi32, #tpu.memory_space<vmem>>, vector<16xi32>,
    %get3A_199 = vector.shape_cast %get3A_198 : vector<16xi32> to vector<16xi32>
    %get3A_200 = arith.constant 112 : index
    %get3A_201 = tpu.vector_load %arg6[%get3A_200] {strides = array<i32>} : memref<256xi32, #tpu.memory_space<vmem>>, vector<16xi32>,
    %get3A_202 = vector.shape_cast %get3A_201 : vector<16xi32> to vector<16xi32>
    %mul3A_203 = arith.constant 512 : i32
    %mul3A_204 = vector.broadcast %mul3A_203 : i32 to vector<16xi32>
    %mul3A_205 = arith.muli %get3A_202, %mul3A_204 : vector<16xi32>
    %add3A_206 = arith.addi %mul3A_205, %get3A_199 : vector<16xi32>
    %swap3A_207 = arith.constant 0 : i32
    %swap3A_208 = arith.index_cast %swap3A_207 : i32 to index
    %swap3A_209 = arith.constant 112 : index
    %swap3A_210 = tpu.vector_load %arg7[%swap3A_208, %swap3A_209] {strides = array<i32>} : memref<2x128xi32, #tpu.memory_space<vmem>>, vector<1x16xi32>,
    %swap3A_211 = vector.shape_cast %swap3A_210 : vector<1x16xi32> to vector<16xi32>
    %swap3A_212 = vector.shape_cast %add3A_206 : vector<16xi32> to vector<1x16xi32>
    tpu.vector_store %arg7[%swap3A_208, %swap3A_209], %swap3A_212 {strides = array<i32>} : memref<2x128xi32, #tpu.memory_space<vmem>>, vector<1x16xi32>,
    %get3A_213 = arith.constant 128 : index
    %get3A_214 = tpu.vector_load %arg5[%get3A_213] {strides = array<i32>} : memref<256xi32, #tpu.memory_space<vmem>>, vector<16xi32>,
    %get3A_215 = vector.shape_cast %get3A_214 : vector<16xi32> to vector<16xi32>
    %get3A_216 = arith.constant 128 : index
    %get3A_217 = tpu.vector_load %arg6[%get3A_216] {strides = array<i32>} : memref<256xi32, #tpu.memory_space<vmem>>, vector<16xi32>,
    %get3A_218 = vector.shape_cast %get3A_217 : vector<16xi32> to vector<16xi32>
    %mul3A_219 = arith.constant 512 : i32
    %mul3A_220 = vector.broadcast %mul3A_219 : i32 to vector<16xi32>
    %mul3A_221 = arith.muli %get3A_218, %mul3A_220 : vector<16xi32>
    %add3A_222 = arith.addi %mul3A_221, %get3A_215 : vector<16xi32>
    %swap3A_223 = arith.constant 1 : i32
    %swap3A_224 = arith.index_cast %swap3A_223 : i32 to index
    %swap3A_225 = arith.constant 0 : index
    %swap3A_226 = tpu.vector_load %arg7[%swap3A_224, %swap3A_225] {strides = array<i32>} : memref<2x128xi32, #tpu.memory_space<vmem>>, vector<1x16xi32>,
    %swap3A_227 = vector.shape_cast %swap3A_226 : vector<1x16xi32> to vector<16xi32>
    %swap3A_228 = vector.shape_cast %add3A_222 : vector<16xi32> to vector<1x16xi32>
    tpu.vector_store %arg7[%swap3A_224, %swap3A_225], %swap3A_228 {strides = array<i32>} : memref<2x128xi32, #tpu.memory_space<vmem>>, vector<1x16xi32>,
    %get3A_229 = arith.constant 144 : index
    %get3A_230 = tpu.vector_load %arg5[%get3A_229] {strides = array<i32>} : memref<256xi32, #tpu.memory_space<vmem>>, vector<16xi32>,
    %get3A_231 = vector.shape_cast %get3A_230 : vector<16xi32> to vector<16xi32>
    %get3A_232 = arith.constant 144 : index
    %get3A_233 = tpu.vector_load %arg6[%get3A_232] {strides = array<i32>} : memref<256xi32, #tpu.memory_space<vmem>>, vector<16xi32>,
    %get3A_234 = vector.shape_cast %get3A_233 : vector<16xi32> to vector<16xi32>
    %mul3A_235 = arith.constant 512 : i32
    %mul3A_236 = vector.broadcast %mul3A_235 : i32 to vector<16xi32>
    %mul3A_237 = arith.muli %get3A_234, %mul3A_236 : vector<16xi32>
    %add3A_238 = arith.addi %mul3A_237, %get3A_231 : vector<16xi32>
    %swap3A_239 = arith.constant 1 : i32
    %swap3A_240 = arith.index_cast %swap3A_239 : i32 to index
    %swap3A_241 = arith.constant 16 : index
    %swap3A_242 = tpu.vector_load %arg7[%swap3A_240, %swap3A_241] {strides = array<i32>} : memref<2x128xi32, #tpu.memory_space<vmem>>, vector<1x16xi32>,
    %swap3A_243 = vector.shape_cast %swap3A_242 : vector<1x16xi32> to vector<16xi32>
    %swap3A_244 = vector.shape_cast %add3A_238 : vector<16xi32> to vector<1x16xi32>
    tpu.vector_store %arg7[%swap3A_240, %swap3A_241], %swap3A_244 {strides = array<i32>} : memref<2x128xi32, #tpu.memory_space<vmem>>, vector<1x16xi32>,
    %get3A_245 = arith.constant 160 : index
    %get3A_246 = tpu.vector_load %arg5[%get3A_245] {strides = array<i32>} : memref<256xi32, #tpu.memory_space<vmem>>, vector<16xi32>,
    %get3A_247 = vector.shape_cast %get3A_246 : vector<16xi32> to vector<16xi32>
    %get3A_248 = arith.constant 160 : index
    %get3A_249 = tpu.vector_load %arg6[%get3A_248] {strides = array<i32>} : memref<256xi32, #tpu.memory_space<vmem>>, vector<16xi32>,
    %get3A_250 = vector.shape_cast %get3A_249 : vector<16xi32> to vector<16xi32>
    %mul3A_251 = arith.constant 512 : i32
    %mul3A_252 = vector.broadcast %mul3A_251 : i32 to vector<16xi32>
    %mul3A_253 = arith.muli %get3A_250, %mul3A_252 : vector<16xi32>
    %add3A_254 = arith.addi %mul3A_253, %get3A_247 : vector<16xi32>
    %swap3A_255 = arith.constant 1 : i32
    %swap3A_256 = arith.index_cast %swap3A_255 : i32 to index
    %swap3A_257 = arith.constant 32 : index
    %swap3A_258 = tpu.vector_load %arg7[%swap3A_256, %swap3A_257] {strides = array<i32>} : memref<2x128xi32, #tpu.memory_space<vmem>>, vector<1x16xi32>,
    %swap3A_259 = vector.shape_cast %swap3A_258 : vector<1x16xi32> to vector<16xi32>
    %swap3A_260 = vector.shape_cast %add3A_254 : vector<16xi32> to vector<1x16xi32>
    tpu.vector_store %arg7[%swap3A_256, %swap3A_257], %swap3A_260 {strides = array<i32>} : memref<2x128xi32, #tpu.memory_space<vmem>>, vector<1x16xi32>,
    %get3A_261 = arith.constant 176 : index
    %get3A_262 = tpu.vector_load %arg5[%get3A_261] {strides = array<i32>} : memref<256xi32, #tpu.memory_space<vmem>>, vector<16xi32>,
    %get3A_263 = vector.shape_cast %get3A_262 : vector<16xi32> to vector<16xi32>
    %get3A_264 = arith.constant 176 : index
    %get3A_265 = tpu.vector_load %arg6[%get3A_264] {strides = array<i32>} : memref<256xi32, #tpu.memory_space<vmem>>, vector<16xi32>,
    %get3A_266 = vector.shape_cast %get3A_265 : vector<16xi32> to vector<16xi32>
    %mul3A_267 = arith.constant 512 : i32
    %mul3A_268 = vector.broadcast %mul3A_267 : i32 to vector<16xi32>
    %mul3A_269 = arith.muli %get3A_266, %mul3A_268 : vector<16xi32>
    %add3A_270 = arith.addi %mul3A_269, %get3A_263 : vector<16xi32>
    %swap3A_271 = arith.constant 1 : i32
    %swap3A_272 = arith.index_cast %swap3A_271 : i32 to index
    %swap3A_273 = arith.constant 48 : index
    %swap3A_274 = tpu.vector_load %arg7[%swap3A_272, %swap3A_273] {strides = array<i32>} : memref<2x128xi32, #tpu.memory_space<vmem>>, vector<1x16xi32>,
    %swap3A_275 = vector.shape_cast %swap3A_274 : vector<1x16xi32> to vector<16xi32>
    %swap3A_276 = vector.shape_cast %add3A_270 : vector<16xi32> to vector<1x16xi32>
    tpu.vector_store %arg7[%swap3A_272, %swap3A_273], %swap3A_276 {strides = array<i32>} : memref<2x128xi32, #tpu.memory_space<vmem>>, vector<1x16xi32>,
    %get3A_277 = arith.constant 192 : index
    %get3A_278 = tpu.vector_load %arg5[%get3A_277] {strides = array<i32>} : memref<256xi32, #tpu.memory_space<vmem>>, vector<16xi32>,
    %get3A_279 = vector.shape_cast %get3A_278 : vector<16xi32> to vector<16xi32>
    %get3A_280 = arith.constant 192 : index
    %get3A_281 = tpu.vector_load %arg6[%get3A_280] {strides = array<i32>} : memref<256xi32, #tpu.memory_space<vmem>>, vector<16xi32>,
    %get3A_282 = vector.shape_cast %get3A_281 : vector<16xi32> to vector<16xi32>
    %mul3A_283 = arith.constant 512 : i32
    %mul3A_284 = vector.broadcast %mul3A_283 : i32 to vector<16xi32>
    %mul3A_285 = arith.muli %get3A_282, %mul3A_284 : vector<16xi32>
    %add3A_286 = arith.addi %mul3A_285, %get3A_279 : vector<16xi32>
    %swap3A_287 = arith.constant 1 : i32
    %swap3A_288 = arith.index_cast %swap3A_287 : i32 to index
    %swap3A_289 = arith.constant 64 : index
    %swap3A_290 = tpu.vector_load %arg7[%swap3A_288, %swap3A_289] {strides = array<i32>} : memref<2x128xi32, #tpu.memory_space<vmem>>, vector<1x16xi32>,
    %swap3A_291 = vector.shape_cast %swap3A_290 : vector<1x16xi32> to vector<16xi32>
    %swap3A_292 = vector.shape_cast %add3A_286 : vector<16xi32> to vector<1x16xi32>
    tpu.vector_store %arg7[%swap3A_288, %swap3A_289], %swap3A_292 {strides = array<i32>} : memref<2x128xi32, #tpu.memory_space<vmem>>, vector<1x16xi32>,
    %get3A_293 = arith.constant 208 : index
    %get3A_294 = tpu.vector_load %arg5[%get3A_293] {strides = array<i32>} : memref<256xi32, #tpu.memory_space<vmem>>, vector<16xi32>,
    %get3A_295 = vector.shape_cast %get3A_294 : vector<16xi32> to vector<16xi32>
    %get3A_296 = arith.constant 208 : index
    %get3A_297 = tpu.vector_load %arg6[%get3A_296] {strides = array<i32>} : memref<256xi32, #tpu.memory_space<vmem>>, vector<16xi32>,
    %get3A_298 = vector.shape_cast %get3A_297 : vector<16xi32> to vector<16xi32>
    %mul3A_299 = arith.constant 512 : i32
    %mul3A_300 = vector.broadcast %mul3A_299 : i32 to vector<16xi32>
    %mul3A_301 = arith.muli %get3A_298, %mul3A_300 : vector<16xi32>
    %add3A_302 = arith.addi %mul3A_301, %get3A_295 : vector<16xi32>
    %swap3A_303 = arith.constant 1 : i32
    %swap3A_304 = arith.index_cast %swap3A_303 : i32 to index
    %swap3A_305 = arith.constant 80 : index
    %swap3A_306 = tpu.vector_load %arg7[%swap3A_304, %swap3A_305] {strides = array<i32>} : memref<2x128xi32, #tpu.memory_space<vmem>>, vector<1x16xi32>,
    %swap3A_307 = vector.shape_cast %swap3A_306 : vector<1x16xi32> to vector<16xi32>
    %swap3A_308 = vector.shape_cast %add3A_302 : vector<16xi32> to vector<1x16xi32>
    tpu.vector_store %arg7[%swap3A_304, %swap3A_305], %swap3A_308 {strides = array<i32>} : memref<2x128xi32, #tpu.memory_space<vmem>>, vector<1x16xi32>,
    %get3A_309 = arith.constant 224 : index
    %get3A_310 = tpu.vector_load %arg5[%get3A_309] {strides = array<i32>} : memref<256xi32, #tpu.memory_space<vmem>>, vector<16xi32>,
    %get3A_311 = vector.shape_cast %get3A_310 : vector<16xi32> to vector<16xi32>
    %get3A_312 = arith.constant 224 : index
    %get3A_313 = tpu.vector_load %arg6[%get3A_312] {strides = array<i32>} : memref<256xi32, #tpu.memory_space<vmem>>, vector<16xi32>,
    %get3A_314 = vector.shape_cast %get3A_313 : vector<16xi32> to vector<16xi32>
    %mul3A_315 = arith.constant 512 : i32
    %mul3A_316 = vector.broadcast %mul3A_315 : i32 to vector<16xi32>
    %mul3A_317 = arith.muli %get3A_314, %mul3A_316 : vector<16xi32>
    %add3A_318 = arith.addi %mul3A_317, %get3A_311 : vector<16xi32>
    %swap3A_319 = arith.constant 1 : i32
    %swap3A_320 = arith.index_cast %swap3A_319 : i32 to index
    %swap3A_321 = arith.constant 96 : index
    %swap3A_322 = tpu.vector_load %arg7[%swap3A_320, %swap3A_321] {strides = array<i32>} : memref<2x128xi32, #tpu.memory_space<vmem>>, vector<1x16xi32>,
    %swap3A_323 = vector.shape_cast %swap3A_322 : vector<1x16xi32> to vector<16xi32>
    %swap3A_324 = vector.shape_cast %add3A_318 : vector<16xi32> to vector<1x16xi32>
    tpu.vector_store %arg7[%swap3A_320, %swap3A_321], %swap3A_324 {strides = array<i32>} : memref<2x128xi32, #tpu.memory_space<vmem>>, vector<1x16xi32>,
    %get3A_325 = arith.constant 240 : index
    %get3A_326 = tpu.vector_load %arg5[%get3A_325] {strides = array<i32>} : memref<256xi32, #tpu.memory_space<vmem>>, vector<16xi32>,
    %get3A_327 = vector.shape_cast %get3A_326 : vector<16xi32> to vector<16xi32>
    %get3A_328 = arith.constant 240 : index
    %get3A_329 = tpu.vector_load %arg6[%get3A_328] {strides = array<i32>} : memref<256xi32, #tpu.memory_space<vmem>>, vector<16xi32>,
    %get3A_330 = vector.shape_cast %get3A_329 : vector<16xi32> to vector<16xi32>
    %mul3A_331 = arith.constant 512 : i32
    %mul3A_332 = vector.broadcast %mul3A_331 : i32 to vector<16xi32>
    %mul3A_333 = arith.muli %get3A_330, %mul3A_332 : vector<16xi32>
    %add3A_334 = arith.addi %mul3A_333, %get3A_327 : vector<16xi32>
    %swap3A_335 = arith.constant 1 : i32
    %swap3A_336 = arith.index_cast %swap3A_335 : i32 to index
    %swap3A_337 = arith.constant 112 : index
    %swap3A_338 = tpu.vector_load %arg7[%swap3A_336, %swap3A_337] {strides = array<i32>} : memref<2x128xi32, #tpu.memory_space<vmem>>, vector<1x16xi32>,
    %swap3A_339 = vector.shape_cast %swap3A_338 : vector<1x16xi32> to vector<16xi32>
    %swap3A_340 = vector.shape_cast %add3A_334 : vector<16xi32> to vector<1x16xi32>
    tpu.vector_store %arg7[%swap3A_336, %swap3A_337], %swap3A_340 {strides = array<i32>} : memref<2x128xi32, #tpu.memory_space<vmem>>, vector<1x16xi32>,
    %barrier3A = arith.constant 0 : index
    tpu.barrier barrier_id(%barrier3A)
    %run_scoped3A = arith.constant 0 : i32
    "tpu.region"() ({
      %run_scoped3A_347 = tpu.sem_alloc : memref<!tpu.dma_semaphore, #tpu.memory_space<semaphore_mem>>
      %dma_start3A = arith.constant 0 : i32
      %dma_start3A_348 = tpu.memref_slice %arg7[%run_scoped3A, %dma_start3A] : memref<2x128xi32, #tpu.memory_space<vmem>> -> memref<1x128xi32, #tpu.memory_space<vmem>>
      %dma_start3A_349 = tpu.memref_squeeze %dma_start3A_348 : memref<1x128xi32, #tpu.memory_space<vmem>> -> memref<128xi32, #tpu.memory_space<vmem>>
      %dma_start3A_350 = arith.constant 0 : i32
      %dma_start3A_351 = tpu.memref_slice %arg10[%dma_start3A_350] : memref<262144xf32, #tpu.memory_space<vmem_shared>> -> memref<262144xf32, #tpu.memory_space<vmem_shared>>
      tpu.enqueue_indirect_dma source(%arg8 : memref<128xf32, #tpu.memory_space<vmem>>) target(%dma_start3A_351 : memref<262144xf32, #tpu.memory_space<vmem_shared>>) offsets(%dma_start3A_349 : memref<128xi32, #tpu.memory_space<vmem>>) semaphore(%run_scoped3A_347 : memref<!tpu.dma_semaphore, #tpu.memory_space<semaphore_mem>>) {add = true}
      %dma_wait3A = arith.constant 0 : i32
      %dma_wait3A_352 = tpu.memref_slice %arg7[%run_scoped3A, %dma_wait3A] : memref<2x128xi32, #tpu.memory_space<vmem>> -> memref<1x128xi32, #tpu.memory_space<vmem>>
      %dma_wait3A_353 = tpu.memref_squeeze %dma_wait3A_352 : memref<1x128xi32, #tpu.memory_space<vmem>> -> memref<128xi32, #tpu.memory_space<vmem>>
      %dma_wait3A_354 = arith.constant 0 : i32
      %dma_wait3A_355 = tpu.memref_slice %arg10[%dma_wait3A_354] : memref<262144xf32, #tpu.memory_space<vmem_shared>> -> memref<262144xf32, #tpu.memory_space<vmem_shared>>
      tpu.wait_indirect_dma semaphore(%run_scoped3A_347 : memref<!tpu.dma_semaphore, #tpu.memory_space<semaphore_mem>>) src(%arg8 : memref<128xf32, #tpu.memory_space<vmem>>) dst(%dma_wait3A_355 : memref<262144xf32, #tpu.memory_space<vmem_shared>>)
      tpu.yield
    }) : () -> ()
    %run_scoped3A_341 = arith.constant 1 : i32
    "tpu.region"() ({
      %run_scoped3A_347 = tpu.sem_alloc : memref<!tpu.dma_semaphore, #tpu.memory_space<semaphore_mem>>
      %dma_start3A = arith.constant 0 : i32
      %dma_start3A_348 = tpu.memref_slice %arg7[%run_scoped3A_341, %dma_start3A] : memref<2x128xi32, #tpu.memory_space<vmem>> -> memref<1x128xi32, #tpu.memory_space<vmem>>
      %dma_start3A_349 = tpu.memref_squeeze %dma_start3A_348 : memref<1x128xi32, #tpu.memory_space<vmem>> -> memref<128xi32, #tpu.memory_space<vmem>>
      %dma_start3A_350 = arith.constant 0 : i32
      %dma_start3A_351 = tpu.memref_slice %arg10[%dma_start3A_350] : memref<262144xf32, #tpu.memory_space<vmem_shared>> -> memref<262144xf32, #tpu.memory_space<vmem_shared>>
      tpu.enqueue_indirect_dma source(%arg8 : memref<128xf32, #tpu.memory_space<vmem>>) target(%dma_start3A_351 : memref<262144xf32, #tpu.memory_space<vmem_shared>>) offsets(%dma_start3A_349 : memref<128xi32, #tpu.memory_space<vmem>>) semaphore(%run_scoped3A_347 : memref<!tpu.dma_semaphore, #tpu.memory_space<semaphore_mem>>) {add = true}
      %dma_wait3A = arith.constant 0 : i32
      %dma_wait3A_352 = tpu.memref_slice %arg7[%run_scoped3A_341, %dma_wait3A] : memref<2x128xi32, #tpu.memory_space<vmem>> -> memref<1x128xi32, #tpu.memory_space<vmem>>
      %dma_wait3A_353 = tpu.memref_squeeze %dma_wait3A_352 : memref<1x128xi32, #tpu.memory_space<vmem>> -> memref<128xi32, #tpu.memory_space<vmem>>
      %dma_wait3A_354 = arith.constant 0 : i32
      %dma_wait3A_355 = tpu.memref_slice %arg10[%dma_wait3A_354] : memref<262144xf32, #tpu.memory_space<vmem_shared>> -> memref<262144xf32, #tpu.memory_space<vmem_shared>>
      tpu.wait_indirect_dma semaphore(%run_scoped3A_347 : memref<!tpu.dma_semaphore, #tpu.memory_space<semaphore_mem>>) src(%arg8 : memref<128xf32, #tpu.memory_space<vmem>>) dst(%dma_wait3A_355 : memref<262144xf32, #tpu.memory_space<vmem_shared>>)
      tpu.yield
    }) : () -> ()
    %barrier3A_342 = arith.constant 0 : index
    tpu.barrier barrier_id(%barrier3A_342)
    %mul3A_343 = arith.constant 16384 : i32
    %mul3A_344 = arith.muli %arg1, %mul3A_343 : i32
    %mul3A_345 = arith.constant 16384 : i32
    %mul3A_346 = arith.muli %arg1, %mul3A_345 : i32
    "tpu.region"() ({
      %run_scoped3A_347 = tpu.sem_alloc : memref<!tpu.dma_semaphore, #tpu.memory_space<semaphore_mem>>
      %dma_start3A = tpu.memref_slice %arg4[%arg0, %mul3A_346] : memref<2x262144xf32, #tpu.memory_space<hbm>> -> memref<1x16384xf32, #tpu.memory_space<hbm>>
      %dma_start3A_348 = tpu.memref_squeeze %dma_start3A : memref<1x16384xf32, #tpu.memory_space<hbm>> -> memref<16384xf32, #tpu.memory_space<hbm>>
      %dma_start3A_349 = tpu.memref_slice %arg10[%mul3A_344] : memref<262144xf32, #tpu.memory_space<vmem_shared>> -> memref<16384xf32, #tpu.memory_space<vmem_shared>>
      tpu.enqueue_dma source(%dma_start3A_349 : memref<16384xf32, #tpu.memory_space<vmem_shared>>) target(%dma_start3A_348 : memref<16384xf32, #tpu.memory_space<hbm>>) target_semaphore(%run_scoped3A_347 : memref<!tpu.dma_semaphore, #tpu.memory_space<semaphore_mem>>)
      %dma_wait3A = tpu.memref_slice %arg4[%arg0, %mul3A_346] : memref<2x262144xf32, #tpu.memory_space<hbm>> -> memref<1x16384xf32, #tpu.memory_space<hbm>>
      %dma_wait3A_350 = tpu.memref_squeeze %dma_wait3A : memref<1x16384xf32, #tpu.memory_space<hbm>> -> memref<16384xf32, #tpu.memory_space<hbm>>
      %dma_wait3A_351 = tpu.memref_slice %arg10[%mul3A_344] : memref<262144xf32, #tpu.memory_space<vmem_shared>> -> memref<16384xf32, #tpu.memory_space<vmem_shared>>
      tpu.wait_dma2 semaphore(%run_scoped3A_347 : memref<!tpu.dma_semaphore, #tpu.memory_space<semaphore_mem>>) src(%dma_wait3A_351 : memref<16384xf32, #tpu.memory_space<vmem_shared>>) dst(%dma_wait3A_350 : memref<16384xf32, #tpu.memory_space<hbm>>)
      tpu.yield
    }) : () -> ()
    return
  }
}

module attributes {stable_mosaic.version = 14 : i64} {
  func.func @_pairs_body(%arg0: i32, %arg1: memref<32x256xf32, #tpu.memory_space<vmem>>, %arg2: memref<512x256xf32, #tpu.memory_space<vmem>>, %arg3: memref<256x128xf32, #tpu.memory_space<vmem>>, %arg4: memref<128xf32, #tpu.memory_space<vmem>>, %arg5: memref<128xf32, #tpu.memory_space<vmem>>, %arg6: memref<1xf32, #tpu.memory_space<vmem>>, %arg7: memref<32x512xf32, #tpu.memory_space<vmem>>) attributes {dimension_semantics = [#tpu.dimension_semantics<arbitrary>], iteration_bounds = array<i64: 16>, scalar_prefetch = 0 : i64, scratch_operands = 0 : i64, tpu.core_type = #tpu.core_type<tc>, window_params = [{transform_indices = @transform_0, window_bounds = array<i64: 32, 256>}, {pipeline_mode = #tpu.pipeline_mode<synchronous>, transform_indices = @transform_1, window_bounds = array<i64: 512, 256>}, {pipeline_mode = #tpu.pipeline_mode<synchronous>, transform_indices = @transform_2, window_bounds = array<i64: 256, 128>}, {pipeline_mode = #tpu.pipeline_mode<synchronous>, transform_indices = @transform_3, window_bounds = array<i64: 128>}, {pipeline_mode = #tpu.pipeline_mode<synchronous>, transform_indices = @transform_4, window_bounds = array<i64: 128>}, {pipeline_mode = #tpu.pipeline_mode<synchronous>, transform_indices = @transform_5, window_bounds = array<i64: 1>}, {transform_indices = @transform_6, window_bounds = array<i64: 32, 512>}]} {
    %get3A = arith.constant 0 : index
    %get3A_0 = arith.constant 0 : index
    %get3A_1 = vector.load %arg1[%get3A, %get3A_0] : memref<32x256xf32, #tpu.memory_space<vmem>>, vector<32x256xf32>
    %get3A_2 = arith.constant 0 : index
    %get3A_3 = arith.constant 0 : index
    %get3A_4 = vector.load %arg2[%get3A_2, %get3A_3] : memref<512x256xf32, #tpu.memory_space<vmem>>, vector<512x256xf32>
    %broadcast_in_dim3A = vector.shape_cast %get3A_1 : vector<32x256xf32> to vector<32x1x256xf32>
    %broadcast_in_dim3A_5 = vector.shape_cast %get3A_4 : vector<512x256xf32> to vector<1x512x256xf32>
    %add3A = vector.broadcast %broadcast_in_dim3A : vector<32x1x256xf32> to vector<32x512x256xf32>
    %add3A_6 = vector.broadcast %broadcast_in_dim3A_5 : vector<1x512x256xf32> to vector<32x512x256xf32>
    %add3A_7 = arith.addf %add3A, %add3A_6 : vector<32x512x256xf32>
    %max3A = arith.constant 0.000000e+00 : f32
    %max3A_8 = vector.broadcast %max3A : f32 to vector<32x512x256xf32>
    %max3A_9 = arith.maximumf %add3A_7, %max3A_8 : vector<32x512x256xf32>
    %reshape3A = vector.shape_cast %max3A_9 : vector<32x512x256xf32> to vector<16384x256xf32>
    %get3A_10 = arith.constant 0 : index
    %get3A_11 = arith.constant 0 : index
    %get3A_12 = vector.load %arg3[%get3A_10, %get3A_11] : memref<256x128xf32, #tpu.memory_space<vmem>>, vector<256x128xf32>
    %dot_general3A = arith.constant dense<0.000000e+00> : vector<16384x128xf32>
    %dot_general3A_13 = tpu.matmul %reshape3A, %get3A_12, %dot_general3A {dimension_numbers = #tpu.dot_dimension_numbers<[1], [0], [0], [1], [0, 0, 1, 1], [], []>, transpose_lhs_hint = false} : vector<16384x256xf32>, vector<256x128xf32>, vector<16384x128xf32> -> vector<16384x128xf32>
    %get3A_14 = arith.constant 0 : index
    %get3A_15 = vector.load %arg4[%get3A_14] : memref<128xf32, #tpu.memory_space<vmem>>, vector<128xf32>
    %broadcast_in_dim3A_16 = vector.shape_cast %get3A_15 : vector<128xf32> to vector<1x128xf32>
    %add3A_17 = vector.broadcast %broadcast_in_dim3A_16 : vector<1x128xf32> to vector<16384x128xf32>
    %add3A_18 = arith.addf %dot_general3A_13, %add3A_17 : vector<16384x128xf32>
    %max3A_19 = arith.constant 0.000000e+00 : f32
    %max3A_20 = vector.broadcast %max3A_19 : f32 to vector<16384x128xf32>
    %max3A_21 = arith.maximumf %add3A_18, %max3A_20 : vector<16384x128xf32>
    %get3A_22 = arith.constant 0 : index
    %get3A_23 = vector.load %arg5[%get3A_22] : memref<128xf32, #tpu.memory_space<vmem>>, vector<128xf32>
    %broadcast_in_dim3A_24 = vector.shape_cast %get3A_23 : vector<128xf32> to vector<1x128xf32>
    %mul3A = vector.broadcast %broadcast_in_dim3A_24 : vector<1x128xf32> to vector<16384x128xf32>
    %mul3A_25 = arith.mulf %max3A_21, %mul3A : vector<16384x128xf32>
    %reshape3A_26 = vector.shape_cast %mul3A_25 : vector<16384x128xf32> to vector<32x512x128xf32>
    %reduce_sum3A = arith.constant dense<0.000000e+00> : vector<32x512xf32>
    %reduce_sum3A_27 = vector.multi_reduction <add>, %reshape3A_26, %reduce_sum3A [2] : vector<32x512x128xf32> to vector<32x512xf32>
    %get3A_28 = arith.constant 0 : index
    %get3A_29 = vector.load %arg6[%get3A_28] : memref<1xf32, #tpu.memory_space<vmem>>, vector<1xf32>
    %get3A_30 = vector.extract %get3A_29[0] : f32 from vector<1xf32>
    %add3A_31 = vector.broadcast %get3A_30 : f32 to vector<32x512xf32>
    %add3A_32 = arith.addf %reduce_sum3A_27, %add3A_31 : vector<32x512xf32>
    %neg3A = arith.constant 0.000000e+00 : f32
    %neg3A_33 = vector.broadcast %neg3A : f32 to vector<32x512xf32>
    %neg3A_34 = arith.subf %neg3A_33, %add3A_32 : vector<32x512xf32>
    %exp3A = math.exp %neg3A_34 : vector<32x512xf32>
    %add3A_35 = arith.constant 1.000000e+00 : f32
    %add3A_36 = vector.broadcast %add3A_35 : f32 to vector<32x512xf32>
    %add3A_37 = arith.addf %add3A_36, %exp3A : vector<32x512xf32>
    %div3A = arith.constant 1.000000e+00 : f32
    %div3A_38 = vector.broadcast %div3A : f32 to vector<32x512xf32>
    %div3A_39 = arith.divf %div3A_38, %add3A_37 : vector<32x512xf32>
    %swap3A = arith.constant 0 : index
    %swap3A_40 = arith.constant 0 : index
    %swap3A_41 = vector.load %arg7[%swap3A, %swap3A_40] : memref<32x512xf32, #tpu.memory_space<vmem>>, vector<32x512xf32>
    tpu.vector_store %arg7[%swap3A, %swap3A_40], %div3A_39 {strides = array<i32>} : memref<32x512xf32, #tpu.memory_space<vmem>>, vector<32x512xf32>,
    return
  }
  func.func @transform_0(%arg0: i32) -> (i32, i32) {
    %c0_i32 = arith.constant 0 : i32
    %c0_i32_0 = arith.constant 0 : i32
    return %arg0, %c0_i32 : i32, i32
  }
  func.func @transform_1(%arg0: i32) -> (i32, i32) {
    %c0_i32 = arith.constant 0 : i32
    %c0_i32_0 = arith.constant 0 : i32
    %c0_i32_1 = arith.constant 0 : i32
    return %c0_i32, %c0_i32_0 : i32, i32
  }
  func.func @transform_2(%arg0: i32) -> (i32, i32) {
    %c0_i32 = arith.constant 0 : i32
    %c0_i32_0 = arith.constant 0 : i32
    %c0_i32_1 = arith.constant 0 : i32
    return %c0_i32, %c0_i32_0 : i32, i32
  }
  func.func @transform_3(%arg0: i32) -> i32 {
    %c0_i32 = arith.constant 0 : i32
    %c0_i32_0 = arith.constant 0 : i32
    return %c0_i32 : i32
  }
  func.func @transform_4(%arg0: i32) -> i32 {
    %c0_i32 = arith.constant 0 : i32
    %c0_i32_0 = arith.constant 0 : i32
    return %c0_i32 : i32
  }
  func.func @transform_5(%arg0: i32) -> i32 {
    %c0_i32 = arith.constant 0 : i32
    %c0_i32_0 = arith.constant 0 : i32
    return %c0_i32 : i32
  }
  func.func @transform_6(%arg0: i32) -> (i32, i32) {
    %c0_i32 = arith.constant 0 : i32
    %c0_i32_0 = arith.constant 0 : i32
    return %arg0, %c0_i32 : i32, i32
  }
}

module attributes {stable_mosaic.version = 14 : i64} {
  func.func @_gnn_body(%arg0: memref<512x5xf32, #tpu.memory_space<vmem>>, %arg1: memref<512x2xf32, #tpu.memory_space<vmem>>, %arg2: memref<512x512xf32, #tpu.memory_space<vmem>>, %arg3: memref<512x512xf32, #tpu.memory_space<vmem>>, %arg4: memref<5x256xf32, #tpu.memory_space<vmem>>, %arg5: memref<256xf32, #tpu.memory_space<vmem>>, %arg6: memref<256xf32, #tpu.memory_space<vmem>>, %arg7: memref<256xf32, #tpu.memory_space<vmem>>, %arg8: memref<256x256xf32, #tpu.memory_space<vmem>>, %arg9: memref<256xf32, #tpu.memory_space<vmem>>, %arg10: memref<256xf32, #tpu.memory_space<vmem>>, %arg11: memref<256xf32, #tpu.memory_space<vmem>>, %arg12: memref<256x256xf32, #tpu.memory_space<vmem>>, %arg13: memref<8x32xf32, #tpu.memory_space<vmem>>, %arg14: memref<8x32xf32, #tpu.memory_space<vmem>>, %arg15: memref<256xf32, #tpu.memory_space<vmem>>, %arg16: memref<256x256xf32, #tpu.memory_space<vmem>>, %arg17: memref<8x32xf32, #tpu.memory_space<vmem>>, %arg18: memref<8x32xf32, #tpu.memory_space<vmem>>, %arg19: memref<256xf32, #tpu.memory_space<vmem>>, %arg20: memref<256x256xf32, #tpu.memory_space<vmem>>, %arg21: memref<8x32xf32, #tpu.memory_space<vmem>>, %arg22: memref<8x32xf32, #tpu.memory_space<vmem>>, %arg23: memref<256xf32, #tpu.memory_space<vmem>>, %arg24: memref<256x256xf32, #tpu.memory_space<vmem>>, %arg25: memref<256xf32, #tpu.memory_space<vmem>>, %arg26: memref<256x256xf32, #tpu.memory_space<vmem>>, %arg27: memref<256xf32, #tpu.memory_space<vmem>>, %arg28: memref<256x256xf32, #tpu.memory_space<vmem>>, %arg29: memref<256xf32, #tpu.memory_space<vmem>>, %arg30: memref<256x256xf32, #tpu.memory_space<vmem>>, %arg31: memref<256xf32, #tpu.memory_space<vmem>>, %arg32: memref<256x256xf32, #tpu.memory_space<vmem>>, %arg33: memref<256xf32, #tpu.memory_space<vmem>>, %arg34: memref<256x256xf32, #tpu.memory_space<vmem>>, %arg35: memref<256xf32, #tpu.memory_space<vmem>>, %arg36: memref<256x256xf32, #tpu.memory_space<vmem>>, %arg37: memref<256xf32, #tpu.memory_space<vmem>>, %arg38: memref<256x256xf32, #tpu.memory_space<vmem>>, %arg39: memref<256xf32, #tpu.memory_space<vmem>>, %arg40: memref<256x256xf32, #tpu.memory_space<vmem>>, %arg41: memref<256xf32, #tpu.memory_space<vmem>>, %arg42: memref<256x256xf32, #tpu.memory_space<vmem>>, %arg43: memref<256xf32, #tpu.memory_space<vmem>>, %arg44: memref<256x256xf32, #tpu.memory_space<vmem>>, %arg45: memref<256xf32, #tpu.memory_space<vmem>>, %arg46: memref<256x256xf32, #tpu.memory_space<vmem>>, %arg47: memref<256xf32, #tpu.memory_space<vmem>>, %arg48: memref<514x256xf32, #tpu.memory_space<vmem>>, %arg49: memref<256xf32, #tpu.memory_space<vmem>>, %arg50: memref<256xf32, #tpu.memory_space<vmem>>, %arg51: memref<256xf32, #tpu.memory_space<vmem>>, %arg52: memref<258x256xf32, #tpu.memory_space<vmem>>, %arg53: memref<256xf32, #tpu.memory_space<vmem>>, %arg54: memref<256xf32, #tpu.memory_space<vmem>>, %arg55: memref<256xf32, #tpu.memory_space<vmem>>, %arg56: memref<256x128xf32, #tpu.memory_space<vmem>>, %arg57: memref<128xf32, #tpu.memory_space<vmem>>, %arg58: memref<128x2xf32, #tpu.memory_space<vmem>>, %arg59: memref<2xf32, #tpu.memory_space<vmem>>, %arg60: memref<256x128xf32, #tpu.memory_space<vmem>>, %arg61: memref<128xf32, #tpu.memory_space<vmem>>, %arg62: memref<128x5xf32, #tpu.memory_space<vmem>>, %arg63: memref<5xf32, #tpu.memory_space<vmem>>, %arg64: memref<512x256xf32, #tpu.memory_space<vmem>>, %arg65: memref<512x256xf32, #tpu.memory_space<vmem>>, %arg66: memref<512x256xf32, #tpu.memory_space<vmem>>, %arg67: memref<512x2xf32, #tpu.memory_space<vmem>>, %arg68: memref<512x5xf32, #tpu.memory_space<vmem>>) attributes {dimension_semantics = [], scalar_prefetch = 0 : i64, scratch_operands = 0 : i64, tpu.core_type = #tpu.core_type<tc>} {
    %get3A = arith.constant 0 : index
    %get3A_0 = arith.constant 0 : index
    %get3A_1 = vector.load %arg0[%get3A, %get3A_0] : memref<512x5xf32, #tpu.memory_space<vmem>>, vector<512x5xf32>
    %get3A_2 = arith.constant 0 : index
    %get3A_3 = arith.constant 0 : index
    %get3A_4 = vector.load %arg1[%get3A_2, %get3A_3] : memref<512x2xf32, #tpu.memory_space<vmem>>, vector<512x2xf32>
    %get3A_5 = arith.constant 0 : index
    %get3A_6 = arith.constant 0 : index
    %get3A_7 = vector.load %arg2[%get3A_5, %get3A_6] : memref<512x512xf32, #tpu.memory_space<vmem>>, vector<512x512xf32>
    %get3A_8 = arith.constant 0 : index
    %get3A_9 = arith.constant 0 : index
    %get3A_10 = vector.load %arg3[%get3A_8, %get3A_9] : memref<512x512xf32, #tpu.memory_space<vmem>>, vector<512x512xf32>
    %add3A = arith.addf %get3A_7, %get3A_10 : vector<512x512xf32>
    %iota3A = tpu.iota {dimensions = array<i32: 0>} : vector<512x512xi32>
    %iota3A_11 = tpu.iota {dimensions = array<i32: 1>} : vector<512x512xi32>
    %eq3A = arith.cmpi eq, %iota3A, %iota3A_11 : vector<512x512xi32>
    %convert_element_type3A = arith.extui %eq3A : vector<512x512xi1> to vector<512x512xi32>
    %convert_element_type3A_12 = arith.sitofp %convert_element_type3A : vector<512x512xi32> to vector<512x512xf32>
    %add3A_13 = arith.addf %add3A, %convert_element_type3A_12 : vector<512x512xf32>
    %gt3A = arith.constant 0.000000e+00 : f32
    %gt3A_14 = vector.broadcast %gt3A : f32 to vector<512x512xf32>
    %gt3A_15 = arith.cmpf ogt, %add3A_13, %gt3A_14 : vector<512x512xf32>
    %max3A = arith.constant 1.000000e+00 : f32
    %max3A_16 = vector.broadcast %max3A : f32 to vector<512x512xf32>
    %max3A_17 = arith.maximumf %add3A_13, %max3A_16 : vector<512x512xf32>
    %log3A = math.log %max3A_17 : vector<512x512xf32>
    %jit3A = arith.constant -1.000000e+30 : f32
    %broadcast_in_dim3A = vector.broadcast %jit3A : f32 to vector<512x512xf32>
    %select_n3A = arith.select %gt3A_15, %log3A, %broadcast_in_dim3A : vector<512x512xi1>, vector<512x512xf32>
    %gt3A_18 = arith.constant 0.000000e+00 : f32
    %gt3A_19 = vector.broadcast %gt3A_18 : f32 to vector<512x512xf32>
    %gt3A_20 = arith.cmpf ogt, %add3A, %gt3A_19 : vector<512x512xf32>
    %max3A_21 = arith.constant 1.000000e+00 : f32
    %max3A_22 = vector.broadcast %max3A_21 : f32 to vector<512x512xf32>
    %max3A_23 = arith.maximumf %add3A, %max3A_22 : vector<512x512xf32>
    %log3A_24 = math.log %max3A_23 : vector<512x512xf32>
    %jit3A_25 = arith.constant -1.000000e+30 : f32
    %broadcast_in_dim3A_26 = vector.broadcast %jit3A_25 : f32 to vector<512x512xf32>
    %select_n3A_27 = arith.select %gt3A_20, %log3A_24, %broadcast_in_dim3A_26 : vector<512x512xi1>, vector<512x512xf32>
    %get3A_28 = arith.constant 0 : index
    %get3A_29 = vector.load %arg6[%get3A_28] : memref<256xf32, #tpu.memory_space<vmem>>, vector<256xf32>
    %mul3A = arith.constant 0.999994993 : f32
    %mul3A_30 = vector.broadcast %mul3A : f32 to vector<256xf32>
    %mul3A_31 = arith.mulf %get3A_29, %mul3A_30 : vector<256xf32>
    %get3A_32 = arith.constant 0 : index
    %get3A_33 = arith.constant 0 : index
    %get3A_34 = vector.load %arg4[%get3A_32, %get3A_33] : memref<5x256xf32, #tpu.memory_space<vmem>>, vector<5x256xf32>
    %broadcast_in_dim3A_35 = vector.shape_cast %mul3A_31 : vector<256xf32> to vector<1x256xf32>
    %mul3A_36 = vector.broadcast %broadcast_in_dim3A_35 : vector<1x256xf32> to vector<5x256xf32>
    %mul3A_37 = arith.mulf %get3A_34, %mul3A_36 : vector<5x256xf32>
    %dot_general3A = arith.constant dense<0.000000e+00> : vector<512x256xf32>
    %dot_general3A_38 = tpu.matmul %get3A_1, %mul3A_37, %dot_general3A {dimension_numbers = #tpu.dot_dimension_numbers<[1], [0], [0], [1], [0, 0, 1, 1], [], []>, transpose_lhs_hint = false} : vector<512x5xf32>, vector<5x256xf32>, vector<512x256xf32> -> vector<512x256xf32>
    %get3A_39 = arith.constant 0 : index
    %get3A_40 = vector.load %arg5[%get3A_39] : memref<256xf32, #tpu.memory_space<vmem>>, vector<256xf32>
    %mul3A_41 = arith.mulf %get3A_40, %mul3A_31 : vector<256xf32>
    %get3A_42 = arith.constant 0 : index
    %get3A_43 = vector.load %arg7[%get3A_42] : memref<256xf32, #tpu.memory_space<vmem>>, vector<256xf32>
    %add3A_44 = arith.addf %mul3A_41, %get3A_43 : vector<256xf32>
    %broadcast_in_dim3A_45 = vector.shape_cast %add3A_44 : vector<256xf32> to vector<1x256xf32>
    %add3A_46 = vector.broadcast %broadcast_in_dim3A_45 : vector<1x256xf32> to vector<512x256xf32>
    %add3A_47 = arith.addf %dot_general3A_38, %add3A_46 : vector<512x256xf32>
    %max3A_48 = arith.constant 0.000000e+00 : f32
    %max3A_49 = vector.broadcast %max3A_48 : f32 to vector<512x256xf32>
    %max3A_50 = arith.maximumf %add3A_47, %max3A_49 : vector<512x256xf32>
    %get3A_51 = arith.constant 0 : index
    %get3A_52 = vector.load %arg10[%get3A_51] : memref<256xf32, #tpu.memory_space<vmem>>, vector<256xf32>
    %mul3A_53 = arith.constant 0.999994993 : f32
    %mul3A_54 = vector.broadcast %mul3A_53 : f32 to vector<256xf32>
    %mul3A_55 = arith.mulf %get3A_52, %mul3A_54 : vector<256xf32>
    %get3A_56 = arith.constant 0 : index
    %get3A_57 = arith.constant 0 : index
    %get3A_58 = vector.load %arg8[%get3A_56, %get3A_57] : memref<256x256xf32, #tpu.memory_space<vmem>>, vector<256x256xf32>
    %broadcast_in_dim3A_59 = vector.shape_cast %mul3A_55 : vector<256xf32> to vector<1x256xf32>
    %mul3A_60 = vector.broadcast %broadcast_in_dim3A_59 : vector<1x256xf32> to vector<256x256xf32>
    %mul3A_61 = arith.mulf %get3A_58, %mul3A_60 : vector<256x256xf32>
    %dot_general3A_62 = arith.constant dense<0.000000e+00> : vector<512x256xf32>
    %dot_general3A_63 = tpu.matmul %max3A_50, %mul3A_61, %dot_general3A_62 {dimension_numbers = #tpu.dot_dimension_numbers<[1], [0], [0], [1], [0, 0, 1, 1], [], []>, transpose_lhs_hint = false} : vector<512x256xf32>, vector<256x256xf32>, vector<512x256xf32> -> vector<512x256xf32>
    %get3A_64 = arith.constant 0 : index
    %get3A_65 = vector.load %arg9[%get3A_64] : memref<256xf32, #tpu.memory_space<vmem>>, vector<256xf32>
    %mul3A_66 = arith.mulf %get3A_65, %mul3A_55 : vector<256xf32>
    %get3A_67 = arith.constant 0 : index
    %get3A_68 = vector.load %arg11[%get3A_67] : memref<256xf32, #tpu.memory_space<vmem>>, vector<256xf32>
    %add3A_69 = arith.addf %mul3A_66, %get3A_68 : vector<256xf32>
    %broadcast_in_dim3A_70 = vector.shape_cast %add3A_69 : vector<256xf32> to vector<1x256xf32>
    %add3A_71 = vector.broadcast %broadcast_in_dim3A_70 : vector<1x256xf32> to vector<512x256xf32>
    %add3A_72 = arith.addf %dot_general3A_63, %add3A_71 : vector<512x256xf32>
    %max3A_73 = arith.constant 0.000000e+00 : f32
    %max3A_74 = vector.broadcast %max3A_73 : f32 to vector<512x256xf32>
    %max3A_75 = arith.maximumf %add3A_72, %max3A_74 : vector<512x256xf32>
    %get3A_76 = arith.constant 0 : index
    %get3A_77 = arith.constant 0 : index
    %get3A_78 = vector.load %arg12[%get3A_76, %get3A_77] : memref<256x256xf32, #tpu.memory_space<vmem>>, vector<256x256xf32>
    %dot_general3A_79 = arith.constant dense<0.000000e+00> : vector<512x256xf32>
    %dot_general3A_80 = tpu.matmul %max3A_75, %get3A_78, %dot_general3A_79 {dimension_numbers = #tpu.dot_dimension_numbers<[1], [0], [0], [1], [0, 0, 1, 1], [], []>, transpose_lhs_hint = false} : vector<512x256xf32>, vector<256x256xf32>, vector<512x256xf32> -> vector<512x256xf32>
    %get3A_81 = arith.constant 0 : index
    %get3A_82 = arith.constant 0 : index
    %get3A_83 = vector.load %arg13[%get3A_81, %get3A_82] : memref<8x32xf32, #tpu.memory_space<vmem>>, vector<8x32xf32>
    %get3A_84 = arith.constant 0 : index
    %get3A_85 = arith.constant 0 : index
    %get3A_86 = vector.load %arg14[%get3A_84, %get3A_85] : memref<8x32xf32, #tpu.memory_space<vmem>>, vector<8x32xf32>
    %slice3A = vector.extract_strided_slice %dot_general3A_80 {offsets = [0, 0], sizes = [512, 32], strides = [1, 1]} : vector<512x256xf32> to vector<512x32xf32>
    %slice3A_87 = vector.extract_strided_slice %get3A_83 {offsets = [0, 0], sizes = [1, 32], strides = [1, 1]} : vector<8x32xf32> to vector<1x32xf32>
    %squeeze3A = vector.shape_cast %slice3A_87 : vector<1x32xf32> to vector<32xf32>
    %reshape3A = vector.shape_cast %squeeze3A : vector<32xf32> to vector<1x32xf32>
    %slice3A_88 = vector.extract_strided_slice %get3A_86 {offsets = [0, 0], sizes = [1, 32], strides = [1, 1]} : vector<8x32xf32> to vector<1x32xf32>
    %squeeze3A_89 = vector.shape_cast %slice3A_88 : vector<1x32xf32> to vector<32xf32>
    %reshape3A_90 = vector.shape_cast %squeeze3A_89 : vector<32xf32> to vector<32x1xf32>
    %dot_general3A_91 = arith.constant dense<0.000000e+00> : vector<1x512xf32>
    %dot_general3A_92 = tpu.matmul %reshape3A, %slice3A, %dot_general3A_91 {dimension_numbers = #tpu.dot_dimension_numbers<[1], [1], [0], [0], [0, 0, 1, 0], [], []>, transpose_lhs_hint = false} : vector<1x32xf32>, vector<512x32xf32>, vector<1x512xf32> -> vector<1x512xf32>
    %dot_general3A_93 = arith.constant dense<0.000000e+00> : vector<512x1xf32>
    %dot_general3A_94 = tpu.matmul %slice3A, %reshape3A_90, %dot_general3A_93 {dimension_numbers = #tpu.dot_dimension_numbers<[1], [0], [0], [1], [0, 0, 1, 1], [], []>, transpose_lhs_hint = false} : vector<512x32xf32>, vector<32x1xf32>, vector<512x1xf32> -> vector<512x1xf32>
    %add3A_95 = vector.broadcast %dot_general3A_94 : vector<512x1xf32> to vector<512x512xf32>
    %add3A_96 = vector.broadcast %dot_general3A_92 : vector<1x512xf32> to vector<512x512xf32>
    %add3A_97 = arith.addf %add3A_95, %add3A_96 : vector<512x512xf32>
    %ge3A = arith.constant 0.000000e+00 : f32
    %ge3A_98 = vector.broadcast %ge3A : f32 to vector<512x512xf32>
    %ge3A_99 = arith.cmpf oge, %add3A_97, %ge3A_98 : vector<512x512xf32>
    %mul3A_100 = arith.constant 2.000000e-01 : f32
    %mul3A_101 = vector.broadcast %mul3A_100 : f32 to vector<512x512xf32>
    %mul3A_102 = arith.mulf %mul3A_101, %add3A_97 : vector<512x512xf32>
    %select_n3A_103 = arith.select %ge3A_99, %add3A_97, %mul3A_102 : vector<512x512xi1>, vector<512x512xf32>
    %add3A_104 = arith.addf %select_n3A_103, %select_n3A : vector<512x512xf32>
    %exp3A = math.exp %add3A_104 : vector<512x512xf32>
    %broadcast_in_dim3A_105 = arith.constant 1.000000e+00 : f32
    %broadcast_in_dim3A_106 = vector.broadcast %broadcast_in_dim3A_105 : f32 to vector<512x1xf32>
    %concatenate3A = tpu.concatenate %slice3A, %broadcast_in_dim3A_106 in 1 : vector<512x32xf32>, vector<512x1xf32> -> vector<512x33xf32>
    %dot_general3A_107 = arith.constant dense<0.000000e+00> : vector<512x33xf32>
    %dot_general3A_108 = tpu.matmul %exp3A, %concatenate3A, %dot_general3A_107 {dimension_numbers = #tpu.dot_dimension_numbers<[1], [0], [0], [1], [0, 0, 1, 1], [], []>, transpose_lhs_hint = false} : vector<512x512xf32>, vector<512x33xf32>, vector<512x33xf32> -> vector<512x33xf32>
    %slice3A_109 = vector.extract_strided_slice %dot_general3A_108 {offsets = [0, 0], sizes = [512, 32], strides = [1, 1]} : vector<512x33xf32> to vector<512x32xf32>
    %slice3A_110 = vector.extract_strided_slice %dot_general3A_108 {offsets = [0, 32], sizes = [512, 1], strides = [1, 1]} : vector<512x33xf32> to vector<512x1xf32>
    %add3A_111 = arith.constant 1.000000e-16 : f32
    %add3A_112 = vector.broadcast %add3A_111 : f32 to vector<512x1xf32>
    %add3A_113 = arith.addf %slice3A_110, %add3A_112 : vector<512x1xf32>
    %div3A = vector.broadcast %add3A_113 : vector<512x1xf32> to vector<512x32xf32>
    %div3A_114 = arith.divf %slice3A_109, %div3A : vector<512x32xf32>
    %slice3A_115 = vector.extract_strided_slice %dot_general3A_80 {offsets = [0, 32], sizes = [512, 32], strides = [1, 1]} : vector<512x256xf32> to vector<512x32xf32>
    %slice3A_116 = vector.extract_strided_slice %get3A_83 {offsets = [1, 0], sizes = [1, 32], strides = [1, 1]} : vector<8x32xf32> to vector<1x32xf32>
    %squeeze3A_117 = vector.shape_cast %slice3A_116 : vector<1x32xf32> to vector<32xf32>
    %reshape3A_118 = vector.shape_cast %squeeze3A_117 : vector<32xf32> to vector<1x32xf32>
    %slice3A_119 = vector.extract_strided_slice %get3A_86 {offsets = [1, 0], sizes = [1, 32], strides = [1, 1]} : vector<8x32xf32> to vector<1x32xf32>
    %squeeze3A_120 = vector.shape_cast %slice3A_119 : vector<1x32xf32> to vector<32xf32>
    %reshape3A_121 = vector.shape_cast %squeeze3A_120 : vector<32xf32> to vector<32x1xf32>
    %dot_general3A_122 = arith.constant dense<0.000000e+00> : vector<1x512xf32>
    %dot_general3A_123 = tpu.matmul %reshape3A_118, %slice3A_115, %dot_general3A_122 {dimension_numbers = #tpu.dot_dimension_numbers<[1], [1], [0], [0], [0, 0, 1, 0], [], []>, transpose_lhs_hint = false} : vector<1x32xf32>, vector<512x32xf32>, vector<1x512xf32> -> vector<1x512xf32>
    %dot_general3A_124 = arith.constant dense<0.000000e+00> : vector<512x1xf32>
    %dot_general3A_125 = tpu.matmul %slice3A_115, %reshape3A_121, %dot_general3A_124 {dimension_numbers = #tpu.dot_dimension_numbers<[1], [0], [0], [1], [0, 0, 1, 1], [], []>, transpose_lhs_hint = false} : vector<512x32xf32>, vector<32x1xf32>, vector<512x1xf32> -> vector<512x1xf32>
    %add3A_126 = vector.broadcast %dot_general3A_125 : vector<512x1xf32> to vector<512x512xf32>
    %add3A_127 = vector.broadcast %dot_general3A_123 : vector<1x512xf32> to vector<512x512xf32>
    %add3A_128 = arith.addf %add3A_126, %add3A_127 : vector<512x512xf32>
    %ge3A_129 = arith.constant 0.000000e+00 : f32
    %ge3A_130 = vector.broadcast %ge3A_129 : f32 to vector<512x512xf32>
    %ge3A_131 = arith.cmpf oge, %add3A_128, %ge3A_130 : vector<512x512xf32>
    %mul3A_132 = arith.constant 2.000000e-01 : f32
    %mul3A_133 = vector.broadcast %mul3A_132 : f32 to vector<512x512xf32>
    %mul3A_134 = arith.mulf %mul3A_133, %add3A_128 : vector<512x512xf32>
    %select_n3A_135 = arith.select %ge3A_131, %add3A_128, %mul3A_134 : vector<512x512xi1>, vector<512x512xf32>
    %add3A_136 = arith.addf %select_n3A_135, %select_n3A : vector<512x512xf32>
    %exp3A_137 = math.exp %add3A_136 : vector<512x512xf32>
    %broadcast_in_dim3A_138 = arith.constant 1.000000e+00 : f32
    %broadcast_in_dim3A_139 = vector.broadcast %broadcast_in_dim3A_138 : f32 to vector<512x1xf32>
    %concatenate3A_140 = tpu.concatenate %slice3A_115, %broadcast_in_dim3A_139 in 1 : vector<512x32xf32>, vector<512x1xf32> -> vector<512x33xf32>
    %dot_general3A_141 = arith.constant dense<0.000000e+00> : vector<512x33xf32>
    %dot_general3A_142 = tpu.matmul %exp3A_137, %concatenate3A_140, %dot_general3A_141 {dimension_numbers = #tpu.dot_dimension_numbers<[1], [0], [0], [1], [0, 0, 1, 1], [], []>, transpose_lhs_hint = false} : vector<512x512xf32>, vector<512x33xf32>, vector<512x33xf32> -> vector<512x33xf32>
    %slice3A_143 = vector.extract_strided_slice %dot_general3A_142 {offsets = [0, 0], sizes = [512, 32], strides = [1, 1]} : vector<512x33xf32> to vector<512x32xf32>
    %slice3A_144 = vector.extract_strided_slice %dot_general3A_142 {offsets = [0, 32], sizes = [512, 1], strides = [1, 1]} : vector<512x33xf32> to vector<512x1xf32>
    %add3A_145 = arith.constant 1.000000e-16 : f32
    %add3A_146 = vector.broadcast %add3A_145 : f32 to vector<512x1xf32>
    %add3A_147 = arith.addf %slice3A_144, %add3A_146 : vector<512x1xf32>
    %div3A_148 = vector.broadcast %add3A_147 : vector<512x1xf32> to vector<512x32xf32>
    %div3A_149 = arith.divf %slice3A_143, %div3A_148 : vector<512x32xf32>
    %slice3A_150 = vector.extract_strided_slice %dot_general3A_80 {offsets = [0, 64], sizes = [512, 32], strides = [1, 1]} : vector<512x256xf32> to vector<512x32xf32>
    %slice3A_151 = vector.extract_strided_slice %get3A_83 {offsets = [2, 0], sizes = [1, 32], strides = [1, 1]} : vector<8x32xf32> to vector<1x32xf32>
    %squeeze3A_152 = vector.shape_cast %slice3A_151 : vector<1x32xf32> to vector<32xf32>
    %reshape3A_153 = vector.shape_cast %squeeze3A_152 : vector<32xf32> to vector<1x32xf32>
    %slice3A_154 = vector.extract_strided_slice %get3A_86 {offsets = [2, 0], sizes = [1, 32], strides = [1, 1]} : vector<8x32xf32> to vector<1x32xf32>
    %squeeze3A_155 = vector.shape_cast %slice3A_154 : vector<1x32xf32> to vector<32xf32>
    %reshape3A_156 = vector.shape_cast %squeeze3A_155 : vector<32xf32> to vector<32x1xf32>
    %dot_general3A_157 = arith.constant dense<0.000000e+00> : vector<1x512xf32>
    %dot_general3A_158 = tpu.matmul %reshape3A_153, %slice3A_150, %dot_general3A_157 {dimension_numbers = #tpu.dot_dimension_numbers<[1], [1], [0], [0], [0, 0, 1, 0], [], []>, transpose_lhs_hint = false} : vector<1x32xf32>, vector<512x32xf32>, vector<1x512xf32> -> vector<1x512xf32>
    %dot_general3A_159 = arith.constant dense<0.000000e+00> : vector<512x1xf32>
    %dot_general3A_160 = tpu.matmul %slice3A_150, %reshape3A_156, %dot_general3A_159 {dimension_numbers = #tpu.dot_dimension_numbers<[1], [0], [0], [1], [0, 0, 1, 1], [], []>, transpose_lhs_hint = false} : vector<512x32xf32>, vector<32x1xf32>, vector<512x1xf32> -> vector<512x1xf32>
    %add3A_161 = vector.broadcast %dot_general3A_160 : vector<512x1xf32> to vector<512x512xf32>
    %add3A_162 = vector.broadcast %dot_general3A_158 : vector<1x512xf32> to vector<512x512xf32>
    %add3A_163 = arith.addf %add3A_161, %add3A_162 : vector<512x512xf32>
    %ge3A_164 = arith.constant 0.000000e+00 : f32
    %ge3A_165 = vector.broadcast %ge3A_164 : f32 to vector<512x512xf32>
    %ge3A_166 = arith.cmpf oge, %add3A_163, %ge3A_165 : vector<512x512xf32>
    %mul3A_167 = arith.constant 2.000000e-01 : f32
    %mul3A_168 = vector.broadcast %mul3A_167 : f32 to vector<512x512xf32>
    %mul3A_169 = arith.mulf %mul3A_168, %add3A_163 : vector<512x512xf32>
    %select_n3A_170 = arith.select %ge3A_166, %add3A_163, %mul3A_169 : vector<512x512xi1>, vector<512x512xf32>
    %add3A_171 = arith.addf %select_n3A_170, %select_n3A : vector<512x512xf32>
    %exp3A_172 = math.exp %add3A_171 : vector<512x512xf32>
    %broadcast_in_dim3A_173 = arith.constant 1.000000e+00 : f32
    %broadcast_in_dim3A_174 = vector.broadcast %broadcast_in_dim3A_173 : f32 to vector<512x1xf32>
    %concatenate3A_175 = tpu.concatenate %slice3A_150, %broadcast_in_dim3A_174 in 1 : vector<512x32xf32>, vector<512x1xf32> -> vector<512x33xf32>
    %dot_general3A_176 = arith.constant dense<0.000000e+00> : vector<512x33xf32>
    %dot_general3A_177 = tpu.matmul %exp3A_172, %concatenate3A_175, %dot_general3A_176 {dimension_numbers = #tpu.dot_dimension_numbers<[1], [0], [0], [1], [0, 0, 1, 1], [], []>, transpose_lhs_hint = false} : vector<512x512xf32>, vector<512x33xf32>, vector<512x33xf32> -> vector<512x33xf32>
    %slice3A_178 = vector.extract_strided_slice %dot_general3A_177 {offsets = [0, 0], sizes = [512, 32], strides = [1, 1]} : vector<512x33xf32> to vector<512x32xf32>
    %slice3A_179 = vector.extract_strided_slice %dot_general3A_177 {offsets = [0, 32], sizes = [512, 1], strides = [1, 1]} : vector<512x33xf32> to vector<512x1xf32>
    %add3A_180 = arith.constant 1.000000e-16 : f32
    %add3A_181 = vector.broadcast %add3A_180 : f32 to vector<512x1xf32>
    %add3A_182 = arith.addf %slice3A_179, %add3A_181 : vector<512x1xf32>
    %div3A_183 = vector.broadcast %add3A_182 : vector<512x1xf32> to vector<512x32xf32>
    %div3A_184 = arith.divf %slice3A_178, %div3A_183 : vector<512x32xf32>
    %slice3A_185 = vector.extract_strided_slice %dot_general3A_80 {offsets = [0, 96], sizes = [512, 32], strides = [1, 1]} : vector<512x256xf32> to vector<512x32xf32>
    %slice3A_186 = vector.extract_strided_slice %get3A_83 {offsets = [3, 0], sizes = [1, 32], strides = [1, 1]} : vector<8x32xf32> to vector<1x32xf32>
    %squeeze3A_187 = vector.shape_cast %slice3A_186 : vector<1x32xf32> to vector<32xf32>
    %reshape3A_188 = vector.shape_cast %squeeze3A_187 : vector<32xf32> to vector<1x32xf32>
    %slice3A_189 = vector.extract_strided_slice %get3A_86 {offsets = [3, 0], sizes = [1, 32], strides = [1, 1]} : vector<8x32xf32> to vector<1x32xf32>
    %squeeze3A_190 = vector.shape_cast %slice3A_189 : vector<1x32xf32> to vector<32xf32>
    %reshape3A_191 = vector.shape_cast %squeeze3A_190 : vector<32xf32> to vector<32x1xf32>
    %dot_general3A_192 = arith.constant dense<0.000000e+00> : vector<1x512xf32>
    %dot_general3A_193 = tpu.matmul %reshape3A_188, %slice3A_185, %dot_general3A_192 {dimension_numbers = #tpu.dot_dimension_numbers<[1], [1], [0], [0], [0, 0, 1, 0], [], []>, transpose_lhs_hint = false} : vector<1x32xf32>, vector<512x32xf32>, vector<1x512xf32> -> vector<1x512xf32>
    %dot_general3A_194 = arith.constant dense<0.000000e+00> : vector<512x1xf32>
    %dot_general3A_195 = tpu.matmul %slice3A_185, %reshape3A_191, %dot_general3A_194 {dimension_numbers = #tpu.dot_dimension_numbers<[1], [0], [0], [1], [0, 0, 1, 1], [], []>, transpose_lhs_hint = false} : vector<512x32xf32>, vector<32x1xf32>, vector<512x1xf32> -> vector<512x1xf32>
    %add3A_196 = vector.broadcast %dot_general3A_195 : vector<512x1xf32> to vector<512x512xf32>
    %add3A_197 = vector.broadcast %dot_general3A_193 : vector<1x512xf32> to vector<512x512xf32>
    %add3A_198 = arith.addf %add3A_196, %add3A_197 : vector<512x512xf32>
    %ge3A_199 = arith.constant 0.000000e+00 : f32
    %ge3A_200 = vector.broadcast %ge3A_199 : f32 to vector<512x512xf32>
    %ge3A_201 = arith.cmpf oge, %add3A_198, %ge3A_200 : vector<512x512xf32>
    %mul3A_202 = arith.constant 2.000000e-01 : f32
    %mul3A_203 = vector.broadcast %mul3A_202 : f32 to vector<512x512xf32>
    %mul3A_204 = arith.mulf %mul3A_203, %add3A_198 : vector<512x512xf32>
    %select_n3A_205 = arith.select %ge3A_201, %add3A_198, %mul3A_204 : vector<512x512xi1>, vector<512x512xf32>
    %add3A_206 = arith.addf %select_n3A_205, %select_n3A : vector<512x512xf32>
    %exp3A_207 = math.exp %add3A_206 : vector<512x512xf32>
    %broadcast_in_dim3A_208 = arith.constant 1.000000e+00 : f32
    %broadcast_in_dim3A_209 = vector.broadcast %broadcast_in_dim3A_208 : f32 to vector<512x1xf32>
    %concatenate3A_210 = tpu.concatenate %slice3A_185, %broadcast_in_dim3A_209 in 1 : vector<512x32xf32>, vector<512x1xf32> -> vector<512x33xf32>
    %dot_general3A_211 = arith.constant dense<0.000000e+00> : vector<512x33xf32>
    %dot_general3A_212 = tpu.matmul %exp3A_207, %concatenate3A_210, %dot_general3A_211 {dimension_numbers = #tpu.dot_dimension_numbers<[1], [0], [0], [1], [0, 0, 1, 1], [], []>, transpose_lhs_hint = false} : vector<512x512xf32>, vector<512x33xf32>, vector<512x33xf32> -> vector<512x33xf32>
    %slice3A_213 = vector.extract_strided_slice %dot_general3A_212 {offsets = [0, 0], sizes = [512, 32], strides = [1, 1]} : vector<512x33xf32> to vector<512x32xf32>
    %slice3A_214 = vector.extract_strided_slice %dot_general3A_212 {offsets = [0, 32], sizes = [512, 1], strides = [1, 1]} : vector<512x33xf32> to vector<512x1xf32>
    %add3A_215 = arith.constant 1.000000e-16 : f32
    %add3A_216 = vector.broadcast %add3A_215 : f32 to vector<512x1xf32>
    %add3A_217 = arith.addf %slice3A_214, %add3A_216 : vector<512x1xf32>
    %div3A_218 = vector.broadcast %add3A_217 : vector<512x1xf32> to vector<512x32xf32>
    %div3A_219 = arith.divf %slice3A_213, %div3A_218 : vector<512x32xf32>
    %slice3A_220 = vector.extract_strided_slice %dot_general3A_80 {offsets = [0, 128], sizes = [512, 32], strides = [1, 1]} : vector<512x256xf32> to vector<512x32xf32>
    %slice3A_221 = vector.extract_strided_slice %get3A_83 {offsets = [4, 0], sizes = [1, 32], strides = [1, 1]} : vector<8x32xf32> to vector<1x32xf32>
    %squeeze3A_222 = vector.shape_cast %slice3A_221 : vector<1x32xf32> to vector<32xf32>
    %reshape3A_223 = vector.shape_cast %squeeze3A_222 : vector<32xf32> to vector<1x32xf32>
    %slice3A_224 = vector.extract_strided_slice %get3A_86 {offsets = [4, 0], sizes = [1, 32], strides = [1, 1]} : vector<8x32xf32> to vector<1x32xf32>
    %squeeze3A_225 = vector.shape_cast %slice3A_224 : vector<1x32xf32> to vector<32xf32>
    %reshape3A_226 = vector.shape_cast %squeeze3A_225 : vector<32xf32> to vector<32x1xf32>
    %dot_general3A_227 = arith.constant dense<0.000000e+00> : vector<1x512xf32>
    %dot_general3A_228 = tpu.matmul %reshape3A_223, %slice3A_220, %dot_general3A_227 {dimension_numbers = #tpu.dot_dimension_numbers<[1], [1], [0], [0], [0, 0, 1, 0], [], []>, transpose_lhs_hint = false} : vector<1x32xf32>, vector<512x32xf32>, vector<1x512xf32> -> vector<1x512xf32>
    %dot_general3A_229 = arith.constant dense<0.000000e+00> : vector<512x1xf32>
    %dot_general3A_230 = tpu.matmul %slice3A_220, %reshape3A_226, %dot_general3A_229 {dimension_numbers = #tpu.dot_dimension_numbers<[1], [0], [0], [1], [0, 0, 1, 1], [], []>, transpose_lhs_hint = false} : vector<512x32xf32>, vector<32x1xf32>, vector<512x1xf32> -> vector<512x1xf32>
    %add3A_231 = vector.broadcast %dot_general3A_230 : vector<512x1xf32> to vector<512x512xf32>
    %add3A_232 = vector.broadcast %dot_general3A_228 : vector<1x512xf32> to vector<512x512xf32>
    %add3A_233 = arith.addf %add3A_231, %add3A_232 : vector<512x512xf32>
    %ge3A_234 = arith.constant 0.000000e+00 : f32
    %ge3A_235 = vector.broadcast %ge3A_234 : f32 to vector<512x512xf32>
    %ge3A_236 = arith.cmpf oge, %add3A_233, %ge3A_235 : vector<512x512xf32>
    %mul3A_237 = arith.constant 2.000000e-01 : f32
    %mul3A_238 = vector.broadcast %mul3A_237 : f32 to vector<512x512xf32>
    %mul3A_239 = arith.mulf %mul3A_238, %add3A_233 : vector<512x512xf32>
    %select_n3A_240 = arith.select %ge3A_236, %add3A_233, %mul3A_239 : vector<512x512xi1>, vector<512x512xf32>
    %add3A_241 = arith.addf %select_n3A_240, %select_n3A : vector<512x512xf32>
    %exp3A_242 = math.exp %add3A_241 : vector<512x512xf32>
    %broadcast_in_dim3A_243 = arith.constant 1.000000e+00 : f32
    %broadcast_in_dim3A_244 = vector.broadcast %broadcast_in_dim3A_243 : f32 to vector<512x1xf32>
    %concatenate3A_245 = tpu.concatenate %slice3A_220, %broadcast_in_dim3A_244 in 1 : vector<512x32xf32>, vector<512x1xf32> -> vector<512x33xf32>
    %dot_general3A_246 = arith.constant dense<0.000000e+00> : vector<512x33xf32>
    %dot_general3A_247 = tpu.matmul %exp3A_242, %concatenate3A_245, %dot_general3A_246 {dimension_numbers = #tpu.dot_dimension_numbers<[1], [0], [0], [1], [0, 0, 1, 1], [], []>, transpose_lhs_hint = false} : vector<512x512xf32>, vector<512x33xf32>, vector<512x33xf32> -> vector<512x33xf32>
    %slice3A_248 = vector.extract_strided_slice %dot_general3A_247 {offsets = [0, 0], sizes = [512, 32], strides = [1, 1]} : vector<512x33xf32> to vector<512x32xf32>
    %slice3A_249 = vector.extract_strided_slice %dot_general3A_247 {offsets = [0, 32], sizes = [512, 1], strides = [1, 1]} : vector<512x33xf32> to vector<512x1xf32>
    %add3A_250 = arith.constant 1.000000e-16 : f32
    %add3A_251 = vector.broadcast %add3A_250 : f32 to vector<512x1xf32>
    %add3A_252 = arith.addf %slice3A_249, %add3A_251 : vector<512x1xf32>
    %div3A_253 = vector.broadcast %add3A_252 : vector<512x1xf32> to vector<512x32xf32>
    %div3A_254 = arith.divf %slice3A_248, %div3A_253 : vector<512x32xf32>
    %slice3A_255 = vector.extract_strided_slice %dot_general3A_80 {offsets = [0, 160], sizes = [512, 32], strides = [1, 1]} : vector<512x256xf32> to vector<512x32xf32>
    %slice3A_256 = vector.extract_strided_slice %get3A_83 {offsets = [5, 0], sizes = [1, 32], strides = [1, 1]} : vector<8x32xf32> to vector<1x32xf32>
    %squeeze3A_257 = vector.shape_cast %slice3A_256 : vector<1x32xf32> to vector<32xf32>
    %reshape3A_258 = vector.shape_cast %squeeze3A_257 : vector<32xf32> to vector<1x32xf32>
    %slice3A_259 = vector.extract_strided_slice %get3A_86 {offsets = [5, 0], sizes = [1, 32], strides = [1, 1]} : vector<8x32xf32> to vector<1x32xf32>
    %squeeze3A_260 = vector.shape_cast %slice3A_259 : vector<1x32xf32> to vector<32xf32>
    %reshape3A_261 = vector.shape_cast %squeeze3A_260 : vector<32xf32> to vector<32x1xf32>
    %dot_general3A_262 = arith.constant dense<0.000000e+00> : vector<1x512xf32>
    %dot_general3A_263 = tpu.matmul %reshape3A_258, %slice3A_255, %dot_general3A_262 {dimension_numbers = #tpu.dot_dimension_numbers<[1], [1], [0], [0], [0, 0, 1, 0], [], []>, transpose_lhs_hint = false} : vector<1x32xf32>, vector<512x32xf32>, vector<1x512xf32> -> vector<1x512xf32>
    %dot_general3A_264 = arith.constant dense<0.000000e+00> : vector<512x1xf32>
    %dot_general3A_265 = tpu.matmul %slice3A_255, %reshape3A_261, %dot_general3A_264 {dimension_numbers = #tpu.dot_dimension_numbers<[1], [0], [0], [1], [0, 0, 1, 1], [], []>, transpose_lhs_hint = false} : vector<512x32xf32>, vector<32x1xf32>, vector<512x1xf32> -> vector<512x1xf32>
    %add3A_266 = vector.broadcast %dot_general3A_265 : vector<512x1xf32> to vector<512x512xf32>
    %add3A_267 = vector.broadcast %dot_general3A_263 : vector<1x512xf32> to vector<512x512xf32>
    %add3A_268 = arith.addf %add3A_266, %add3A_267 : vector<512x512xf32>
    %ge3A_269 = arith.constant 0.000000e+00 : f32
    %ge3A_270 = vector.broadcast %ge3A_269 : f32 to vector<512x512xf32>
    %ge3A_271 = arith.cmpf oge, %add3A_268, %ge3A_270 : vector<512x512xf32>
    %mul3A_272 = arith.constant 2.000000e-01 : f32
    %mul3A_273 = vector.broadcast %mul3A_272 : f32 to vector<512x512xf32>
    %mul3A_274 = arith.mulf %mul3A_273, %add3A_268 : vector<512x512xf32>
    %select_n3A_275 = arith.select %ge3A_271, %add3A_268, %mul3A_274 : vector<512x512xi1>, vector<512x512xf32>
    %add3A_276 = arith.addf %select_n3A_275, %select_n3A : vector<512x512xf32>
    %exp3A_277 = math.exp %add3A_276 : vector<512x512xf32>
    %broadcast_in_dim3A_278 = arith.constant 1.000000e+00 : f32
    %broadcast_in_dim3A_279 = vector.broadcast %broadcast_in_dim3A_278 : f32 to vector<512x1xf32>
    %concatenate3A_280 = tpu.concatenate %slice3A_255, %broadcast_in_dim3A_279 in 1 : vector<512x32xf32>, vector<512x1xf32> -> vector<512x33xf32>
    %dot_general3A_281 = arith.constant dense<0.000000e+00> : vector<512x33xf32>
    %dot_general3A_282 = tpu.matmul %exp3A_277, %concatenate3A_280, %dot_general3A_281 {dimension_numbers = #tpu.dot_dimension_numbers<[1], [0], [0], [1], [0, 0, 1, 1], [], []>, transpose_lhs_hint = false} : vector<512x512xf32>, vector<512x33xf32>, vector<512x33xf32> -> vector<512x33xf32>
    %slice3A_283 = vector.extract_strided_slice %dot_general3A_282 {offsets = [0, 0], sizes = [512, 32], strides = [1, 1]} : vector<512x33xf32> to vector<512x32xf32>
    %slice3A_284 = vector.extract_strided_slice %dot_general3A_282 {offsets = [0, 32], sizes = [512, 1], strides = [1, 1]} : vector<512x33xf32> to vector<512x1xf32>
    %add3A_285 = arith.constant 1.000000e-16 : f32
    %add3A_286 = vector.broadcast %add3A_285 : f32 to vector<512x1xf32>
    %add3A_287 = arith.addf %slice3A_284, %add3A_286 : vector<512x1xf32>
    %div3A_288 = vector.broadcast %add3A_287 : vector<512x1xf32> to vector<512x32xf32>
    %div3A_289 = arith.divf %slice3A_283, %div3A_288 : vector<512x32xf32>
    %slice3A_290 = vector.extract_strided_slice %dot_general3A_80 {offsets = [0, 192], sizes = [512, 32], strides = [1, 1]} : vector<512x256xf32> to vector<512x32xf32>
    %slice3A_291 = vector.extract_strided_slice %get3A_83 {offsets = [6, 0], sizes = [1, 32], strides = [1, 1]} : vector<8x32xf32> to vector<1x32xf32>
    %squeeze3A_292 = vector.shape_cast %slice3A_291 : vector<1x32xf32> to vector<32xf32>
    %reshape3A_293 = vector.shape_cast %squeeze3A_292 : vector<32xf32> to vector<1x32xf32>
    %slice3A_294 = vector.extract_strided_slice %get3A_86 {offsets = [6, 0], sizes = [1, 32], strides = [1, 1]} : vector<8x32xf32> to vector<1x32xf32>
    %squeeze3A_295 = vector.shape_cast %slice3A_294 : vector<1x32xf32> to vector<32xf32>
    %reshape3A_296 = vector.shape_cast %squeeze3A_295 : vector<32xf32> to vector<32x1xf32>
    %dot_general3A_297 = arith.constant dense<0.000000e+00> : vector<1x512xf32>
    %dot_general3A_298 = tpu.matmul %reshape3A_293, %slice3A_290, %dot_general3A_297 {dimension_numbers = #tpu.dot_dimension_numbers<[1], [1], [0], [0], [0, 0, 1, 0], [], []>, transpose_lhs_hint = false} : vector<1x32xf32>, vector<512x32xf32>, vector<1x512xf32> -> vector<1x512xf32>
    %dot_general3A_299 = arith.constant dense<0.000000e+00> : vector<512x1xf32>
    %dot_general3A_300 = tpu.matmul %slice3A_290, %reshape3A_296, %dot_general3A_299 {dimension_numbers = #tpu.dot_dimension_numbers<[1], [0], [0], [1], [0, 0, 1, 1], [], []>, transpose_lhs_hint = false} : vector<512x32xf32>, vector<32x1xf32>, vector<512x1xf32> -> vector<512x1xf32>
    %add3A_301 = vector.broadcast %dot_general3A_300 : vector<512x1xf32> to vector<512x512xf32>
    %add3A_302 = vector.broadcast %dot_general3A_298 : vector<1x512xf32> to vector<512x512xf32>
    %add3A_303 = arith.addf %add3A_301, %add3A_302 : vector<512x512xf32>
    %ge3A_304 = arith.constant 0.000000e+00 : f32
    %ge3A_305 = vector.broadcast %ge3A_304 : f32 to vector<512x512xf32>
    %ge3A_306 = arith.cmpf oge, %add3A_303, %ge3A_305 : vector<512x512xf32>
    %mul3A_307 = arith.constant 2.000000e-01 : f32
    %mul3A_308 = vector.broadcast %mul3A_307 : f32 to vector<512x512xf32>
    %mul3A_309 = arith.mulf %mul3A_308, %add3A_303 : vector<512x512xf32>
    %select_n3A_310 = arith.select %ge3A_306, %add3A_303, %mul3A_309 : vector<512x512xi1>, vector<512x512xf32>
    %add3A_311 = arith.addf %select_n3A_310, %select_n3A : vector<512x512xf32>
    %exp3A_312 = math.exp %add3A_311 : vector<512x512xf32>
    %broadcast_in_dim3A_313 = arith.constant 1.000000e+00 : f32
    %broadcast_in_dim3A_314 = vector.broadcast %broadcast_in_dim3A_313 : f32 to vector<512x1xf32>
    %concatenate3A_315 = tpu.concatenate %slice3A_290, %broadcast_in_dim3A_314 in 1 : vector<512x32xf32>, vector<512x1xf32> -> vector<512x33xf32>
    %dot_general3A_316 = arith.constant dense<0.000000e+00> : vector<512x33xf32>
    %dot_general3A_317 = tpu.matmul %exp3A_312, %concatenate3A_315, %dot_general3A_316 {dimension_numbers = #tpu.dot_dimension_numbers<[1], [0], [0], [1], [0, 0, 1, 1], [], []>, transpose_lhs_hint = false} : vector<512x512xf32>, vector<512x33xf32>, vector<512x33xf32> -> vector<512x33xf32>
    %slice3A_318 = vector.extract_strided_slice %dot_general3A_317 {offsets = [0, 0], sizes = [512, 32], strides = [1, 1]} : vector<512x33xf32> to vector<512x32xf32>
    %slice3A_319 = vector.extract_strided_slice %dot_general3A_317 {offsets = [0, 32], sizes = [512, 1], strides = [1, 1]} : vector<512x33xf32> to vector<512x1xf32>
    %add3A_320 = arith.constant 1.000000e-16 : f32
    %add3A_321 = vector.broadcast %add3A_320 : f32 to vector<512x1xf32>
    %add3A_322 = arith.addf %slice3A_319, %add3A_321 : vector<512x1xf32>
    %div3A_323 = vector.broadcast %add3A_322 : vector<512x1xf32> to vector<512x32xf32>
    %div3A_324 = arith.divf %slice3A_318, %div3A_323 : vector<512x32xf32>
    %slice3A_325 = vector.extract_strided_slice %dot_general3A_80 {offsets = [0, 224], sizes = [512, 32], strides = [1, 1]} : vector<512x256xf32> to vector<512x32xf32>
    %slice3A_326 = vector.extract_strided_slice %get3A_83 {offsets = [7, 0], sizes = [1, 32], strides = [1, 1]} : vector<8x32xf32> to vector<1x32xf32>
    %squeeze3A_327 = vector.shape_cast %slice3A_326 : vector<1x32xf32> to vector<32xf32>
    %reshape3A_328 = vector.shape_cast %squeeze3A_327 : vector<32xf32> to vector<1x32xf32>
    %slice3A_329 = vector.extract_strided_slice %get3A_86 {offsets = [7, 0], sizes = [1, 32], strides = [1, 1]} : vector<8x32xf32> to vector<1x32xf32>
    %squeeze3A_330 = vector.shape_cast %slice3A_329 : vector<1x32xf32> to vector<32xf32>
    %reshape3A_331 = vector.shape_cast %squeeze3A_330 : vector<32xf32> to vector<32x1xf32>
    %dot_general3A_332 = arith.constant dense<0.000000e+00> : vector<1x512xf32>
    %dot_general3A_333 = tpu.matmul %reshape3A_328, %slice3A_325, %dot_general3A_332 {dimension_numbers = #tpu.dot_dimension_numbers<[1], [1], [0], [0], [0, 0, 1, 0], [], []>, transpose_lhs_hint = false} : vector<1x32xf32>, vector<512x32xf32>, vector<1x512xf32> -> vector<1x512xf32>
    %dot_general3A_334 = arith.constant dense<0.000000e+00> : vector<512x1xf32>
    %dot_general3A_335 = tpu.matmul %slice3A_325, %reshape3A_331, %dot_general3A_334 {dimension_numbers = #tpu.dot_dimension_numbers<[1], [0], [0], [1], [0, 0, 1, 1], [], []>, transpose_lhs_hint = false} : vector<512x32xf32>, vector<32x1xf32>, vector<512x1xf32> -> vector<512x1xf32>
    %add3A_336 = vector.broadcast %dot_general3A_335 : vector<512x1xf32> to vector<512x512xf32>
    %add3A_337 = vector.broadcast %dot_general3A_333 : vector<1x512xf32> to vector<512x512xf32>
    %add3A_338 = arith.addf %add3A_336, %add3A_337 : vector<512x512xf32>
    %ge3A_339 = arith.constant 0.000000e+00 : f32
    %ge3A_340 = vector.broadcast %ge3A_339 : f32 to vector<512x512xf32>
    %ge3A_341 = arith.cmpf oge, %add3A_338, %ge3A_340 : vector<512x512xf32>
    %mul3A_342 = arith.constant 2.000000e-01 : f32
    %mul3A_343 = vector.broadcast %mul3A_342 : f32 to vector<512x512xf32>
    %mul3A_344 = arith.mulf %mul3A_343, %add3A_338 : vector<512x512xf32>
    %select_n3A_345 = arith.select %ge3A_341, %add3A_338, %mul3A_344 : vector<512x512xi1>, vector<512x512xf32>
    %add3A_346 = arith.addf %select_n3A_345, %select_n3A : vector<512x512xf32>
    %exp3A_347 = math.exp %add3A_346 : vector<512x512xf32>
    %broadcast_in_dim3A_348 = arith.constant 1.000000e+00 : f32
    %broadcast_in_dim3A_349 = vector.broadcast %broadcast_in_dim3A_348 : f32 to vector<512x1xf32>
    %concatenate3A_350 = tpu.concatenate %slice3A_325, %broadcast_in_dim3A_349 in 1 : vector<512x32xf32>, vector<512x1xf32> -> vector<512x33xf32>
    %dot_general3A_351 = arith.constant dense<0.000000e+00> : vector<512x33xf32>
    %dot_general3A_352 = tpu.matmul %exp3A_347, %concatenate3A_350, %dot_general3A_351 {dimension_numbers = #tpu.dot_dimension_numbers<[1], [0], [0], [1], [0, 0, 1, 1], [], []>, transpose_lhs_hint = false} : vector<512x512xf32>, vector<512x33xf32>, vector<512x33xf32> -> vector<512x33xf32>
    %slice3A_353 = vector.extract_strided_slice %dot_general3A_352 {offsets = [0, 0], sizes = [512, 32], strides = [1, 1]} : vector<512x33xf32> to vector<512x32xf32>
    %slice3A_354 = vector.extract_strided_slice %dot_general3A_352 {offsets = [0, 32], sizes = [512, 1], strides = [1, 1]} : vector<512x33xf32> to vector<512x1xf32>
    %add3A_355 = arith.constant 1.000000e-16 : f32
    %add3A_356 = vector.broadcast %add3A_355 : f32 to vector<512x1xf32>
    %add3A_357 = arith.addf %slice3A_354, %add3A_356 : vector<512x1xf32>
    %div3A_358 = vector.broadcast %add3A_357 : vector<512x1xf32> to vector<512x32xf32>
    %div3A_359 = arith.divf %slice3A_353, %div3A_358 : vector<512x32xf32>
    %concatenate3A_360 = tpu.concatenate %div3A_114, %div3A_149, %div3A_184, %div3A_219, %div3A_254, %div3A_289, %div3A_324, %div3A_359 in 1 : vector<512x32xf32>, vector<512x32xf32>, vector<512x32xf32>, vector<512x32xf32>, vector<512x32xf32>, vector<512x32xf32>, vector<512x32xf32>, vector<512x32xf32> -> vector<512x256xf32>
    %get3A_361 = arith.constant 0 : index
    %get3A_362 = vector.load %arg15[%get3A_361] : memref<256xf32, #tpu.memory_space<vmem>>, vector<256xf32>
    %broadcast_in_dim3A_363 = vector.shape_cast %get3A_362 : vector<256xf32> to vector<1x256xf32>
    %add3A_364 = vector.broadcast %broadcast_in_dim3A_363 : vector<1x256xf32> to vector<512x256xf32>
    %add3A_365 = arith.addf %concatenate3A_360, %add3A_364 : vector<512x256xf32>
    %add3A_366 = arith.addf %max3A_75, %add3A_365 : vector<512x256xf32>
    %max3A_367 = arith.constant 0.000000e+00 : f32
    %max3A_368 = vector.broadcast %max3A_367 : f32 to vector<512x256xf32>
    %max3A_369 = arith.maximumf %add3A_366, %max3A_368 : vector<512x256xf32>
    %get3A_370 = arith.constant 0 : index
    %get3A_371 = arith.constant 0 : index
    %get3A_372 = vector.load %arg16[%get3A_370, %get3A_371] : memref<256x256xf32, #tpu.memory_space<vmem>>, vector<256x256xf32>
    %dot_general3A_373 = arith.constant dense<0.000000e+00> : vector<512x256xf32>
    %dot_general3A_374 = tpu.matmul %max3A_369, %get3A_372, %dot_general3A_373 {dimension_numbers = #tpu.dot_dimension_numbers<[1], [0], [0], [1], [0, 0, 1, 1], [], []>, transpose_lhs_hint = false} : vector<512x256xf32>, vector<256x256xf32>, vector<512x256xf32> -> vector<512x256xf32>
    %get3A_375 = arith.constant 0 : index
    %get3A_376 = arith.constant 0 : index
    %get3A_377 = vector.load %arg17[%get3A_375, %get3A_376] : memref<8x32xf32, #tpu.memory_space<vmem>>, vector<8x32xf32>
    %get3A_378 = arith.constant 0 : index
    %get3A_379 = arith.constant 0 : index
    %get3A_380 = vector.load %arg18[%get3A_378, %get3A_379] : memref<8x32xf32, #tpu.memory_space<vmem>>, vector<8x32xf32>
    %slice3A_381 = vector.extract_strided_slice %dot_general3A_374 {offsets = [0, 0], sizes = [512, 32], strides = [1, 1]} : vector<512x256xf32> to vector<512x32xf32>
    %slice3A_382 = vector.extract_strided_slice %get3A_377 {offsets = [0, 0], sizes = [1, 32], strides = [1, 1]} : vector<8x32xf32> to vector<1x32xf32>
    %squeeze3A_383 = vector.shape_cast %slice3A_382 : vector<1x32xf32> to vector<32xf32>
    %reshape3A_384 = vector.shape_cast %squeeze3A_383 : vector<32xf32> to vector<1x32xf32>
    %slice3A_385 = vector.extract_strided_slice %get3A_380 {offsets = [0, 0], sizes = [1, 32], strides = [1, 1]} : vector<8x32xf32> to vector<1x32xf32>
    %squeeze3A_386 = vector.shape_cast %slice3A_385 : vector<1x32xf32> to vector<32xf32>
    %reshape3A_387 = vector.shape_cast %squeeze3A_386 : vector<32xf32> to vector<32x1xf32>
    %dot_general3A_388 = arith.constant dense<0.000000e+00> : vector<1x512xf32>
    %dot_general3A_389 = tpu.matmul %reshape3A_384, %slice3A_381, %dot_general3A_388 {dimension_numbers = #tpu.dot_dimension_numbers<[1], [1], [0], [0], [0, 0, 1, 0], [], []>, transpose_lhs_hint = false} : vector<1x32xf32>, vector<512x32xf32>, vector<1x512xf32> -> vector<1x512xf32>
    %dot_general3A_390 = arith.constant dense<0.000000e+00> : vector<512x1xf32>
    %dot_general3A_391 = tpu.matmul %slice3A_381, %reshape3A_387, %dot_general3A_390 {dimension_numbers = #tpu.dot_dimension_numbers<[1], [0], [0], [1], [0, 0, 1, 1], [], []>, transpose_lhs_hint = false} : vector<512x32xf32>, vector<32x1xf32>, vector<512x1xf32> -> vector<512x1xf32>
    %add3A_392 = vector.broadcast %dot_general3A_391 : vector<512x1xf32> to vector<512x512xf32>
    %add3A_393 = vector.broadcast %dot_general3A_389 : vector<1x512xf32> to vector<512x512xf32>
    %add3A_394 = arith.addf %add3A_392, %add3A_393 : vector<512x512xf32>
    %ge3A_395 = arith.constant 0.000000e+00 : f32
    %ge3A_396 = vector.broadcast %ge3A_395 : f32 to vector<512x512xf32>
    %ge3A_397 = arith.cmpf oge, %add3A_394, %ge3A_396 : vector<512x512xf32>
    %mul3A_398 = arith.constant 2.000000e-01 : f32
    %mul3A_399 = vector.broadcast %mul3A_398 : f32 to vector<512x512xf32>
    %mul3A_400 = arith.mulf %mul3A_399, %add3A_394 : vector<512x512xf32>
    %select_n3A_401 = arith.select %ge3A_397, %add3A_394, %mul3A_400 : vector<512x512xi1>, vector<512x512xf32>
    %add3A_402 = arith.addf %select_n3A_401, %select_n3A : vector<512x512xf32>
    %exp3A_403 = math.exp %add3A_402 : vector<512x512xf32>
    %broadcast_in_dim3A_404 = arith.constant 1.000000e+00 : f32
    %broadcast_in_dim3A_405 = vector.broadcast %broadcast_in_dim3A_404 : f32 to vector<512x1xf32>
    %concatenate3A_406 = tpu.concatenate %slice3A_381, %broadcast_in_dim3A_405 in 1 : vector<512x32xf32>, vector<512x1xf32> -> vector<512x33xf32>
    %dot_general3A_407 = arith.constant dense<0.000000e+00> : vector<512x33xf32>
    %dot_general3A_408 = tpu.matmul %exp3A_403, %concatenate3A_406, %dot_general3A_407 {dimension_numbers = #tpu.dot_dimension_numbers<[1], [0], [0], [1], [0, 0, 1, 1], [], []>, transpose_lhs_hint = false} : vector<512x512xf32>, vector<512x33xf32>, vector<512x33xf32> -> vector<512x33xf32>
    %slice3A_409 = vector.extract_strided_slice %dot_general3A_408 {offsets = [0, 0], sizes = [512, 32], strides = [1, 1]} : vector<512x33xf32> to vector<512x32xf32>
    %slice3A_410 = vector.extract_strided_slice %dot_general3A_408 {offsets = [0, 32], sizes = [512, 1], strides = [1, 1]} : vector<512x33xf32> to vector<512x1xf32>
    %add3A_411 = arith.constant 1.000000e-16 : f32
    %add3A_412 = vector.broadcast %add3A_411 : f32 to vector<512x1xf32>
    %add3A_413 = arith.addf %slice3A_410, %add3A_412 : vector<512x1xf32>
    %div3A_414 = vector.broadcast %add3A_413 : vector<512x1xf32> to vector<512x32xf32>
    %div3A_415 = arith.divf %slice3A_409, %div3A_414 : vector<512x32xf32>
    %slice3A_416 = vector.extract_strided_slice %dot_general3A_374 {offsets = [0, 32], sizes = [512, 32], strides = [1, 1]} : vector<512x256xf32> to vector<512x32xf32>
    %slice3A_417 = vector.extract_strided_slice %get3A_377 {offsets = [1, 0], sizes = [1, 32], strides = [1, 1]} : vector<8x32xf32> to vector<1x32xf32>
    %squeeze3A_418 = vector.shape_cast %slice3A_417 : vector<1x32xf32> to vector<32xf32>
    %reshape3A_419 = vector.shape_cast %squeeze3A_418 : vector<32xf32> to vector<1x32xf32>
    %slice3A_420 = vector.extract_strided_slice %get3A_380 {offsets = [1, 0], sizes = [1, 32], strides = [1, 1]} : vector<8x32xf32> to vector<1x32xf32>
    %squeeze3A_421 = vector.shape_cast %slice3A_420 : vector<1x32xf32> to vector<32xf32>
    %reshape3A_422 = vector.shape_cast %squeeze3A_421 : vector<32xf32> to vector<32x1xf32>
    %dot_general3A_423 = arith.constant dense<0.000000e+00> : vector<1x512xf32>
    %dot_general3A_424 = tpu.matmul %reshape3A_419, %slice3A_416, %dot_general3A_423 {dimension_numbers = #tpu.dot_dimension_numbers<[1], [1], [0], [0], [0, 0, 1, 0], [], []>, transpose_lhs_hint = false} : vector<1x32xf32>, vector<512x32xf32>, vector<1x512xf32> -> vector<1x512xf32>
    %dot_general3A_425 = arith.constant dense<0.000000e+00> : vector<512x1xf32>
    %dot_general3A_426 = tpu.matmul %slice3A_416, %reshape3A_422, %dot_general3A_425 {dimension_numbers = #tpu.dot_dimension_numbers<[1], [0], [0], [1], [0, 0, 1, 1], [], []>, transpose_lhs_hint = false} : vector<512x32xf32>, vector<32x1xf32>, vector<512x1xf32> -> vector<512x1xf32>
    %add3A_427 = vector.broadcast %dot_general3A_426 : vector<512x1xf32> to vector<512x512xf32>
    %add3A_428 = vector.broadcast %dot_general3A_424 : vector<1x512xf32> to vector<512x512xf32>
    %add3A_429 = arith.addf %add3A_427, %add3A_428 : vector<512x512xf32>
    %ge3A_430 = arith.constant 0.000000e+00 : f32
    %ge3A_431 = vector.broadcast %ge3A_430 : f32 to vector<512x512xf32>
    %ge3A_432 = arith.cmpf oge, %add3A_429, %ge3A_431 : vector<512x512xf32>
    %mul3A_433 = arith.constant 2.000000e-01 : f32
    %mul3A_434 = vector.broadcast %mul3A_433 : f32 to vector<512x512xf32>
    %mul3A_435 = arith.mulf %mul3A_434, %add3A_429 : vector<512x512xf32>
    %select_n3A_436 = arith.select %ge3A_432, %add3A_429, %mul3A_435 : vector<512x512xi1>, vector<512x512xf32>
    %add3A_437 = arith.addf %select_n3A_436, %select_n3A : vector<512x512xf32>
    %exp3A_438 = math.exp %add3A_437 : vector<512x512xf32>
    %broadcast_in_dim3A_439 = arith.constant 1.000000e+00 : f32
    %broadcast_in_dim3A_440 = vector.broadcast %broadcast_in_dim3A_439 : f32 to vector<512x1xf32>
    %concatenate3A_441 = tpu.concatenate %slice3A_416, %broadcast_in_dim3A_440 in 1 : vector<512x32xf32>, vector<512x1xf32> -> vector<512x33xf32>
    %dot_general3A_442 = arith.constant dense<0.000000e+00> : vector<512x33xf32>
    %dot_general3A_443 = tpu.matmul %exp3A_438, %concatenate3A_441, %dot_general3A_442 {dimension_numbers = #tpu.dot_dimension_numbers<[1], [0], [0], [1], [0, 0, 1, 1], [], []>, transpose_lhs_hint = false} : vector<512x512xf32>, vector<512x33xf32>, vector<512x33xf32> -> vector<512x33xf32>
    %slice3A_444 = vector.extract_strided_slice %dot_general3A_443 {offsets = [0, 0], sizes = [512, 32], strides = [1, 1]} : vector<512x33xf32> to vector<512x32xf32>
    %slice3A_445 = vector.extract_strided_slice %dot_general3A_443 {offsets = [0, 32], sizes = [512, 1], strides = [1, 1]} : vector<512x33xf32> to vector<512x1xf32>
    %add3A_446 = arith.constant 1.000000e-16 : f32
    %add3A_447 = vector.broadcast %add3A_446 : f32 to vector<512x1xf32>
    %add3A_448 = arith.addf %slice3A_445, %add3A_447 : vector<512x1xf32>
    %div3A_449 = vector.broadcast %add3A_448 : vector<512x1xf32> to vector<512x32xf32>
    %div3A_450 = arith.divf %slice3A_444, %div3A_449 : vector<512x32xf32>
    %slice3A_451 = vector.extract_strided_slice %dot_general3A_374 {offsets = [0, 64], sizes = [512, 32], strides = [1, 1]} : vector<512x256xf32> to vector<512x32xf32>
    %slice3A_452 = vector.extract_strided_slice %get3A_377 {offsets = [2, 0], sizes = [1, 32], strides = [1, 1]} : vector<8x32xf32> to vector<1x32xf32>
    %squeeze3A_453 = vector.shape_cast %slice3A_452 : vector<1x32xf32> to vector<32xf32>
    %reshape3A_454 = vector.shape_cast %squeeze3A_453 : vector<32xf32> to vector<1x32xf32>
    %slice3A_455 = vector.extract_strided_slice %get3A_380 {offsets = [2, 0], sizes = [1, 32], strides = [1, 1]} : vector<8x32xf32> to vector<1x32xf32>
    %squeeze3A_456 = vector.shape_cast %slice3A_455 : vector<1x32xf32> to vector<32xf32>
    %reshape3A_457 = vector.shape_cast %squeeze3A_456 : vector<32xf32> to vector<32x1xf32>
    %dot_general3A_458 = arith.constant dense<0.000000e+00> : vector<1x512xf32>
    %dot_general3A_459 = tpu.matmul %reshape3A_454, %slice3A_451, %dot_general3A_458 {dimension_numbers = #tpu.dot_dimension_numbers<[1], [1], [0], [0], [0, 0, 1, 0], [], []>, transpose_lhs_hint = false} : vector<1x32xf32>, vector<512x32xf32>, vector<1x512xf32> -> vector<1x512xf32>
    %dot_general3A_460 = arith.constant dense<0.000000e+00> : vector<512x1xf32>
    %dot_general3A_461 = tpu.matmul %slice3A_451, %reshape3A_457, %dot_general3A_460 {dimension_numbers = #tpu.dot_dimension_numbers<[1], [0], [0], [1], [0, 0, 1, 1], [], []>, transpose_lhs_hint = false} : vector<512x32xf32>, vector<32x1xf32>, vector<512x1xf32> -> vector<512x1xf32>
    %add3A_462 = vector.broadcast %dot_general3A_461 : vector<512x1xf32> to vector<512x512xf32>
    %add3A_463 = vector.broadcast %dot_general3A_459 : vector<1x512xf32> to vector<512x512xf32>
    %add3A_464 = arith.addf %add3A_462, %add3A_463 : vector<512x512xf32>
    %ge3A_465 = arith.constant 0.000000e+00 : f32
    %ge3A_466 = vector.broadcast %ge3A_465 : f32 to vector<512x512xf32>
    %ge3A_467 = arith.cmpf oge, %add3A_464, %ge3A_466 : vector<512x512xf32>
    %mul3A_468 = arith.constant 2.000000e-01 : f32
    %mul3A_469 = vector.broadcast %mul3A_468 : f32 to vector<512x512xf32>
    %mul3A_470 = arith.mulf %mul3A_469, %add3A_464 : vector<512x512xf32>
    %select_n3A_471 = arith.select %ge3A_467, %add3A_464, %mul3A_470 : vector<512x512xi1>, vector<512x512xf32>
    %add3A_472 = arith.addf %select_n3A_471, %select_n3A : vector<512x512xf32>
    %exp3A_473 = math.exp %add3A_472 : vector<512x512xf32>
    %broadcast_in_dim3A_474 = arith.constant 1.000000e+00 : f32
    %broadcast_in_dim3A_475 = vector.broadcast %broadcast_in_dim3A_474 : f32 to vector<512x1xf32>
    %concatenate3A_476 = tpu.concatenate %slice3A_451, %broadcast_in_dim3A_475 in 1 : vector<512x32xf32>, vector<512x1xf32> -> vector<512x33xf32>
    %dot_general3A_477 = arith.constant dense<0.000000e+00> : vector<512x33xf32>
    %dot_general3A_478 = tpu.matmul %exp3A_473, %concatenate3A_476, %dot_general3A_477 {dimension_numbers = #tpu.dot_dimension_numbers<[1], [0], [0], [1], [0, 0, 1, 1], [], []>, transpose_lhs_hint = false} : vector<512x512xf32>, vector<512x33xf32>, vector<512x33xf32> -> vector<512x33xf32>
    %slice3A_479 = vector.extract_strided_slice %dot_general3A_478 {offsets = [0, 0], sizes = [512, 32], strides = [1, 1]} : vector<512x33xf32> to vector<512x32xf32>
    %slice3A_480 = vector.extract_strided_slice %dot_general3A_478 {offsets = [0, 32], sizes = [512, 1], strides = [1, 1]} : vector<512x33xf32> to vector<512x1xf32>
    %add3A_481 = arith.constant 1.000000e-16 : f32
    %add3A_482 = vector.broadcast %add3A_481 : f32 to vector<512x1xf32>
    %add3A_483 = arith.addf %slice3A_480, %add3A_482 : vector<512x1xf32>
    %div3A_484 = vector.broadcast %add3A_483 : vector<512x1xf32> to vector<512x32xf32>
    %div3A_485 = arith.divf %slice3A_479, %div3A_484 : vector<512x32xf32>
    %slice3A_486 = vector.extract_strided_slice %dot_general3A_374 {offsets = [0, 96], sizes = [512, 32], strides = [1, 1]} : vector<512x256xf32> to vector<512x32xf32>
    %slice3A_487 = vector.extract_strided_slice %get3A_377 {offsets = [3, 0], sizes = [1, 32], strides = [1, 1]} : vector<8x32xf32> to vector<1x32xf32>
    %squeeze3A_488 = vector.shape_cast %slice3A_487 : vector<1x32xf32> to vector<32xf32>
    %reshape3A_489 = vector.shape_cast %squeeze3A_488 : vector<32xf32> to vector<1x32xf32>
    %slice3A_490 = vector.extract_strided_slice %get3A_380 {offsets = [3, 0], sizes = [1, 32], strides = [1, 1]} : vector<8x32xf32> to vector<1x32xf32>
    %squeeze3A_491 = vector.shape_cast %slice3A_490 : vector<1x32xf32> to vector<32xf32>
    %reshape3A_492 = vector.shape_cast %squeeze3A_491 : vector<32xf32> to vector<32x1xf32>
    %dot_general3A_493 = arith.constant dense<0.000000e+00> : vector<1x512xf32>
    %dot_general3A_494 = tpu.matmul %reshape3A_489, %slice3A_486, %dot_general3A_493 {dimension_numbers = #tpu.dot_dimension_numbers<[1], [1], [0], [0], [0, 0, 1, 0], [], []>, transpose_lhs_hint = false} : vector<1x32xf32>, vector<512x32xf32>, vector<1x512xf32> -> vector<1x512xf32>
    %dot_general3A_495 = arith.constant dense<0.000000e+00> : vector<512x1xf32>
    %dot_general3A_496 = tpu.matmul %slice3A_486, %reshape3A_492, %dot_general3A_495 {dimension_numbers = #tpu.dot_dimension_numbers<[1], [0], [0], [1], [0, 0, 1, 1], [], []>, transpose_lhs_hint = false} : vector<512x32xf32>, vector<32x1xf32>, vector<512x1xf32> -> vector<512x1xf32>
    %add3A_497 = vector.broadcast %dot_general3A_496 : vector<512x1xf32> to vector<512x512xf32>
    %add3A_498 = vector.broadcast %dot_general3A_494 : vector<1x512xf32> to vector<512x512xf32>
    %add3A_499 = arith.addf %add3A_497, %add3A_498 : vector<512x512xf32>
    %ge3A_500 = arith.constant 0.000000e+00 : f32
    %ge3A_501 = vector.broadcast %ge3A_500 : f32 to vector<512x512xf32>
    %ge3A_502 = arith.cmpf oge, %add3A_499, %ge3A_501 : vector<512x512xf32>
    %mul3A_503 = arith.constant 2.000000e-01 : f32
    %mul3A_504 = vector.broadcast %mul3A_503 : f32 to vector<512x512xf32>
    %mul3A_505 = arith.mulf %mul3A_504, %add3A_499 : vector<512x512xf32>
    %select_n3A_506 = arith.select %ge3A_502, %add3A_499, %mul3A_505 : vector<512x512xi1>, vector<512x512xf32>
    %add3A_507 = arith.addf %select_n3A_506, %select_n3A : vector<512x512xf32>
    %exp3A_508 = math.exp %add3A_507 : vector<512x512xf32>
    %broadcast_in_dim3A_509 = arith.constant 1.000000e+00 : f32
    %broadcast_in_dim3A_510 = vector.broadcast %broadcast_in_dim3A_509 : f32 to vector<512x1xf32>
    %concatenate3A_511 = tpu.concatenate %slice3A_486, %broadcast_in_dim3A_510 in 1 : vector<512x32xf32>, vector<512x1xf32> -> vector<512x33xf32>
    %dot_general3A_512 = arith.constant dense<0.000000e+00> : vector<512x33xf32>
    %dot_general3A_513 = tpu.matmul %exp3A_508, %concatenate3A_511, %dot_general3A_512 {dimension_numbers = #tpu.dot_dimension_numbers<[1], [0], [0], [1], [0, 0, 1, 1], [], []>, transpose_lhs_hint = false} : vector<512x512xf32>, vector<512x33xf32>, vector<512x33xf32> -> vector<512x33xf32>
    %slice3A_514 = vector.extract_strided_slice %dot_general3A_513 {offsets = [0, 0], sizes = [512, 32], strides = [1, 1]} : vector<512x33xf32> to vector<512x32xf32>
    %slice3A_515 = vector.extract_strided_slice %dot_general3A_513 {offsets = [0, 32], sizes = [512, 1], strides = [1, 1]} : vector<512x33xf32> to vector<512x1xf32>
    %add3A_516 = arith.constant 1.000000e-16 : f32
    %add3A_517 = vector.broadcast %add3A_516 : f32 to vector<512x1xf32>
    %add3A_518 = arith.addf %slice3A_515, %add3A_517 : vector<512x1xf32>
    %div3A_519 = vector.broadcast %add3A_518 : vector<512x1xf32> to vector<512x32xf32>
    %div3A_520 = arith.divf %slice3A_514, %div3A_519 : vector<512x32xf32>
    %slice3A_521 = vector.extract_strided_slice %dot_general3A_374 {offsets = [0, 128], sizes = [512, 32], strides = [1, 1]} : vector<512x256xf32> to vector<512x32xf32>
    %slice3A_522 = vector.extract_strided_slice %get3A_377 {offsets = [4, 0], sizes = [1, 32], strides = [1, 1]} : vector<8x32xf32> to vector<1x32xf32>
    %squeeze3A_523 = vector.shape_cast %slice3A_522 : vector<1x32xf32> to vector<32xf32>
    %reshape3A_524 = vector.shape_cast %squeeze3A_523 : vector<32xf32> to vector<1x32xf32>
    %slice3A_525 = vector.extract_strided_slice %get3A_380 {offsets = [4, 0], sizes = [1, 32], strides = [1, 1]} : vector<8x32xf32> to vector<1x32xf32>
    %squeeze3A_526 = vector.shape_cast %slice3A_525 : vector<1x32xf32> to vector<32xf32>
    %reshape3A_527 = vector.shape_cast %squeeze3A_526 : vector<32xf32> to vector<32x1xf32>
    %dot_general3A_528 = arith.constant dense<0.000000e+00> : vector<1x512xf32>
    %dot_general3A_529 = tpu.matmul %reshape3A_524, %slice3A_521, %dot_general3A_528 {dimension_numbers = #tpu.dot_dimension_numbers<[1], [1], [0], [0], [0, 0, 1, 0], [], []>, transpose_lhs_hint = false} : vector<1x32xf32>, vector<512x32xf32>, vector<1x512xf32> -> vector<1x512xf32>
    %dot_general3A_530 = arith.constant dense<0.000000e+00> : vector<512x1xf32>
    %dot_general3A_531 = tpu.matmul %slice3A_521, %reshape3A_527, %dot_general3A_530 {dimension_numbers = #tpu.dot_dimension_numbers<[1], [0], [0], [1], [0, 0, 1, 1], [], []>, transpose_lhs_hint = false} : vector<512x32xf32>, vector<32x1xf32>, vector<512x1xf32> -> vector<512x1xf32>
    %add3A_532 = vector.broadcast %dot_general3A_531 : vector<512x1xf32> to vector<512x512xf32>
    %add3A_533 = vector.broadcast %dot_general3A_529 : vector<1x512xf32> to vector<512x512xf32>
    %add3A_534 = arith.addf %add3A_532, %add3A_533 : vector<512x512xf32>
    %ge3A_535 = arith.constant 0.000000e+00 : f32
    %ge3A_536 = vector.broadcast %ge3A_535 : f32 to vector<512x512xf32>
    %ge3A_537 = arith.cmpf oge, %add3A_534, %ge3A_536 : vector<512x512xf32>
    %mul3A_538 = arith.constant 2.000000e-01 : f32
    %mul3A_539 = vector.broadcast %mul3A_538 : f32 to vector<512x512xf32>
    %mul3A_540 = arith.mulf %mul3A_539, %add3A_534 : vector<512x512xf32>
    %select_n3A_541 = arith.select %ge3A_537, %add3A_534, %mul3A_540 : vector<512x512xi1>, vector<512x512xf32>
    %add3A_542 = arith.addf %select_n3A_541, %select_n3A : vector<512x512xf32>
    %exp3A_543 = math.exp %add3A_542 : vector<512x512xf32>
    %broadcast_in_dim3A_544 = arith.constant 1.000000e+00 : f32
    %broadcast_in_dim3A_545 = vector.broadcast %broadcast_in_dim3A_544 : f32 to vector<512x1xf32>
    %concatenate3A_546 = tpu.concatenate %slice3A_521, %broadcast_in_dim3A_545 in 1 : vector<512x32xf32>, vector<512x1xf32> -> vector<512x33xf32>
    %dot_general3A_547 = arith.constant dense<0.000000e+00> : vector<512x33xf32>
    %dot_general3A_548 = tpu.matmul %exp3A_543, %concatenate3A_546, %dot_general3A_547 {dimension_numbers = #tpu.dot_dimension_numbers<[1], [0], [0], [1], [0, 0, 1, 1], [], []>, transpose_lhs_hint = false} : vector<512x512xf32>, vector<512x33xf32>, vector<512x33xf32> -> vector<512x33xf32>
    %slice3A_549 = vector.extract_strided_slice %dot_general3A_548 {offsets = [0, 0], sizes = [512, 32], strides = [1, 1]} : vector<512x33xf32> to vector<512x32xf32>
    %slice3A_550 = vector.extract_strided_slice %dot_general3A_548 {offsets = [0, 32], sizes = [512, 1], strides = [1, 1]} : vector<512x33xf32> to vector<512x1xf32>
    %add3A_551 = arith.constant 1.000000e-16 : f32
    %add3A_552 = vector.broadcast %add3A_551 : f32 to vector<512x1xf32>
    %add3A_553 = arith.addf %slice3A_550, %add3A_552 : vector<512x1xf32>
    %div3A_554 = vector.broadcast %add3A_553 : vector<512x1xf32> to vector<512x32xf32>
    %div3A_555 = arith.divf %slice3A_549, %div3A_554 : vector<512x32xf32>
    %slice3A_556 = vector.extract_strided_slice %dot_general3A_374 {offsets = [0, 160], sizes = [512, 32], strides = [1, 1]} : vector<512x256xf32> to vector<512x32xf32>
    %slice3A_557 = vector.extract_strided_slice %get3A_377 {offsets = [5, 0], sizes = [1, 32], strides = [1, 1]} : vector<8x32xf32> to vector<1x32xf32>
    %squeeze3A_558 = vector.shape_cast %slice3A_557 : vector<1x32xf32> to vector<32xf32>
    %reshape3A_559 = vector.shape_cast %squeeze3A_558 : vector<32xf32> to vector<1x32xf32>
    %slice3A_560 = vector.extract_strided_slice %get3A_380 {offsets = [5, 0], sizes = [1, 32], strides = [1, 1]} : vector<8x32xf32> to vector<1x32xf32>
    %squeeze3A_561 = vector.shape_cast %slice3A_560 : vector<1x32xf32> to vector<32xf32>
    %reshape3A_562 = vector.shape_cast %squeeze3A_561 : vector<32xf32> to vector<32x1xf32>
    %dot_general3A_563 = arith.constant dense<0.000000e+00> : vector<1x512xf32>
    %dot_general3A_564 = tpu.matmul %reshape3A_559, %slice3A_556, %dot_general3A_563 {dimension_numbers = #tpu.dot_dimension_numbers<[1], [1], [0], [0], [0, 0, 1, 0], [], []>, transpose_lhs_hint = false} : vector<1x32xf32>, vector<512x32xf32>, vector<1x512xf32> -> vector<1x512xf32>
    %dot_general3A_565 = arith.constant dense<0.000000e+00> : vector<512x1xf32>
    %dot_general3A_566 = tpu.matmul %slice3A_556, %reshape3A_562, %dot_general3A_565 {dimension_numbers = #tpu.dot_dimension_numbers<[1], [0], [0], [1], [0, 0, 1, 1], [], []>, transpose_lhs_hint = false} : vector<512x32xf32>, vector<32x1xf32>, vector<512x1xf32> -> vector<512x1xf32>
    %add3A_567 = vector.broadcast %dot_general3A_566 : vector<512x1xf32> to vector<512x512xf32>
    %add3A_568 = vector.broadcast %dot_general3A_564 : vector<1x512xf32> to vector<512x512xf32>
    %add3A_569 = arith.addf %add3A_567, %add3A_568 : vector<512x512xf32>
    %ge3A_570 = arith.constant 0.000000e+00 : f32
    %ge3A_571 = vector.broadcast %ge3A_570 : f32 to vector<512x512xf32>
    %ge3A_572 = arith.cmpf oge, %add3A_569, %ge3A_571 : vector<512x512xf32>
    %mul3A_573 = arith.constant 2.000000e-01 : f32
    %mul3A_574 = vector.broadcast %mul3A_573 : f32 to vector<512x512xf32>
    %mul3A_575 = arith.mulf %mul3A_574, %add3A_569 : vector<512x512xf32>
    %select_n3A_576 = arith.select %ge3A_572, %add3A_569, %mul3A_575 : vector<512x512xi1>, vector<512x512xf32>
    %add3A_577 = arith.addf %select_n3A_576, %select_n3A : vector<512x512xf32>
    %exp3A_578 = math.exp %add3A_577 : vector<512x512xf32>
    %broadcast_in_dim3A_579 = arith.constant 1.000000e+00 : f32
    %broadcast_in_dim3A_580 = vector.broadcast %broadcast_in_dim3A_579 : f32 to vector<512x1xf32>
    %concatenate3A_581 = tpu.concatenate %slice3A_556, %broadcast_in_dim3A_580 in 1 : vector<512x32xf32>, vector<512x1xf32> -> vector<512x33xf32>
    %dot_general3A_582 = arith.constant dense<0.000000e+00> : vector<512x33xf32>
    %dot_general3A_583 = tpu.matmul %exp3A_578, %concatenate3A_581, %dot_general3A_582 {dimension_numbers = #tpu.dot_dimension_numbers<[1], [0], [0], [1], [0, 0, 1, 1], [], []>, transpose_lhs_hint = false} : vector<512x512xf32>, vector<512x33xf32>, vector<512x33xf32> -> vector<512x33xf32>
    %slice3A_584 = vector.extract_strided_slice %dot_general3A_583 {offsets = [0, 0], sizes = [512, 32], strides = [1, 1]} : vector<512x33xf32> to vector<512x32xf32>
    %slice3A_585 = vector.extract_strided_slice %dot_general3A_583 {offsets = [0, 32], sizes = [512, 1], strides = [1, 1]} : vector<512x33xf32> to vector<512x1xf32>
    %add3A_586 = arith.constant 1.000000e-16 : f32
    %add3A_587 = vector.broadcast %add3A_586 : f32 to vector<512x1xf32>
    %add3A_588 = arith.addf %slice3A_585, %add3A_587 : vector<512x1xf32>
    %div3A_589 = vector.broadcast %add3A_588 : vector<512x1xf32> to vector<512x32xf32>
    %div3A_590 = arith.divf %slice3A_584, %div3A_589 : vector<512x32xf32>
    %slice3A_591 = vector.extract_strided_slice %dot_general3A_374 {offsets = [0, 192], sizes = [512, 32], strides = [1, 1]} : vector<512x256xf32> to vector<512x32xf32>
    %slice3A_592 = vector.extract_strided_slice %get3A_377 {offsets = [6, 0], sizes = [1, 32], strides = [1, 1]} : vector<8x32xf32> to vector<1x32xf32>
    %squeeze3A_593 = vector.shape_cast %slice3A_592 : vector<1x32xf32> to vector<32xf32>
    %reshape3A_594 = vector.shape_cast %squeeze3A_593 : vector<32xf32> to vector<1x32xf32>
    %slice3A_595 = vector.extract_strided_slice %get3A_380 {offsets = [6, 0], sizes = [1, 32], strides = [1, 1]} : vector<8x32xf32> to vector<1x32xf32>
    %squeeze3A_596 = vector.shape_cast %slice3A_595 : vector<1x32xf32> to vector<32xf32>
    %reshape3A_597 = vector.shape_cast %squeeze3A_596 : vector<32xf32> to vector<32x1xf32>
    %dot_general3A_598 = arith.constant dense<0.000000e+00> : vector<1x512xf32>
    %dot_general3A_599 = tpu.matmul %reshape3A_594, %slice3A_591, %dot_general3A_598 {dimension_numbers = #tpu.dot_dimension_numbers<[1], [1], [0], [0], [0, 0, 1, 0], [], []>, transpose_lhs_hint = false} : vector<1x32xf32>, vector<512x32xf32>, vector<1x512xf32> -> vector<1x512xf32>
    %dot_general3A_600 = arith.constant dense<0.000000e+00> : vector<512x1xf32>
    %dot_general3A_601 = tpu.matmul %slice3A_591, %reshape3A_597, %dot_general3A_600 {dimension_numbers = #tpu.dot_dimension_numbers<[1], [0], [0], [1], [0, 0, 1, 1], [], []>, transpose_lhs_hint = false} : vector<512x32xf32>, vector<32x1xf32>, vector<512x1xf32> -> vector<512x1xf32>
    %add3A_602 = vector.broadcast %dot_general3A_601 : vector<512x1xf32> to vector<512x512xf32>
    %add3A_603 = vector.broadcast %dot_general3A_599 : vector<1x512xf32> to vector<512x512xf32>
    %add3A_604 = arith.addf %add3A_602, %add3A_603 : vector<512x512xf32>
    %ge3A_605 = arith.constant 0.000000e+00 : f32
    %ge3A_606 = vector.broadcast %ge3A_605 : f32 to vector<512x512xf32>
    %ge3A_607 = arith.cmpf oge, %add3A_604, %ge3A_606 : vector<512x512xf32>
    %mul3A_608 = arith.constant 2.000000e-01 : f32
    %mul3A_609 = vector.broadcast %mul3A_608 : f32 to vector<512x512xf32>
    %mul3A_610 = arith.mulf %mul3A_609, %add3A_604 : vector<512x512xf32>
    %select_n3A_611 = arith.select %ge3A_607, %add3A_604, %mul3A_610 : vector<512x512xi1>, vector<512x512xf32>
    %add3A_612 = arith.addf %select_n3A_611, %select_n3A : vector<512x512xf32>
    %exp3A_613 = math.exp %add3A_612 : vector<512x512xf32>
    %broadcast_in_dim3A_614 = arith.constant 1.000000e+00 : f32
    %broadcast_in_dim3A_615 = vector.broadcast %broadcast_in_dim3A_614 : f32 to vector<512x1xf32>
    %concatenate3A_616 = tpu.concatenate %slice3A_591, %broadcast_in_dim3A_615 in 1 : vector<512x32xf32>, vector<512x1xf32> -> vector<512x33xf32>
    %dot_general3A_617 = arith.constant dense<0.000000e+00> : vector<512x33xf32>
    %dot_general3A_618 = tpu.matmul %exp3A_613, %concatenate3A_616, %dot_general3A_617 {dimension_numbers = #tpu.dot_dimension_numbers<[1], [0], [0], [1], [0, 0, 1, 1], [], []>, transpose_lhs_hint = false} : vector<512x512xf32>, vector<512x33xf32>, vector<512x33xf32> -> vector<512x33xf32>
    %slice3A_619 = vector.extract_strided_slice %dot_general3A_618 {offsets = [0, 0], sizes = [512, 32], strides = [1, 1]} : vector<512x33xf32> to vector<512x32xf32>
    %slice3A_620 = vector.extract_strided_slice %dot_general3A_618 {offsets = [0, 32], sizes = [512, 1], strides = [1, 1]} : vector<512x33xf32> to vector<512x1xf32>
    %add3A_621 = arith.constant 1.000000e-16 : f32
    %add3A_622 = vector.broadcast %add3A_621 : f32 to vector<512x1xf32>
    %add3A_623 = arith.addf %slice3A_620, %add3A_622 : vector<512x1xf32>
    %div3A_624 = vector.broadcast %add3A_623 : vector<512x1xf32> to vector<512x32xf32>
    %div3A_625 = arith.divf %slice3A_619, %div3A_624 : vector<512x32xf32>
    %slice3A_626 = vector.extract_strided_slice %dot_general3A_374 {offsets = [0, 224], sizes = [512, 32], strides = [1, 1]} : vector<512x256xf32> to vector<512x32xf32>
    %slice3A_627 = vector.extract_strided_slice %get3A_377 {offsets = [7, 0], sizes = [1, 32], strides = [1, 1]} : vector<8x32xf32> to vector<1x32xf32>
    %squeeze3A_628 = vector.shape_cast %slice3A_627 : vector<1x32xf32> to vector<32xf32>
    %reshape3A_629 = vector.shape_cast %squeeze3A_628 : vector<32xf32> to vector<1x32xf32>
    %slice3A_630 = vector.extract_strided_slice %get3A_380 {offsets = [7, 0], sizes = [1, 32], strides = [1, 1]} : vector<8x32xf32> to vector<1x32xf32>
    %squeeze3A_631 = vector.shape_cast %slice3A_630 : vector<1x32xf32> to vector<32xf32>
    %reshape3A_632 = vector.shape_cast %squeeze3A_631 : vector<32xf32> to vector<32x1xf32>
    %dot_general3A_633 = arith.constant dense<0.000000e+00> : vector<1x512xf32>
    %dot_general3A_634 = tpu.matmul %reshape3A_629, %slice3A_626, %dot_general3A_633 {dimension_numbers = #tpu.dot_dimension_numbers<[1], [1], [0], [0], [0, 0, 1, 0], [], []>, transpose_lhs_hint = false} : vector<1x32xf32>, vector<512x32xf32>, vector<1x512xf32> -> vector<1x512xf32>
    %dot_general3A_635 = arith.constant dense<0.000000e+00> : vector<512x1xf32>
    %dot_general3A_636 = tpu.matmul %slice3A_626, %reshape3A_632, %dot_general3A_635 {dimension_numbers = #tpu.dot_dimension_numbers<[1], [0], [0], [1], [0, 0, 1, 1], [], []>, transpose_lhs_hint = false} : vector<512x32xf32>, vector<32x1xf32>, vector<512x1xf32> -> vector<512x1xf32>
    %add3A_637 = vector.broadcast %dot_general3A_636 : vector<512x1xf32> to vector<512x512xf32>
    %add3A_638 = vector.broadcast %dot_general3A_634 : vector<1x512xf32> to vector<512x512xf32>
    %add3A_639 = arith.addf %add3A_637, %add3A_638 : vector<512x512xf32>
    %ge3A_640 = arith.constant 0.000000e+00 : f32
    %ge3A_641 = vector.broadcast %ge3A_640 : f32 to vector<512x512xf32>
    %ge3A_642 = arith.cmpf oge, %add3A_639, %ge3A_641 : vector<512x512xf32>
    %mul3A_643 = arith.constant 2.000000e-01 : f32
    %mul3A_644 = vector.broadcast %mul3A_643 : f32 to vector<512x512xf32>
    %mul3A_645 = arith.mulf %mul3A_644, %add3A_639 : vector<512x512xf32>
    %select_n3A_646 = arith.select %ge3A_642, %add3A_639, %mul3A_645 : vector<512x512xi1>, vector<512x512xf32>
    %add3A_647 = arith.addf %select_n3A_646, %select_n3A : vector<512x512xf32>
    %exp3A_648 = math.exp %add3A_647 : vector<512x512xf32>
    %broadcast_in_dim3A_649 = arith.constant 1.000000e+00 : f32
    %broadcast_in_dim3A_650 = vector.broadcast %broadcast_in_dim3A_649 : f32 to vector<512x1xf32>
    %concatenate3A_651 = tpu.concatenate %slice3A_626, %broadcast_in_dim3A_650 in 1 : vector<512x32xf32>, vector<512x1xf32> -> vector<512x33xf32>
    %dot_general3A_652 = arith.constant dense<0.000000e+00> : vector<512x33xf32>
    %dot_general3A_653 = tpu.matmul %exp3A_648, %concatenate3A_651, %dot_general3A_652 {dimension_numbers = #tpu.dot_dimension_numbers<[1], [0], [0], [1], [0, 0, 1, 1], [], []>, transpose_lhs_hint = false} : vector<512x512xf32>, vector<512x33xf32>, vector<512x33xf32> -> vector<512x33xf32>
    %slice3A_654 = vector.extract_strided_slice %dot_general3A_653 {offsets = [0, 0], sizes = [512, 32], strides = [1, 1]} : vector<512x33xf32> to vector<512x32xf32>
    %slice3A_655 = vector.extract_strided_slice %dot_general3A_653 {offsets = [0, 32], sizes = [512, 1], strides = [1, 1]} : vector<512x33xf32> to vector<512x1xf32>
    %add3A_656 = arith.constant 1.000000e-16 : f32
    %add3A_657 = vector.broadcast %add3A_656 : f32 to vector<512x1xf32>
    %add3A_658 = arith.addf %slice3A_655, %add3A_657 : vector<512x1xf32>
    %div3A_659 = vector.broadcast %add3A_658 : vector<512x1xf32> to vector<512x32xf32>
    %div3A_660 = arith.divf %slice3A_654, %div3A_659 : vector<512x32xf32>
    %concatenate3A_661 = tpu.concatenate %div3A_415, %div3A_450, %div3A_485, %div3A_520, %div3A_555, %div3A_590, %div3A_625, %div3A_660 in 1 : vector<512x32xf32>, vector<512x32xf32>, vector<512x32xf32>, vector<512x32xf32>, vector<512x32xf32>, vector<512x32xf32>, vector<512x32xf32>, vector<512x32xf32> -> vector<512x256xf32>
    %get3A_662 = arith.constant 0 : index
    %get3A_663 = vector.load %arg19[%get3A_662] : memref<256xf32, #tpu.memory_space<vmem>>, vector<256xf32>
    %broadcast_in_dim3A_664 = vector.shape_cast %get3A_663 : vector<256xf32> to vector<1x256xf32>
    %add3A_665 = vector.broadcast %broadcast_in_dim3A_664 : vector<1x256xf32> to vector<512x256xf32>
    %add3A_666 = arith.addf %concatenate3A_661, %add3A_665 : vector<512x256xf32>
    %add3A_667 = arith.addf %max3A_369, %add3A_666 : vector<512x256xf32>
    %max3A_668 = arith.constant 0.000000e+00 : f32
    %max3A_669 = vector.broadcast %max3A_668 : f32 to vector<512x256xf32>
    %max3A_670 = arith.maximumf %add3A_667, %max3A_669 : vector<512x256xf32>
    %get3A_671 = arith.constant 0 : index
    %get3A_672 = arith.constant 0 : index
    %get3A_673 = vector.load %arg20[%get3A_671, %get3A_672] : memref<256x256xf32, #tpu.memory_space<vmem>>, vector<256x256xf32>
    %dot_general3A_674 = arith.constant dense<0.000000e+00> : vector<512x256xf32>
    %dot_general3A_675 = tpu.matmul %max3A_670, %get3A_673, %dot_general3A_674 {dimension_numbers = #tpu.dot_dimension_numbers<[1], [0], [0], [1], [0, 0, 1, 1], [], []>, transpose_lhs_hint = false} : vector<512x256xf32>, vector<256x256xf32>, vector<512x256xf32> -> vector<512x256xf32>
    %get3A_676 = arith.constant 0 : index
    %get3A_677 = arith.constant 0 : index
    %get3A_678 = vector.load %arg21[%get3A_676, %get3A_677] : memref<8x32xf32, #tpu.memory_space<vmem>>, vector<8x32xf32>
    %get3A_679 = arith.constant 0 : index
    %get3A_680 = arith.constant 0 : index
    %get3A_681 = vector.load %arg22[%get3A_679, %get3A_680] : memref<8x32xf32, #tpu.memory_space<vmem>>, vector<8x32xf32>
    %slice3A_682 = vector.extract_strided_slice %dot_general3A_675 {offsets = [0, 0], sizes = [512, 32], strides = [1, 1]} : vector<512x256xf32> to vector<512x32xf32>
    %slice3A_683 = vector.extract_strided_slice %get3A_678 {offsets = [0, 0], sizes = [1, 32], strides = [1, 1]} : vector<8x32xf32> to vector<1x32xf32>
    %squeeze3A_684 = vector.shape_cast %slice3A_683 : vector<1x32xf32> to vector<32xf32>
    %reshape3A_685 = vector.shape_cast %squeeze3A_684 : vector<32xf32> to vector<1x32xf32>
    %slice3A_686 = vector.extract_strided_slice %get3A_681 {offsets = [0, 0], sizes = [1, 32], strides = [1, 1]} : vector<8x32xf32> to vector<1x32xf32>
    %squeeze3A_687 = vector.shape_cast %slice3A_686 : vector<1x32xf32> to vector<32xf32>
    %reshape3A_688 = vector.shape_cast %squeeze3A_687 : vector<32xf32> to vector<32x1xf32>
    %dot_general3A_689 = arith.constant dense<0.000000e+00> : vector<1x512xf32>
    %dot_general3A_690 = tpu.matmul %reshape3A_685, %slice3A_682, %dot_general3A_689 {dimension_numbers = #tpu.dot_dimension_numbers<[1], [1], [0], [0], [0, 0, 1, 0], [], []>, transpose_lhs_hint = false} : vector<1x32xf32>, vector<512x32xf32>, vector<1x512xf32> -> vector<1x512xf32>
    %dot_general3A_691 = arith.constant dense<0.000000e+00> : vector<512x1xf32>
    %dot_general3A_692 = tpu.matmul %slice3A_682, %reshape3A_688, %dot_general3A_691 {dimension_numbers = #tpu.dot_dimension_numbers<[1], [0], [0], [1], [0, 0, 1, 1], [], []>, transpose_lhs_hint = false} : vector<512x32xf32>, vector<32x1xf32>, vector<512x1xf32> -> vector<512x1xf32>
    %add3A_693 = vector.broadcast %dot_general3A_692 : vector<512x1xf32> to vector<512x512xf32>
    %add3A_694 = vector.broadcast %dot_general3A_690 : vector<1x512xf32> to vector<512x512xf32>
    %add3A_695 = arith.addf %add3A_693, %add3A_694 : vector<512x512xf32>
    %ge3A_696 = arith.constant 0.000000e+00 : f32
    %ge3A_697 = vector.broadcast %ge3A_696 : f32 to vector<512x512xf32>
    %ge3A_698 = arith.cmpf oge, %add3A_695, %ge3A_697 : vector<512x512xf32>
    %mul3A_699 = arith.constant 2.000000e-01 : f32
    %mul3A_700 = vector.broadcast %mul3A_699 : f32 to vector<512x512xf32>
    %mul3A_701 = arith.mulf %mul3A_700, %add3A_695 : vector<512x512xf32>
    %select_n3A_702 = arith.select %ge3A_698, %add3A_695, %mul3A_701 : vector<512x512xi1>, vector<512x512xf32>
    %add3A_703 = arith.addf %select_n3A_702, %select_n3A : vector<512x512xf32>
    %exp3A_704 = math.exp %add3A_703 : vector<512x512xf32>
    %broadcast_in_dim3A_705 = arith.constant 1.000000e+00 : f32
    %broadcast_in_dim3A_706 = vector.broadcast %broadcast_in_dim3A_705 : f32 to vector<512x1xf32>
    %concatenate3A_707 = tpu.concatenate %slice3A_682, %broadcast_in_dim3A_706 in 1 : vector<512x32xf32>, vector<512x1xf32> -> vector<512x33xf32>
    %dot_general3A_708 = arith.constant dense<0.000000e+00> : vector<512x33xf32>
    %dot_general3A_709 = tpu.matmul %exp3A_704, %concatenate3A_707, %dot_general3A_708 {dimension_numbers = #tpu.dot_dimension_numbers<[1], [0], [0], [1], [0, 0, 1, 1], [], []>, transpose_lhs_hint = false} : vector<512x512xf32>, vector<512x33xf32>, vector<512x33xf32> -> vector<512x33xf32>
    %slice3A_710 = vector.extract_strided_slice %dot_general3A_709 {offsets = [0, 0], sizes = [512, 32], strides = [1, 1]} : vector<512x33xf32> to vector<512x32xf32>
    %slice3A_711 = vector.extract_strided_slice %dot_general3A_709 {offsets = [0, 32], sizes = [512, 1], strides = [1, 1]} : vector<512x33xf32> to vector<512x1xf32>
    %add3A_712 = arith.constant 1.000000e-16 : f32
    %add3A_713 = vector.broadcast %add3A_712 : f32 to vector<512x1xf32>
    %add3A_714 = arith.addf %slice3A_711, %add3A_713 : vector<512x1xf32>
    %div3A_715 = vector.broadcast %add3A_714 : vector<512x1xf32> to vector<512x32xf32>
    %div3A_716 = arith.divf %slice3A_710, %div3A_715 : vector<512x32xf32>
    %slice3A_717 = vector.extract_strided_slice %dot_general3A_675 {offsets = [0, 32], sizes = [512, 32], strides = [1, 1]} : vector<512x256xf32> to vector<512x32xf32>
    %slice3A_718 = vector.extract_strided_slice %get3A_678 {offsets = [1, 0], sizes = [1, 32], strides = [1, 1]} : vector<8x32xf32> to vector<1x32xf32>
    %squeeze3A_719 = vector.shape_cast %slice3A_718 : vector<1x32xf32> to vector<32xf32>
    %reshape3A_720 = vector.shape_cast %squeeze3A_719 : vector<32xf32> to vector<1x32xf32>
    %slice3A_721 = vector.extract_strided_slice %get3A_681 {offsets = [1, 0], sizes = [1, 32], strides = [1, 1]} : vector<8x32xf32> to vector<1x32xf32>
    %squeeze3A_722 = vector.shape_cast %slice3A_721 : vector<1x32xf32> to vector<32xf32>
    %reshape3A_723 = vector.shape_cast %squeeze3A_722 : vector<32xf32> to vector<32x1xf32>
    %dot_general3A_724 = arith.constant dense<0.000000e+00> : vector<1x512xf32>
    %dot_general3A_725 = tpu.matmul %reshape3A_720, %slice3A_717, %dot_general3A_724 {dimension_numbers = #tpu.dot_dimension_numbers<[1], [1], [0], [0], [0, 0, 1, 0], [], []>, transpose_lhs_hint = false} : vector<1x32xf32>, vector<512x32xf32>, vector<1x512xf32> -> vector<1x512xf32>
    %dot_general3A_726 = arith.constant dense<0.000000e+00> : vector<512x1xf32>
    %dot_general3A_727 = tpu.matmul %slice3A_717, %reshape3A_723, %dot_general3A_726 {dimension_numbers = #tpu.dot_dimension_numbers<[1], [0], [0], [1], [0, 0, 1, 1], [], []>, transpose_lhs_hint = false} : vector<512x32xf32>, vector<32x1xf32>, vector<512x1xf32> -> vector<512x1xf32>
    %add3A_728 = vector.broadcast %dot_general3A_727 : vector<512x1xf32> to vector<512x512xf32>
    %add3A_729 = vector.broadcast %dot_general3A_725 : vector<1x512xf32> to vector<512x512xf32>
    %add3A_730 = arith.addf %add3A_728, %add3A_729 : vector<512x512xf32>
    %ge3A_731 = arith.constant 0.000000e+00 : f32
    %ge3A_732 = vector.broadcast %ge3A_731 : f32 to vector<512x512xf32>
    %ge3A_733 = arith.cmpf oge, %add3A_730, %ge3A_732 : vector<512x512xf32>
    %mul3A_734 = arith.constant 2.000000e-01 : f32
    %mul3A_735 = vector.broadcast %mul3A_734 : f32 to vector<512x512xf32>
    %mul3A_736 = arith.mulf %mul3A_735, %add3A_730 : vector<512x512xf32>
    %select_n3A_737 = arith.select %ge3A_733, %add3A_730, %mul3A_736 : vector<512x512xi1>, vector<512x512xf32>
    %add3A_738 = arith.addf %select_n3A_737, %select_n3A : vector<512x512xf32>
    %exp3A_739 = math.exp %add3A_738 : vector<512x512xf32>
    %broadcast_in_dim3A_740 = arith.constant 1.000000e+00 : f32
    %broadcast_in_dim3A_741 = vector.broadcast %broadcast_in_dim3A_740 : f32 to vector<512x1xf32>
    %concatenate3A_742 = tpu.concatenate %slice3A_717, %broadcast_in_dim3A_741 in 1 : vector<512x32xf32>, vector<512x1xf32> -> vector<512x33xf32>
    %dot_general3A_743 = arith.constant dense<0.000000e+00> : vector<512x33xf32>
    %dot_general3A_744 = tpu.matmul %exp3A_739, %concatenate3A_742, %dot_general3A_743 {dimension_numbers = #tpu.dot_dimension_numbers<[1], [0], [0], [1], [0, 0, 1, 1], [], []>, transpose_lhs_hint = false} : vector<512x512xf32>, vector<512x33xf32>, vector<512x33xf32> -> vector<512x33xf32>
    %slice3A_745 = vector.extract_strided_slice %dot_general3A_744 {offsets = [0, 0], sizes = [512, 32], strides = [1, 1]} : vector<512x33xf32> to vector<512x32xf32>
    %slice3A_746 = vector.extract_strided_slice %dot_general3A_744 {offsets = [0, 32], sizes = [512, 1], strides = [1, 1]} : vector<512x33xf32> to vector<512x1xf32>
    %add3A_747 = arith.constant 1.000000e-16 : f32
    %add3A_748 = vector.broadcast %add3A_747 : f32 to vector<512x1xf32>
    %add3A_749 = arith.addf %slice3A_746, %add3A_748 : vector<512x1xf32>
    %div3A_750 = vector.broadcast %add3A_749 : vector<512x1xf32> to vector<512x32xf32>
    %div3A_751 = arith.divf %slice3A_745, %div3A_750 : vector<512x32xf32>
    %slice3A_752 = vector.extract_strided_slice %dot_general3A_675 {offsets = [0, 64], sizes = [512, 32], strides = [1, 1]} : vector<512x256xf32> to vector<512x32xf32>
    %slice3A_753 = vector.extract_strided_slice %get3A_678 {offsets = [2, 0], sizes = [1, 32], strides = [1, 1]} : vector<8x32xf32> to vector<1x32xf32>
    %squeeze3A_754 = vector.shape_cast %slice3A_753 : vector<1x32xf32> to vector<32xf32>
    %reshape3A_755 = vector.shape_cast %squeeze3A_754 : vector<32xf32> to vector<1x32xf32>
    %slice3A_756 = vector.extract_strided_slice %get3A_681 {offsets = [2, 0], sizes = [1, 32], strides = [1, 1]} : vector<8x32xf32> to vector<1x32xf32>
    %squeeze3A_757 = vector.shape_cast %slice3A_756 : vector<1x32xf32> to vector<32xf32>
    %reshape3A_758 = vector.shape_cast %squeeze3A_757 : vector<32xf32> to vector<32x1xf32>
    %dot_general3A_759 = arith.constant dense<0.000000e+00> : vector<1x512xf32>
    %dot_general3A_760 = tpu.matmul %reshape3A_755, %slice3A_752, %dot_general3A_759 {dimension_numbers = #tpu.dot_dimension_numbers<[1], [1], [0], [0], [0, 0, 1, 0], [], []>, transpose_lhs_hint = false} : vector<1x32xf32>, vector<512x32xf32>, vector<1x512xf32> -> vector<1x512xf32>
    %dot_general3A_761 = arith.constant dense<0.000000e+00> : vector<512x1xf32>
    %dot_general3A_762 = tpu.matmul %slice3A_752, %reshape3A_758, %dot_general3A_761 {dimension_numbers = #tpu.dot_dimension_numbers<[1], [0], [0], [1], [0, 0, 1, 1], [], []>, transpose_lhs_hint = false} : vector<512x32xf32>, vector<32x1xf32>, vector<512x1xf32> -> vector<512x1xf32>
    %add3A_763 = vector.broadcast %dot_general3A_762 : vector<512x1xf32> to vector<512x512xf32>
    %add3A_764 = vector.broadcast %dot_general3A_760 : vector<1x512xf32> to vector<512x512xf32>
    %add3A_765 = arith.addf %add3A_763, %add3A_764 : vector<512x512xf32>
    %ge3A_766 = arith.constant 0.000000e+00 : f32
    %ge3A_767 = vector.broadcast %ge3A_766 : f32 to vector<512x512xf32>
    %ge3A_768 = arith.cmpf oge, %add3A_765, %ge3A_767 : vector<512x512xf32>
    %mul3A_769 = arith.constant 2.000000e-01 : f32
    %mul3A_770 = vector.broadcast %mul3A_769 : f32 to vector<512x512xf32>
    %mul3A_771 = arith.mulf %mul3A_770, %add3A_765 : vector<512x512xf32>
    %select_n3A_772 = arith.select %ge3A_768, %add3A_765, %mul3A_771 : vector<512x512xi1>, vector<512x512xf32>
    %add3A_773 = arith.addf %select_n3A_772, %select_n3A : vector<512x512xf32>
    %exp3A_774 = math.exp %add3A_773 : vector<512x512xf32>
    %broadcast_in_dim3A_775 = arith.constant 1.000000e+00 : f32
    %broadcast_in_dim3A_776 = vector.broadcast %broadcast_in_dim3A_775 : f32 to vector<512x1xf32>
    %concatenate3A_777 = tpu.concatenate %slice3A_752, %broadcast_in_dim3A_776 in 1 : vector<512x32xf32>, vector<512x1xf32> -> vector<512x33xf32>
    %dot_general3A_778 = arith.constant dense<0.000000e+00> : vector<512x33xf32>
    %dot_general3A_779 = tpu.matmul %exp3A_774, %concatenate3A_777, %dot_general3A_778 {dimension_numbers = #tpu.dot_dimension_numbers<[1], [0], [0], [1], [0, 0, 1, 1], [], []>, transpose_lhs_hint = false} : vector<512x512xf32>, vector<512x33xf32>, vector<512x33xf32> -> vector<512x33xf32>
    %slice3A_780 = vector.extract_strided_slice %dot_general3A_779 {offsets = [0, 0], sizes = [512, 32], strides = [1, 1]} : vector<512x33xf32> to vector<512x32xf32>
    %slice3A_781 = vector.extract_strided_slice %dot_general3A_779 {offsets = [0, 32], sizes = [512, 1], strides = [1, 1]} : vector<512x33xf32> to vector<512x1xf32>
    %add3A_782 = arith.constant 1.000000e-16 : f32
    %add3A_783 = vector.broadcast %add3A_782 : f32 to vector<512x1xf32>
    %add3A_784 = arith.addf %slice3A_781, %add3A_783 : vector<512x1xf32>
    %div3A_785 = vector.broadcast %add3A_784 : vector<512x1xf32> to vector<512x32xf32>
    %div3A_786 = arith.divf %slice3A_780, %div3A_785 : vector<512x32xf32>
    %slice3A_787 = vector.extract_strided_slice %dot_general3A_675 {offsets = [0, 96], sizes = [512, 32], strides = [1, 1]} : vector<512x256xf32> to vector<512x32xf32>
    %slice3A_788 = vector.extract_strided_slice %get3A_678 {offsets = [3, 0], sizes = [1, 32], strides = [1, 1]} : vector<8x32xf32> to vector<1x32xf32>
    %squeeze3A_789 = vector.shape_cast %slice3A_788 : vector<1x32xf32> to vector<32xf32>
    %reshape3A_790 = vector.shape_cast %squeeze3A_789 : vector<32xf32> to vector<1x32xf32>
    %slice3A_791 = vector.extract_strided_slice %get3A_681 {offsets = [3, 0], sizes = [1, 32], strides = [1, 1]} : vector<8x32xf32> to vector<1x32xf32>
    %squeeze3A_792 = vector.shape_cast %slice3A_791 : vector<1x32xf32> to vector<32xf32>
    %reshape3A_793 = vector.shape_cast %squeeze3A_792 : vector<32xf32> to vector<32x1xf32>
    %dot_general3A_794 = arith.constant dense<0.000000e+00> : vector<1x512xf32>
    %dot_general3A_795 = tpu.matmul %reshape3A_790, %slice3A_787, %dot_general3A_794 {dimension_numbers = #tpu.dot_dimension_numbers<[1], [1], [0], [0], [0, 0, 1, 0], [], []>, transpose_lhs_hint = false} : vector<1x32xf32>, vector<512x32xf32>, vector<1x512xf32> -> vector<1x512xf32>
    %dot_general3A_796 = arith.constant dense<0.000000e+00> : vector<512x1xf32>
    %dot_general3A_797 = tpu.matmul %slice3A_787, %reshape3A_793, %dot_general3A_796 {dimension_numbers = #tpu.dot_dimension_numbers<[1], [0], [0], [1], [0, 0, 1, 1], [], []>, transpose_lhs_hint = false} : vector<512x32xf32>, vector<32x1xf32>, vector<512x1xf32> -> vector<512x1xf32>
    %add3A_798 = vector.broadcast %dot_general3A_797 : vector<512x1xf32> to vector<512x512xf32>
    %add3A_799 = vector.broadcast %dot_general3A_795 : vector<1x512xf32> to vector<512x512xf32>
    %add3A_800 = arith.addf %add3A_798, %add3A_799 : vector<512x512xf32>
    %ge3A_801 = arith.constant 0.000000e+00 : f32
    %ge3A_802 = vector.broadcast %ge3A_801 : f32 to vector<512x512xf32>
    %ge3A_803 = arith.cmpf oge, %add3A_800, %ge3A_802 : vector<512x512xf32>
    %mul3A_804 = arith.constant 2.000000e-01 : f32
    %mul3A_805 = vector.broadcast %mul3A_804 : f32 to vector<512x512xf32>
    %mul3A_806 = arith.mulf %mul3A_805, %add3A_800 : vector<512x512xf32>
    %select_n3A_807 = arith.select %ge3A_803, %add3A_800, %mul3A_806 : vector<512x512xi1>, vector<512x512xf32>
    %add3A_808 = arith.addf %select_n3A_807, %select_n3A : vector<512x512xf32>
    %exp3A_809 = math.exp %add3A_808 : vector<512x512xf32>
    %broadcast_in_dim3A_810 = arith.constant 1.000000e+00 : f32
    %broadcast_in_dim3A_811 = vector.broadcast %broadcast_in_dim3A_810 : f32 to vector<512x1xf32>
    %concatenate3A_812 = tpu.concatenate %slice3A_787, %broadcast_in_dim3A_811 in 1 : vector<512x32xf32>, vector<512x1xf32> -> vector<512x33xf32>
    %dot_general3A_813 = arith.constant dense<0.000000e+00> : vector<512x33xf32>
    %dot_general3A_814 = tpu.matmul %exp3A_809, %concatenate3A_812, %dot_general3A_813 {dimension_numbers = #tpu.dot_dimension_numbers<[1], [0], [0], [1], [0, 0, 1, 1], [], []>, transpose_lhs_hint = false} : vector<512x512xf32>, vector<512x33xf32>, vector<512x33xf32> -> vector<512x33xf32>
    %slice3A_815 = vector.extract_strided_slice %dot_general3A_814 {offsets = [0, 0], sizes = [512, 32], strides = [1, 1]} : vector<512x33xf32> to vector<512x32xf32>
    %slice3A_816 = vector.extract_strided_slice %dot_general3A_814 {offsets = [0, 32], sizes = [512, 1], strides = [1, 1]} : vector<512x33xf32> to vector<512x1xf32>
    %add3A_817 = arith.constant 1.000000e-16 : f32
    %add3A_818 = vector.broadcast %add3A_817 : f32 to vector<512x1xf32>
    %add3A_819 = arith.addf %slice3A_816, %add3A_818 : vector<512x1xf32>
    %div3A_820 = vector.broadcast %add3A_819 : vector<512x1xf32> to vector<512x32xf32>
    %div3A_821 = arith.divf %slice3A_815, %div3A_820 : vector<512x32xf32>
    %slice3A_822 = vector.extract_strided_slice %dot_general3A_675 {offsets = [0, 128], sizes = [512, 32], strides = [1, 1]} : vector<512x256xf32> to vector<512x32xf32>
    %slice3A_823 = vector.extract_strided_slice %get3A_678 {offsets = [4, 0], sizes = [1, 32], strides = [1, 1]} : vector<8x32xf32> to vector<1x32xf32>
    %squeeze3A_824 = vector.shape_cast %slice3A_823 : vector<1x32xf32> to vector<32xf32>
    %reshape3A_825 = vector.shape_cast %squeeze3A_824 : vector<32xf32> to vector<1x32xf32>
    %slice3A_826 = vector.extract_strided_slice %get3A_681 {offsets = [4, 0], sizes = [1, 32], strides = [1, 1]} : vector<8x32xf32> to vector<1x32xf32>
    %squeeze3A_827 = vector.shape_cast %slice3A_826 : vector<1x32xf32> to vector<32xf32>
    %reshape3A_828 = vector.shape_cast %squeeze3A_827 : vector<32xf32> to vector<32x1xf32>
    %dot_general3A_829 = arith.constant dense<0.000000e+00> : vector<1x512xf32>
    %dot_general3A_830 = tpu.matmul %reshape3A_825, %slice3A_822, %dot_general3A_829 {dimension_numbers = #tpu.dot_dimension_numbers<[1], [1], [0], [0], [0, 0, 1, 0], [], []>, transpose_lhs_hint = false} : vector<1x32xf32>, vector<512x32xf32>, vector<1x512xf32> -> vector<1x512xf32>
    %dot_general3A_831 = arith.constant dense<0.000000e+00> : vector<512x1xf32>
    %dot_general3A_832 = tpu.matmul %slice3A_822, %reshape3A_828, %dot_general3A_831 {dimension_numbers = #tpu.dot_dimension_numbers<[1], [0], [0], [1], [0, 0, 1, 1], [], []>, transpose_lhs_hint = false} : vector<512x32xf32>, vector<32x1xf32>, vector<512x1xf32> -> vector<512x1xf32>
    %add3A_833 = vector.broadcast %dot_general3A_832 : vector<512x1xf32> to vector<512x512xf32>
    %add3A_834 = vector.broadcast %dot_general3A_830 : vector<1x512xf32> to vector<512x512xf32>
    %add3A_835 = arith.addf %add3A_833, %add3A_834 : vector<512x512xf32>
    %ge3A_836 = arith.constant 0.000000e+00 : f32
    %ge3A_837 = vector.broadcast %ge3A_836 : f32 to vector<512x512xf32>
    %ge3A_838 = arith.cmpf oge, %add3A_835, %ge3A_837 : vector<512x512xf32>
    %mul3A_839 = arith.constant 2.000000e-01 : f32
    %mul3A_840 = vector.broadcast %mul3A_839 : f32 to vector<512x512xf32>
    %mul3A_841 = arith.mulf %mul3A_840, %add3A_835 : vector<512x512xf32>
    %select_n3A_842 = arith.select %ge3A_838, %add3A_835, %mul3A_841 : vector<512x512xi1>, vector<512x512xf32>
    %add3A_843 = arith.addf %select_n3A_842, %select_n3A : vector<512x512xf32>
    %exp3A_844 = math.exp %add3A_843 : vector<512x512xf32>
    %broadcast_in_dim3A_845 = arith.constant 1.000000e+00 : f32
    %broadcast_in_dim3A_846 = vector.broadcast %broadcast_in_dim3A_845 : f32 to vector<512x1xf32>
    %concatenate3A_847 = tpu.concatenate %slice3A_822, %broadcast_in_dim3A_846 in 1 : vector<512x32xf32>, vector<512x1xf32> -> vector<512x33xf32>
    %dot_general3A_848 = arith.constant dense<0.000000e+00> : vector<512x33xf32>
    %dot_general3A_849 = tpu.matmul %exp3A_844, %concatenate3A_847, %dot_general3A_848 {dimension_numbers = #tpu.dot_dimension_numbers<[1], [0], [0], [1], [0, 0, 1, 1], [], []>, transpose_lhs_hint = false} : vector<512x512xf32>, vector<512x33xf32>, vector<512x33xf32> -> vector<512x33xf32>
    %slice3A_850 = vector.extract_strided_slice %dot_general3A_849 {offsets = [0, 0], sizes = [512, 32], strides = [1, 1]} : vector<512x33xf32> to vector<512x32xf32>
    %slice3A_851 = vector.extract_strided_slice %dot_general3A_849 {offsets = [0, 32], sizes = [512, 1], strides = [1, 1]} : vector<512x33xf32> to vector<512x1xf32>
    %add3A_852 = arith.constant 1.000000e-16 : f32
    %add3A_853 = vector.broadcast %add3A_852 : f32 to vector<512x1xf32>
    %add3A_854 = arith.addf %slice3A_851, %add3A_853 : vector<512x1xf32>
    %div3A_855 = vector.broadcast %add3A_854 : vector<512x1xf32> to vector<512x32xf32>
    %div3A_856 = arith.divf %slice3A_850, %div3A_855 : vector<512x32xf32>
    %slice3A_857 = vector.extract_strided_slice %dot_general3A_675 {offsets = [0, 160], sizes = [512, 32], strides = [1, 1]} : vector<512x256xf32> to vector<512x32xf32>
    %slice3A_858 = vector.extract_strided_slice %get3A_678 {offsets = [5, 0], sizes = [1, 32], strides = [1, 1]} : vector<8x32xf32> to vector<1x32xf32>
    %squeeze3A_859 = vector.shape_cast %slice3A_858 : vector<1x32xf32> to vector<32xf32>
    %reshape3A_860 = vector.shape_cast %squeeze3A_859 : vector<32xf32> to vector<1x32xf32>
    %slice3A_861 = vector.extract_strided_slice %get3A_681 {offsets = [5, 0], sizes = [1, 32], strides = [1, 1]} : vector<8x32xf32> to vector<1x32xf32>
    %squeeze3A_862 = vector.shape_cast %slice3A_861 : vector<1x32xf32> to vector<32xf32>
    %reshape3A_863 = vector.shape_cast %squeeze3A_862 : vector<32xf32> to vector<32x1xf32>
    %dot_general3A_864 = arith.constant dense<0.000000e+00> : vector<1x512xf32>
    %dot_general3A_865 = tpu.matmul %reshape3A_860, %slice3A_857, %dot_general3A_864 {dimension_numbers = #tpu.dot_dimension_numbers<[1], [1], [0], [0], [0, 0, 1, 0], [], []>, transpose_lhs_hint = false} : vector<1x32xf32>, vector<512x32xf32>, vector<1x512xf32> -> vector<1x512xf32>
    %dot_general3A_866 = arith.constant dense<0.000000e+00> : vector<512x1xf32>
    %dot_general3A_867 = tpu.matmul %slice3A_857, %reshape3A_863, %dot_general3A_866 {dimension_numbers = #tpu.dot_dimension_numbers<[1], [0], [0], [1], [0, 0, 1, 1], [], []>, transpose_lhs_hint = false} : vector<512x32xf32>, vector<32x1xf32>, vector<512x1xf32> -> vector<512x1xf32>
    %add3A_868 = vector.broadcast %dot_general3A_867 : vector<512x1xf32> to vector<512x512xf32>
    %add3A_869 = vector.broadcast %dot_general3A_865 : vector<1x512xf32> to vector<512x512xf32>
    %add3A_870 = arith.addf %add3A_868, %add3A_869 : vector<512x512xf32>
    %ge3A_871 = arith.constant 0.000000e+00 : f32
    %ge3A_872 = vector.broadcast %ge3A_871 : f32 to vector<512x512xf32>
    %ge3A_873 = arith.cmpf oge, %add3A_870, %ge3A_872 : vector<512x512xf32>
    %mul3A_874 = arith.constant 2.000000e-01 : f32
    %mul3A_875 = vector.broadcast %mul3A_874 : f32 to vector<512x512xf32>
    %mul3A_876 = arith.mulf %mul3A_875, %add3A_870 : vector<512x512xf32>
    %select_n3A_877 = arith.select %ge3A_873, %add3A_870, %mul3A_876 : vector<512x512xi1>, vector<512x512xf32>
    %add3A_878 = arith.addf %select_n3A_877, %select_n3A : vector<512x512xf32>
    %exp3A_879 = math.exp %add3A_878 : vector<512x512xf32>
    %broadcast_in_dim3A_880 = arith.constant 1.000000e+00 : f32
    %broadcast_in_dim3A_881 = vector.broadcast %broadcast_in_dim3A_880 : f32 to vector<512x1xf32>
    %concatenate3A_882 = tpu.concatenate %slice3A_857, %broadcast_in_dim3A_881 in 1 : vector<512x32xf32>, vector<512x1xf32> -> vector<512x33xf32>
    %dot_general3A_883 = arith.constant dense<0.000000e+00> : vector<512x33xf32>
    %dot_general3A_884 = tpu.matmul %exp3A_879, %concatenate3A_882, %dot_general3A_883 {dimension_numbers = #tpu.dot_dimension_numbers<[1], [0], [0], [1], [0, 0, 1, 1], [], []>, transpose_lhs_hint = false} : vector<512x512xf32>, vector<512x33xf32>, vector<512x33xf32> -> vector<512x33xf32>
    %slice3A_885 = vector.extract_strided_slice %dot_general3A_884 {offsets = [0, 0], sizes = [512, 32], strides = [1, 1]} : vector<512x33xf32> to vector<512x32xf32>
    %slice3A_886 = vector.extract_strided_slice %dot_general3A_884 {offsets = [0, 32], sizes = [512, 1], strides = [1, 1]} : vector<512x33xf32> to vector<512x1xf32>
    %add3A_887 = arith.constant 1.000000e-16 : f32
    %add3A_888 = vector.broadcast %add3A_887 : f32 to vector<512x1xf32>
    %add3A_889 = arith.addf %slice3A_886, %add3A_888 : vector<512x1xf32>
    %div3A_890 = vector.broadcast %add3A_889 : vector<512x1xf32> to vector<512x32xf32>
    %div3A_891 = arith.divf %slice3A_885, %div3A_890 : vector<512x32xf32>
    %slice3A_892 = vector.extract_strided_slice %dot_general3A_675 {offsets = [0, 192], sizes = [512, 32], strides = [1, 1]} : vector<512x256xf32> to vector<512x32xf32>
    %slice3A_893 = vector.extract_strided_slice %get3A_678 {offsets = [6, 0], sizes = [1, 32], strides = [1, 1]} : vector<8x32xf32> to vector<1x32xf32>
    %squeeze3A_894 = vector.shape_cast %slice3A_893 : vector<1x32xf32> to vector<32xf32>
    %reshape3A_895 = vector.shape_cast %squeeze3A_894 : vector<32xf32> to vector<1x32xf32>
    %slice3A_896 = vector.extract_strided_slice %get3A_681 {offsets = [6, 0], sizes = [1, 32], strides = [1, 1]} : vector<8x32xf32> to vector<1x32xf32>
    %squeeze3A_897 = vector.shape_cast %slice3A_896 : vector<1x32xf32> to vector<32xf32>
    %reshape3A_898 = vector.shape_cast %squeeze3A_897 : vector<32xf32> to vector<32x1xf32>
    %dot_general3A_899 = arith.constant dense<0.000000e+00> : vector<1x512xf32>
    %dot_general3A_900 = tpu.matmul %reshape3A_895, %slice3A_892, %dot_general3A_899 {dimension_numbers = #tpu.dot_dimension_numbers<[1], [1], [0], [0], [0, 0, 1, 0], [], []>, transpose_lhs_hint = false} : vector<1x32xf32>, vector<512x32xf32>, vector<1x512xf32> -> vector<1x512xf32>
    %dot_general3A_901 = arith.constant dense<0.000000e+00> : vector<512x1xf32>
    %dot_general3A_902 = tpu.matmul %slice3A_892, %reshape3A_898, %dot_general3A_901 {dimension_numbers = #tpu.dot_dimension_numbers<[1], [0], [0], [1], [0, 0, 1, 1], [], []>, transpose_lhs_hint = false} : vector<512x32xf32>, vector<32x1xf32>, vector<512x1xf32> -> vector<512x1xf32>
    %add3A_903 = vector.broadcast %dot_general3A_902 : vector<512x1xf32> to vector<512x512xf32>
    %add3A_904 = vector.broadcast %dot_general3A_900 : vector<1x512xf32> to vector<512x512xf32>
    %add3A_905 = arith.addf %add3A_903, %add3A_904 : vector<512x512xf32>
    %ge3A_906 = arith.constant 0.000000e+00 : f32
    %ge3A_907 = vector.broadcast %ge3A_906 : f32 to vector<512x512xf32>
    %ge3A_908 = arith.cmpf oge, %add3A_905, %ge3A_907 : vector<512x512xf32>
    %mul3A_909 = arith.constant 2.000000e-01 : f32
    %mul3A_910 = vector.broadcast %mul3A_909 : f32 to vector<512x512xf32>
    %mul3A_911 = arith.mulf %mul3A_910, %add3A_905 : vector<512x512xf32>
    %select_n3A_912 = arith.select %ge3A_908, %add3A_905, %mul3A_911 : vector<512x512xi1>, vector<512x512xf32>
    %add3A_913 = arith.addf %select_n3A_912, %select_n3A : vector<512x512xf32>
    %exp3A_914 = math.exp %add3A_913 : vector<512x512xf32>
    %broadcast_in_dim3A_915 = arith.constant 1.000000e+00 : f32
    %broadcast_in_dim3A_916 = vector.broadcast %broadcast_in_dim3A_915 : f32 to vector<512x1xf32>
    %concatenate3A_917 = tpu.concatenate %slice3A_892, %broadcast_in_dim3A_916 in 1 : vector<512x32xf32>, vector<512x1xf32> -> vector<512x33xf32>
    %dot_general3A_918 = arith.constant dense<0.000000e+00> : vector<512x33xf32>
    %dot_general3A_919 = tpu.matmul %exp3A_914, %concatenate3A_917, %dot_general3A_918 {dimension_numbers = #tpu.dot_dimension_numbers<[1], [0], [0], [1], [0, 0, 1, 1], [], []>, transpose_lhs_hint = false} : vector<512x512xf32>, vector<512x33xf32>, vector<512x33xf32> -> vector<512x33xf32>
    %slice3A_920 = vector.extract_strided_slice %dot_general3A_919 {offsets = [0, 0], sizes = [512, 32], strides = [1, 1]} : vector<512x33xf32> to vector<512x32xf32>
    %slice3A_921 = vector.extract_strided_slice %dot_general3A_919 {offsets = [0, 32], sizes = [512, 1], strides = [1, 1]} : vector<512x33xf32> to vector<512x1xf32>
    %add3A_922 = arith.constant 1.000000e-16 : f32
    %add3A_923 = vector.broadcast %add3A_922 : f32 to vector<512x1xf32>
    %add3A_924 = arith.addf %slice3A_921, %add3A_923 : vector<512x1xf32>
    %div3A_925 = vector.broadcast %add3A_924 : vector<512x1xf32> to vector<512x32xf32>
    %div3A_926 = arith.divf %slice3A_920, %div3A_925 : vector<512x32xf32>
    %slice3A_927 = vector.extract_strided_slice %dot_general3A_675 {offsets = [0, 224], sizes = [512, 32], strides = [1, 1]} : vector<512x256xf32> to vector<512x32xf32>
    %slice3A_928 = vector.extract_strided_slice %get3A_678 {offsets = [7, 0], sizes = [1, 32], strides = [1, 1]} : vector<8x32xf32> to vector<1x32xf32>
    %squeeze3A_929 = vector.shape_cast %slice3A_928 : vector<1x32xf32> to vector<32xf32>
    %reshape3A_930 = vector.shape_cast %squeeze3A_929 : vector<32xf32> to vector<1x32xf32>
    %slice3A_931 = vector.extract_strided_slice %get3A_681 {offsets = [7, 0], sizes = [1, 32], strides = [1, 1]} : vector<8x32xf32> to vector<1x32xf32>
    %squeeze3A_932 = vector.shape_cast %slice3A_931 : vector<1x32xf32> to vector<32xf32>
    %reshape3A_933 = vector.shape_cast %squeeze3A_932 : vector<32xf32> to vector<32x1xf32>
    %dot_general3A_934 = arith.constant dense<0.000000e+00> : vector<1x512xf32>
    %dot_general3A_935 = tpu.matmul %reshape3A_930, %slice3A_927, %dot_general3A_934 {dimension_numbers = #tpu.dot_dimension_numbers<[1], [1], [0], [0], [0, 0, 1, 0], [], []>, transpose_lhs_hint = false} : vector<1x32xf32>, vector<512x32xf32>, vector<1x512xf32> -> vector<1x512xf32>
    %dot_general3A_936 = arith.constant dense<0.000000e+00> : vector<512x1xf32>
    %dot_general3A_937 = tpu.matmul %slice3A_927, %reshape3A_933, %dot_general3A_936 {dimension_numbers = #tpu.dot_dimension_numbers<[1], [0], [0], [1], [0, 0, 1, 1], [], []>, transpose_lhs_hint = false} : vector<512x32xf32>, vector<32x1xf32>, vector<512x1xf32> -> vector<512x1xf32>
    %add3A_938 = vector.broadcast %dot_general3A_937 : vector<512x1xf32> to vector<512x512xf32>
    %add3A_939 = vector.broadcast %dot_general3A_935 : vector<1x512xf32> to vector<512x512xf32>
    %add3A_940 = arith.addf %add3A_938, %add3A_939 : vector<512x512xf32>
    %ge3A_941 = arith.constant 0.000000e+00 : f32
    %ge3A_942 = vector.broadcast %ge3A_941 : f32 to vector<512x512xf32>
    %ge3A_943 = arith.cmpf oge, %add3A_940, %ge3A_942 : vector<512x512xf32>
    %mul3A_944 = arith.constant 2.000000e-01 : f32
    %mul3A_945 = vector.broadcast %mul3A_944 : f32 to vector<512x512xf32>
    %mul3A_946 = arith.mulf %mul3A_945, %add3A_940 : vector<512x512xf32>
    %select_n3A_947 = arith.select %ge3A_943, %add3A_940, %mul3A_946 : vector<512x512xi1>, vector<512x512xf32>
    %add3A_948 = arith.addf %select_n3A_947, %select_n3A : vector<512x512xf32>
    %exp3A_949 = math.exp %add3A_948 : vector<512x512xf32>
    %broadcast_in_dim3A_950 = arith.constant 1.000000e+00 : f32
    %broadcast_in_dim3A_951 = vector.broadcast %broadcast_in_dim3A_950 : f32 to vector<512x1xf32>
    %concatenate3A_952 = tpu.concatenate %slice3A_927, %broadcast_in_dim3A_951 in 1 : vector<512x32xf32>, vector<512x1xf32> -> vector<512x33xf32>
    %dot_general3A_953 = arith.constant dense<0.000000e+00> : vector<512x33xf32>
    %dot_general3A_954 = tpu.matmul %exp3A_949, %concatenate3A_952, %dot_general3A_953 {dimension_numbers = #tpu.dot_dimension_numbers<[1], [0], [0], [1], [0, 0, 1, 1], [], []>, transpose_lhs_hint = false} : vector<512x512xf32>, vector<512x33xf32>, vector<512x33xf32> -> vector<512x33xf32>
    %slice3A_955 = vector.extract_strided_slice %dot_general3A_954 {offsets = [0, 0], sizes = [512, 32], strides = [1, 1]} : vector<512x33xf32> to vector<512x32xf32>
    %slice3A_956 = vector.extract_strided_slice %dot_general3A_954 {offsets = [0, 32], sizes = [512, 1], strides = [1, 1]} : vector<512x33xf32> to vector<512x1xf32>
    %add3A_957 = arith.constant 1.000000e-16 : f32
    %add3A_958 = vector.broadcast %add3A_957 : f32 to vector<512x1xf32>
    %add3A_959 = arith.addf %slice3A_956, %add3A_958 : vector<512x1xf32>
    %div3A_960 = vector.broadcast %add3A_959 : vector<512x1xf32> to vector<512x32xf32>
    %div3A_961 = arith.divf %slice3A_955, %div3A_960 : vector<512x32xf32>
    %concatenate3A_962 = tpu.concatenate %div3A_716, %div3A_751, %div3A_786, %div3A_821, %div3A_856, %div3A_891, %div3A_926, %div3A_961 in 1 : vector<512x32xf32>, vector<512x32xf32>, vector<512x32xf32>, vector<512x32xf32>, vector<512x32xf32>, vector<512x32xf32>, vector<512x32xf32>, vector<512x32xf32> -> vector<512x256xf32>
    %get3A_963 = arith.constant 0 : index
    %get3A_964 = vector.load %arg23[%get3A_963] : memref<256xf32, #tpu.memory_space<vmem>>, vector<256xf32>
    %broadcast_in_dim3A_965 = vector.shape_cast %get3A_964 : vector<256xf32> to vector<1x256xf32>
    %add3A_966 = vector.broadcast %broadcast_in_dim3A_965 : vector<1x256xf32> to vector<512x256xf32>
    %add3A_967 = arith.addf %concatenate3A_962, %add3A_966 : vector<512x256xf32>
    %add3A_968 = arith.addf %max3A_670, %add3A_967 : vector<512x256xf32>
    %max3A_969 = arith.constant 0.000000e+00 : f32
    %max3A_970 = vector.broadcast %max3A_969 : f32 to vector<512x256xf32>
    %max3A_971 = arith.maximumf %add3A_968, %max3A_970 : vector<512x256xf32>
    %get3A_972 = arith.constant 0 : index
    %get3A_973 = arith.constant 0 : index
    %get3A_974 = vector.load %arg24[%get3A_972, %get3A_973] : memref<256x256xf32, #tpu.memory_space<vmem>>, vector<256x256xf32>
    %dot_general3A_975 = arith.constant dense<0.000000e+00> : vector<512x256xf32>
    %dot_general3A_976 = tpu.matmul %max3A_971, %get3A_974, %dot_general3A_975 {dimension_numbers = #tpu.dot_dimension_numbers<[1], [0], [0], [1], [0, 0, 1, 1], [], []>, transpose_lhs_hint = false} : vector<512x256xf32>, vector<256x256xf32>, vector<512x256xf32> -> vector<512x256xf32>
    %get3A_977 = arith.constant 0 : index
    %get3A_978 = vector.load %arg25[%get3A_977] : memref<256xf32, #tpu.memory_space<vmem>>, vector<256xf32>
    %broadcast_in_dim3A_979 = vector.shape_cast %get3A_978 : vector<256xf32> to vector<1x256xf32>
    %add3A_980 = vector.broadcast %broadcast_in_dim3A_979 : vector<1x256xf32> to vector<512x256xf32>
    %add3A_981 = arith.addf %dot_general3A_976, %add3A_980 : vector<512x256xf32>
    %mul3A_982 = arith.constant 1.250000e-01 : f32
    %mul3A_983 = vector.broadcast %mul3A_982 : f32 to vector<512x256xf32>
    %mul3A_984 = arith.mulf %add3A_981, %mul3A_983 : vector<512x256xf32>
    %get3A_985 = arith.constant 0 : index
    %get3A_986 = arith.constant 0 : index
    %get3A_987 = vector.load %arg26[%get3A_985, %get3A_986] : memref<256x256xf32, #tpu.memory_space<vmem>>, vector<256x256xf32>
    %dot_general3A_988 = arith.constant dense<0.000000e+00> : vector<512x256xf32>
    %dot_general3A_989 = tpu.matmul %max3A_971, %get3A_987, %dot_general3A_988 {dimension_numbers = #tpu.dot_dimension_numbers<[1], [0], [0], [1], [0, 0, 1, 1], [], []>, transpose_lhs_hint = false} : vector<512x256xf32>, vector<256x256xf32>, vector<512x256xf32> -> vector<512x256xf32>
    %get3A_990 = arith.constant 0 : index
    %get3A_991 = vector.load %arg27[%get3A_990] : memref<256xf32, #tpu.memory_space<vmem>>, vector<256xf32>
    %broadcast_in_dim3A_992 = vector.shape_cast %get3A_991 : vector<256xf32> to vector<1x256xf32>
    %add3A_993 = vector.broadcast %broadcast_in_dim3A_992 : vector<1x256xf32> to vector<512x256xf32>
    %add3A_994 = arith.addf %dot_general3A_989, %add3A_993 : vector<512x256xf32>
    %get3A_995 = arith.constant 0 : index
    %get3A_996 = arith.constant 0 : index
    %get3A_997 = vector.load %arg28[%get3A_995, %get3A_996] : memref<256x256xf32, #tpu.memory_space<vmem>>, vector<256x256xf32>
    %dot_general3A_998 = arith.constant dense<0.000000e+00> : vector<512x256xf32>
    %dot_general3A_999 = tpu.matmul %max3A_971, %get3A_997, %dot_general3A_998 {dimension_numbers = #tpu.dot_dimension_numbers<[1], [0], [0], [1], [0, 0, 1, 1], [], []>, transpose_lhs_hint = false} : vector<512x256xf32>, vector<256x256xf32>, vector<512x256xf32> -> vector<512x256xf32>
    %get3A_1000 = arith.constant 0 : index
    %get3A_1001 = vector.load %arg29[%get3A_1000] : memref<256xf32, #tpu.memory_space<vmem>>, vector<256xf32>
    %broadcast_in_dim3A_1002 = vector.shape_cast %get3A_1001 : vector<256xf32> to vector<1x256xf32>
    %add3A_1003 = vector.broadcast %broadcast_in_dim3A_1002 : vector<1x256xf32> to vector<512x256xf32>
    %add3A_1004 = arith.addf %dot_general3A_999, %add3A_1003 : vector<512x256xf32>
    %slice3A_1005 = vector.extract_strided_slice %mul3A_984 {offsets = [0, 0], sizes = [512, 64], strides = [1, 1]} : vector<512x256xf32> to vector<512x64xf32>
    %slice3A_1006 = vector.extract_strided_slice %add3A_994 {offsets = [0, 0], sizes = [512, 64], strides = [1, 1]} : vector<512x256xf32> to vector<512x64xf32>
    %slice3A_1007 = vector.extract_strided_slice %add3A_1004 {offsets = [0, 0], sizes = [512, 64], strides = [1, 1]} : vector<512x256xf32> to vector<512x64xf32>
    %dot_general3A_1008 = arith.constant dense<0.000000e+00> : vector<512x512xf32>
    %dot_general3A_1009 = tpu.matmul %slice3A_1005, %slice3A_1006, %dot_general3A_1008 {dimension_numbers = #tpu.dot_dimension_numbers<[1], [1], [0], [0], [0, 0, 1, 0], [], []>, transpose_lhs_hint = false} : vector<512x64xf32>, vector<512x64xf32>, vector<512x512xf32> -> vector<512x512xf32>
    %add3A_1010 = arith.addf %dot_general3A_1009, %select_n3A_27 : vector<512x512xf32>
    %exp3A_1011 = math.exp %add3A_1010 : vector<512x512xf32>
    %broadcast_in_dim3A_1012 = arith.constant 1.000000e+00 : f32
    %broadcast_in_dim3A_1013 = vector.broadcast %broadcast_in_dim3A_1012 : f32 to vector<512x1xf32>
    %concatenate3A_1014 = tpu.concatenate %slice3A_1007, %broadcast_in_dim3A_1013 in 1 : vector<512x64xf32>, vector<512x1xf32> -> vector<512x65xf32>
    %dot_general3A_1015 = arith.constant dense<0.000000e+00> : vector<512x65xf32>
    %dot_general3A_1016 = tpu.matmul %exp3A_1011, %concatenate3A_1014, %dot_general3A_1015 {dimension_numbers = #tpu.dot_dimension_numbers<[1], [0], [0], [1], [0, 0, 1, 1], [], []>, transpose_lhs_hint = false} : vector<512x512xf32>, vector<512x65xf32>, vector<512x65xf32> -> vector<512x65xf32>
    %slice3A_1017 = vector.extract_strided_slice %dot_general3A_1016 {offsets = [0, 0], sizes = [512, 64], strides = [1, 1]} : vector<512x65xf32> to vector<512x64xf32>
    %slice3A_1018 = vector.extract_strided_slice %dot_general3A_1016 {offsets = [0, 64], sizes = [512, 1], strides = [1, 1]} : vector<512x65xf32> to vector<512x1xf32>
    %add3A_1019 = arith.constant 1.000000e-16 : f32
    %add3A_1020 = vector.broadcast %add3A_1019 : f32 to vector<512x1xf32>
    %add3A_1021 = arith.addf %slice3A_1018, %add3A_1020 : vector<512x1xf32>
    %div3A_1022 = vector.broadcast %add3A_1021 : vector<512x1xf32> to vector<512x64xf32>
    %div3A_1023 = arith.divf %slice3A_1017, %div3A_1022 : vector<512x64xf32>
    %slice3A_1024 = vector.extract_strided_slice %mul3A_984 {offsets = [0, 64], sizes = [512, 64], strides = [1, 1]} : vector<512x256xf32> to vector<512x64xf32>
    %slice3A_1025 = vector.extract_strided_slice %add3A_994 {offsets = [0, 64], sizes = [512, 64], strides = [1, 1]} : vector<512x256xf32> to vector<512x64xf32>
    %slice3A_1026 = vector.extract_strided_slice %add3A_1004 {offsets = [0, 64], sizes = [512, 64], strides = [1, 1]} : vector<512x256xf32> to vector<512x64xf32>
    %dot_general3A_1027 = arith.constant dense<0.000000e+00> : vector<512x512xf32>
    %dot_general3A_1028 = tpu.matmul %slice3A_1024, %slice3A_1025, %dot_general3A_1027 {dimension_numbers = #tpu.dot_dimension_numbers<[1], [1], [0], [0], [0, 0, 1, 0], [], []>, transpose_lhs_hint = false} : vector<512x64xf32>, vector<512x64xf32>, vector<512x512xf32> -> vector<512x512xf32>
    %add3A_1029 = arith.addf %dot_general3A_1028, %select_n3A_27 : vector<512x512xf32>
    %exp3A_1030 = math.exp %add3A_1029 : vector<512x512xf32>
    %broadcast_in_dim3A_1031 = arith.constant 1.000000e+00 : f32
    %broadcast_in_dim3A_1032 = vector.broadcast %broadcast_in_dim3A_1031 : f32 to vector<512x1xf32>
    %concatenate3A_1033 = tpu.concatenate %slice3A_1026, %broadcast_in_dim3A_1032 in 1 : vector<512x64xf32>, vector<512x1xf32> -> vector<512x65xf32>
    %dot_general3A_1034 = arith.constant dense<0.000000e+00> : vector<512x65xf32>
    %dot_general3A_1035 = tpu.matmul %exp3A_1030, %concatenate3A_1033, %dot_general3A_1034 {dimension_numbers = #tpu.dot_dimension_numbers<[1], [0], [0], [1], [0, 0, 1, 1], [], []>, transpose_lhs_hint = false} : vector<512x512xf32>, vector<512x65xf32>, vector<512x65xf32> -> vector<512x65xf32>
    %slice3A_1036 = vector.extract_strided_slice %dot_general3A_1035 {offsets = [0, 0], sizes = [512, 64], strides = [1, 1]} : vector<512x65xf32> to vector<512x64xf32>
    %slice3A_1037 = vector.extract_strided_slice %dot_general3A_1035 {offsets = [0, 64], sizes = [512, 1], strides = [1, 1]} : vector<512x65xf32> to vector<512x1xf32>
    %add3A_1038 = arith.constant 1.000000e-16 : f32
    %add3A_1039 = vector.broadcast %add3A_1038 : f32 to vector<512x1xf32>
    %add3A_1040 = arith.addf %slice3A_1037, %add3A_1039 : vector<512x1xf32>
    %div3A_1041 = vector.broadcast %add3A_1040 : vector<512x1xf32> to vector<512x64xf32>
    %div3A_1042 = arith.divf %slice3A_1036, %div3A_1041 : vector<512x64xf32>
    %slice3A_1043 = vector.extract_strided_slice %mul3A_984 {offsets = [0, 128], sizes = [512, 64], strides = [1, 1]} : vector<512x256xf32> to vector<512x64xf32>
    %slice3A_1044 = vector.extract_strided_slice %add3A_994 {offsets = [0, 128], sizes = [512, 64], strides = [1, 1]} : vector<512x256xf32> to vector<512x64xf32>
    %slice3A_1045 = vector.extract_strided_slice %add3A_1004 {offsets = [0, 128], sizes = [512, 64], strides = [1, 1]} : vector<512x256xf32> to vector<512x64xf32>
    %dot_general3A_1046 = arith.constant dense<0.000000e+00> : vector<512x512xf32>
    %dot_general3A_1047 = tpu.matmul %slice3A_1043, %slice3A_1044, %dot_general3A_1046 {dimension_numbers = #tpu.dot_dimension_numbers<[1], [1], [0], [0], [0, 0, 1, 0], [], []>, transpose_lhs_hint = false} : vector<512x64xf32>, vector<512x64xf32>, vector<512x512xf32> -> vector<512x512xf32>
    %add3A_1048 = arith.addf %dot_general3A_1047, %select_n3A_27 : vector<512x512xf32>
    %exp3A_1049 = math.exp %add3A_1048 : vector<512x512xf32>
    %broadcast_in_dim3A_1050 = arith.constant 1.000000e+00 : f32
    %broadcast_in_dim3A_1051 = vector.broadcast %broadcast_in_dim3A_1050 : f32 to vector<512x1xf32>
    %concatenate3A_1052 = tpu.concatenate %slice3A_1045, %broadcast_in_dim3A_1051 in 1 : vector<512x64xf32>, vector<512x1xf32> -> vector<512x65xf32>
    %dot_general3A_1053 = arith.constant dense<0.000000e+00> : vector<512x65xf32>
    %dot_general3A_1054 = tpu.matmul %exp3A_1049, %concatenate3A_1052, %dot_general3A_1053 {dimension_numbers = #tpu.dot_dimension_numbers<[1], [0], [0], [1], [0, 0, 1, 1], [], []>, transpose_lhs_hint = false} : vector<512x512xf32>, vector<512x65xf32>, vector<512x65xf32> -> vector<512x65xf32>
    %slice3A_1055 = vector.extract_strided_slice %dot_general3A_1054 {offsets = [0, 0], sizes = [512, 64], strides = [1, 1]} : vector<512x65xf32> to vector<512x64xf32>
    %slice3A_1056 = vector.extract_strided_slice %dot_general3A_1054 {offsets = [0, 64], sizes = [512, 1], strides = [1, 1]} : vector<512x65xf32> to vector<512x1xf32>
    %add3A_1057 = arith.constant 1.000000e-16 : f32
    %add3A_1058 = vector.broadcast %add3A_1057 : f32 to vector<512x1xf32>
    %add3A_1059 = arith.addf %slice3A_1056, %add3A_1058 : vector<512x1xf32>
    %div3A_1060 = vector.broadcast %add3A_1059 : vector<512x1xf32> to vector<512x64xf32>
    %div3A_1061 = arith.divf %slice3A_1055, %div3A_1060 : vector<512x64xf32>
    %slice3A_1062 = vector.extract_strided_slice %mul3A_984 {offsets = [0, 192], sizes = [512, 64], strides = [1, 1]} : vector<512x256xf32> to vector<512x64xf32>
    %slice3A_1063 = vector.extract_strided_slice %add3A_994 {offsets = [0, 192], sizes = [512, 64], strides = [1, 1]} : vector<512x256xf32> to vector<512x64xf32>
    %slice3A_1064 = vector.extract_strided_slice %add3A_1004 {offsets = [0, 192], sizes = [512, 64], strides = [1, 1]} : vector<512x256xf32> to vector<512x64xf32>
    %dot_general3A_1065 = arith.constant dense<0.000000e+00> : vector<512x512xf32>
    %dot_general3A_1066 = tpu.matmul %slice3A_1062, %slice3A_1063, %dot_general3A_1065 {dimension_numbers = #tpu.dot_dimension_numbers<[1], [1], [0], [0], [0, 0, 1, 0], [], []>, transpose_lhs_hint = false} : vector<512x64xf32>, vector<512x64xf32>, vector<512x512xf32> -> vector<512x512xf32>
    %add3A_1067 = arith.addf %dot_general3A_1066, %select_n3A_27 : vector<512x512xf32>
    %exp3A_1068 = math.exp %add3A_1067 : vector<512x512xf32>
    %broadcast_in_dim3A_1069 = arith.constant 1.000000e+00 : f32
    %broadcast_in_dim3A_1070 = vector.broadcast %broadcast_in_dim3A_1069 : f32 to vector<512x1xf32>
    %concatenate3A_1071 = tpu.concatenate %slice3A_1064, %broadcast_in_dim3A_1070 in 1 : vector<512x64xf32>, vector<512x1xf32> -> vector<512x65xf32>
    %dot_general3A_1072 = arith.constant dense<0.000000e+00> : vector<512x65xf32>
    %dot_general3A_1073 = tpu.matmul %exp3A_1068, %concatenate3A_1071, %dot_general3A_1072 {dimension_numbers = #tpu.dot_dimension_numbers<[1], [0], [0], [1], [0, 0, 1, 1], [], []>, transpose_lhs_hint = false} : vector<512x512xf32>, vector<512x65xf32>, vector<512x65xf32> -> vector<512x65xf32>
    %slice3A_1074 = vector.extract_strided_slice %dot_general3A_1073 {offsets = [0, 0], sizes = [512, 64], strides = [1, 1]} : vector<512x65xf32> to vector<512x64xf32>
    %slice3A_1075 = vector.extract_strided_slice %dot_general3A_1073 {offsets = [0, 64], sizes = [512, 1], strides = [1, 1]} : vector<512x65xf32> to vector<512x1xf32>
    %add3A_1076 = arith.constant 1.000000e-16 : f32
    %add3A_1077 = vector.broadcast %add3A_1076 : f32 to vector<512x1xf32>
    %add3A_1078 = arith.addf %slice3A_1075, %add3A_1077 : vector<512x1xf32>
    %div3A_1079 = vector.broadcast %add3A_1078 : vector<512x1xf32> to vector<512x64xf32>
    %div3A_1080 = arith.divf %slice3A_1074, %div3A_1079 : vector<512x64xf32>
    %concatenate3A_1081 = tpu.concatenate %div3A_1023, %div3A_1042, %div3A_1061, %div3A_1080 in 1 : vector<512x64xf32>, vector<512x64xf32>, vector<512x64xf32>, vector<512x64xf32> -> vector<512x256xf32>
    %get3A_1082 = arith.constant 0 : index
    %get3A_1083 = arith.constant 0 : index
    %get3A_1084 = vector.load %arg30[%get3A_1082, %get3A_1083] : memref<256x256xf32, #tpu.memory_space<vmem>>, vector<256x256xf32>
    %dot_general3A_1085 = arith.constant dense<0.000000e+00> : vector<512x256xf32>
    %dot_general3A_1086 = tpu.matmul %max3A_971, %get3A_1084, %dot_general3A_1085 {dimension_numbers = #tpu.dot_dimension_numbers<[1], [0], [0], [1], [0, 0, 1, 1], [], []>, transpose_lhs_hint = false} : vector<512x256xf32>, vector<256x256xf32>, vector<512x256xf32> -> vector<512x256xf32>
    %get3A_1087 = arith.constant 0 : index
    %get3A_1088 = vector.load %arg31[%get3A_1087] : memref<256xf32, #tpu.memory_space<vmem>>, vector<256xf32>
    %broadcast_in_dim3A_1089 = vector.shape_cast %get3A_1088 : vector<256xf32> to vector<1x256xf32>
    %add3A_1090 = vector.broadcast %broadcast_in_dim3A_1089 : vector<1x256xf32> to vector<512x256xf32>
    %add3A_1091 = arith.addf %dot_general3A_1086, %add3A_1090 : vector<512x256xf32>
    %add3A_1092 = arith.addf %concatenate3A_1081, %add3A_1091 : vector<512x256xf32>
    %add3A_1093 = arith.addf %max3A_971, %add3A_1092 : vector<512x256xf32>
    %max3A_1094 = arith.constant 0.000000e+00 : f32
    %max3A_1095 = vector.broadcast %max3A_1094 : f32 to vector<512x256xf32>
    %max3A_1096 = arith.maximumf %add3A_1093, %max3A_1095 : vector<512x256xf32>
    %get3A_1097 = arith.constant 0 : index
    %get3A_1098 = arith.constant 0 : index
    %get3A_1099 = vector.load %arg32[%get3A_1097, %get3A_1098] : memref<256x256xf32, #tpu.memory_space<vmem>>, vector<256x256xf32>
    %dot_general3A_1100 = arith.constant dense<0.000000e+00> : vector<512x256xf32>
    %dot_general3A_1101 = tpu.matmul %max3A_1096, %get3A_1099, %dot_general3A_1100 {dimension_numbers = #tpu.dot_dimension_numbers<[1], [0], [0], [1], [0, 0, 1, 1], [], []>, transpose_lhs_hint = false} : vector<512x256xf32>, vector<256x256xf32>, vector<512x256xf32> -> vector<512x256xf32>
    %get3A_1102 = arith.constant 0 : index
    %get3A_1103 = vector.load %arg33[%get3A_1102] : memref<256xf32, #tpu.memory_space<vmem>>, vector<256xf32>
    %broadcast_in_dim3A_1104 = vector.shape_cast %get3A_1103 : vector<256xf32> to vector<1x256xf32>
    %add3A_1105 = vector.broadcast %broadcast_in_dim3A_1104 : vector<1x256xf32> to vector<512x256xf32>
    %add3A_1106 = arith.addf %dot_general3A_1101, %add3A_1105 : vector<512x256xf32>
    %mul3A_1107 = arith.constant 1.250000e-01 : f32
    %mul3A_1108 = vector.broadcast %mul3A_1107 : f32 to vector<512x256xf32>
    %mul3A_1109 = arith.mulf %add3A_1106, %mul3A_1108 : vector<512x256xf32>
    %get3A_1110 = arith.constant 0 : index
    %get3A_1111 = arith.constant 0 : index
    %get3A_1112 = vector.load %arg34[%get3A_1110, %get3A_1111] : memref<256x256xf32, #tpu.memory_space<vmem>>, vector<256x256xf32>
    %dot_general3A_1113 = arith.constant dense<0.000000e+00> : vector<512x256xf32>
    %dot_general3A_1114 = tpu.matmul %max3A_1096, %get3A_1112, %dot_general3A_1113 {dimension_numbers = #tpu.dot_dimension_numbers<[1], [0], [0], [1], [0, 0, 1, 1], [], []>, transpose_lhs_hint = false} : vector<512x256xf32>, vector<256x256xf32>, vector<512x256xf32> -> vector<512x256xf32>
    %get3A_1115 = arith.constant 0 : index
    %get3A_1116 = vector.load %arg35[%get3A_1115] : memref<256xf32, #tpu.memory_space<vmem>>, vector<256xf32>
    %broadcast_in_dim3A_1117 = vector.shape_cast %get3A_1116 : vector<256xf32> to vector<1x256xf32>
    %add3A_1118 = vector.broadcast %broadcast_in_dim3A_1117 : vector<1x256xf32> to vector<512x256xf32>
    %add3A_1119 = arith.addf %dot_general3A_1114, %add3A_1118 : vector<512x256xf32>
    %get3A_1120 = arith.constant 0 : index
    %get3A_1121 = arith.constant 0 : index
    %get3A_1122 = vector.load %arg36[%get3A_1120, %get3A_1121] : memref<256x256xf32, #tpu.memory_space<vmem>>, vector<256x256xf32>
    %dot_general3A_1123 = arith.constant dense<0.000000e+00> : vector<512x256xf32>
    %dot_general3A_1124 = tpu.matmul %max3A_1096, %get3A_1122, %dot_general3A_1123 {dimension_numbers = #tpu.dot_dimension_numbers<[1], [0], [0], [1], [0, 0, 1, 1], [], []>, transpose_lhs_hint = false} : vector<512x256xf32>, vector<256x256xf32>, vector<512x256xf32> -> vector<512x256xf32>
    %get3A_1125 = arith.constant 0 : index
    %get3A_1126 = vector.load %arg37[%get3A_1125] : memref<256xf32, #tpu.memory_space<vmem>>, vector<256xf32>
    %broadcast_in_dim3A_1127 = vector.shape_cast %get3A_1126 : vector<256xf32> to vector<1x256xf32>
    %add3A_1128 = vector.broadcast %broadcast_in_dim3A_1127 : vector<1x256xf32> to vector<512x256xf32>
    %add3A_1129 = arith.addf %dot_general3A_1124, %add3A_1128 : vector<512x256xf32>
    %slice3A_1130 = vector.extract_strided_slice %mul3A_1109 {offsets = [0, 0], sizes = [512, 64], strides = [1, 1]} : vector<512x256xf32> to vector<512x64xf32>
    %slice3A_1131 = vector.extract_strided_slice %add3A_1119 {offsets = [0, 0], sizes = [512, 64], strides = [1, 1]} : vector<512x256xf32> to vector<512x64xf32>
    %slice3A_1132 = vector.extract_strided_slice %add3A_1129 {offsets = [0, 0], sizes = [512, 64], strides = [1, 1]} : vector<512x256xf32> to vector<512x64xf32>
    %dot_general3A_1133 = arith.constant dense<0.000000e+00> : vector<512x512xf32>
    %dot_general3A_1134 = tpu.matmul %slice3A_1130, %slice3A_1131, %dot_general3A_1133 {dimension_numbers = #tpu.dot_dimension_numbers<[1], [1], [0], [0], [0, 0, 1, 0], [], []>, transpose_lhs_hint = false} : vector<512x64xf32>, vector<512x64xf32>, vector<512x512xf32> -> vector<512x512xf32>
    %add3A_1135 = arith.addf %dot_general3A_1134, %select_n3A_27 : vector<512x512xf32>
    %exp3A_1136 = math.exp %add3A_1135 : vector<512x512xf32>
    %broadcast_in_dim3A_1137 = arith.constant 1.000000e+00 : f32
    %broadcast_in_dim3A_1138 = vector.broadcast %broadcast_in_dim3A_1137 : f32 to vector<512x1xf32>
    %concatenate3A_1139 = tpu.concatenate %slice3A_1132, %broadcast_in_dim3A_1138 in 1 : vector<512x64xf32>, vector<512x1xf32> -> vector<512x65xf32>
    %dot_general3A_1140 = arith.constant dense<0.000000e+00> : vector<512x65xf32>
    %dot_general3A_1141 = tpu.matmul %exp3A_1136, %concatenate3A_1139, %dot_general3A_1140 {dimension_numbers = #tpu.dot_dimension_numbers<[1], [0], [0], [1], [0, 0, 1, 1], [], []>, transpose_lhs_hint = false} : vector<512x512xf32>, vector<512x65xf32>, vector<512x65xf32> -> vector<512x65xf32>
    %slice3A_1142 = vector.extract_strided_slice %dot_general3A_1141 {offsets = [0, 0], sizes = [512, 64], strides = [1, 1]} : vector<512x65xf32> to vector<512x64xf32>
    %slice3A_1143 = vector.extract_strided_slice %dot_general3A_1141 {offsets = [0, 64], sizes = [512, 1], strides = [1, 1]} : vector<512x65xf32> to vector<512x1xf32>
    %add3A_1144 = arith.constant 1.000000e-16 : f32
    %add3A_1145 = vector.broadcast %add3A_1144 : f32 to vector<512x1xf32>
    %add3A_1146 = arith.addf %slice3A_1143, %add3A_1145 : vector<512x1xf32>
    %div3A_1147 = vector.broadcast %add3A_1146 : vector<512x1xf32> to vector<512x64xf32>
    %div3A_1148 = arith.divf %slice3A_1142, %div3A_1147 : vector<512x64xf32>
    %slice3A_1149 = vector.extract_strided_slice %mul3A_1109 {offsets = [0, 64], sizes = [512, 64], strides = [1, 1]} : vector<512x256xf32> to vector<512x64xf32>
    %slice3A_1150 = vector.extract_strided_slice %add3A_1119 {offsets = [0, 64], sizes = [512, 64], strides = [1, 1]} : vector<512x256xf32> to vector<512x64xf32>
    %slice3A_1151 = vector.extract_strided_slice %add3A_1129 {offsets = [0, 64], sizes = [512, 64], strides = [1, 1]} : vector<512x256xf32> to vector<512x64xf32>
    %dot_general3A_1152 = arith.constant dense<0.000000e+00> : vector<512x512xf32>
    %dot_general3A_1153 = tpu.matmul %slice3A_1149, %slice3A_1150, %dot_general3A_1152 {dimension_numbers = #tpu.dot_dimension_numbers<[1], [1], [0], [0], [0, 0, 1, 0], [], []>, transpose_lhs_hint = false} : vector<512x64xf32>, vector<512x64xf32>, vector<512x512xf32> -> vector<512x512xf32>
    %add3A_1154 = arith.addf %dot_general3A_1153, %select_n3A_27 : vector<512x512xf32>
    %exp3A_1155 = math.exp %add3A_1154 : vector<512x512xf32>
    %broadcast_in_dim3A_1156 = arith.constant 1.000000e+00 : f32
    %broadcast_in_dim3A_1157 = vector.broadcast %broadcast_in_dim3A_1156 : f32 to vector<512x1xf32>
    %concatenate3A_1158 = tpu.concatenate %slice3A_1151, %broadcast_in_dim3A_1157 in 1 : vector<512x64xf32>, vector<512x1xf32> -> vector<512x65xf32>
    %dot_general3A_1159 = arith.constant dense<0.000000e+00> : vector<512x65xf32>
    %dot_general3A_1160 = tpu.matmul %exp3A_1155, %concatenate3A_1158, %dot_general3A_1159 {dimension_numbers = #tpu.dot_dimension_numbers<[1], [0], [0], [1], [0, 0, 1, 1], [], []>, transpose_lhs_hint = false} : vector<512x512xf32>, vector<512x65xf32>, vector<512x65xf32> -> vector<512x65xf32>
    %slice3A_1161 = vector.extract_strided_slice %dot_general3A_1160 {offsets = [0, 0], sizes = [512, 64], strides = [1, 1]} : vector<512x65xf32> to vector<512x64xf32>
    %slice3A_1162 = vector.extract_strided_slice %dot_general3A_1160 {offsets = [0, 64], sizes = [512, 1], strides = [1, 1]} : vector<512x65xf32> to vector<512x1xf32>
    %add3A_1163 = arith.constant 1.000000e-16 : f32
    %add3A_1164 = vector.broadcast %add3A_1163 : f32 to vector<512x1xf32>
    %add3A_1165 = arith.addf %slice3A_1162, %add3A_1164 : vector<512x1xf32>
    %div3A_1166 = vector.broadcast %add3A_1165 : vector<512x1xf32> to vector<512x64xf32>
    %div3A_1167 = arith.divf %slice3A_1161, %div3A_1166 : vector<512x64xf32>
    %slice3A_1168 = vector.extract_strided_slice %mul3A_1109 {offsets = [0, 128], sizes = [512, 64], strides = [1, 1]} : vector<512x256xf32> to vector<512x64xf32>
    %slice3A_1169 = vector.extract_strided_slice %add3A_1119 {offsets = [0, 128], sizes = [512, 64], strides = [1, 1]} : vector<512x256xf32> to vector<512x64xf32>
    %slice3A_1170 = vector.extract_strided_slice %add3A_1129 {offsets = [0, 128], sizes = [512, 64], strides = [1, 1]} : vector<512x256xf32> to vector<512x64xf32>
    %dot_general3A_1171 = arith.constant dense<0.000000e+00> : vector<512x512xf32>
    %dot_general3A_1172 = tpu.matmul %slice3A_1168, %slice3A_1169, %dot_general3A_1171 {dimension_numbers = #tpu.dot_dimension_numbers<[1], [1], [0], [0], [0, 0, 1, 0], [], []>, transpose_lhs_hint = false} : vector<512x64xf32>, vector<512x64xf32>, vector<512x512xf32> -> vector<512x512xf32>
    %add3A_1173 = arith.addf %dot_general3A_1172, %select_n3A_27 : vector<512x512xf32>
    %exp3A_1174 = math.exp %add3A_1173 : vector<512x512xf32>
    %broadcast_in_dim3A_1175 = arith.constant 1.000000e+00 : f32
    %broadcast_in_dim3A_1176 = vector.broadcast %broadcast_in_dim3A_1175 : f32 to vector<512x1xf32>
    %concatenate3A_1177 = tpu.concatenate %slice3A_1170, %broadcast_in_dim3A_1176 in 1 : vector<512x64xf32>, vector<512x1xf32> -> vector<512x65xf32>
    %dot_general3A_1178 = arith.constant dense<0.000000e+00> : vector<512x65xf32>
    %dot_general3A_1179 = tpu.matmul %exp3A_1174, %concatenate3A_1177, %dot_general3A_1178 {dimension_numbers = #tpu.dot_dimension_numbers<[1], [0], [0], [1], [0, 0, 1, 1], [], []>, transpose_lhs_hint = false} : vector<512x512xf32>, vector<512x65xf32>, vector<512x65xf32> -> vector<512x65xf32>
    %slice3A_1180 = vector.extract_strided_slice %dot_general3A_1179 {offsets = [0, 0], sizes = [512, 64], strides = [1, 1]} : vector<512x65xf32> to vector<512x64xf32>
    %slice3A_1181 = vector.extract_strided_slice %dot_general3A_1179 {offsets = [0, 64], sizes = [512, 1], strides = [1, 1]} : vector<512x65xf32> to vector<512x1xf32>
    %add3A_1182 = arith.constant 1.000000e-16 : f32
    %add3A_1183 = vector.broadcast %add3A_1182 : f32 to vector<512x1xf32>
    %add3A_1184 = arith.addf %slice3A_1181, %add3A_1183 : vector<512x1xf32>
    %div3A_1185 = vector.broadcast %add3A_1184 : vector<512x1xf32> to vector<512x64xf32>
    %div3A_1186 = arith.divf %slice3A_1180, %div3A_1185 : vector<512x64xf32>
    %slice3A_1187 = vector.extract_strided_slice %mul3A_1109 {offsets = [0, 192], sizes = [512, 64], strides = [1, 1]} : vector<512x256xf32> to vector<512x64xf32>
    %slice3A_1188 = vector.extract_strided_slice %add3A_1119 {offsets = [0, 192], sizes = [512, 64], strides = [1, 1]} : vector<512x256xf32> to vector<512x64xf32>
    %slice3A_1189 = vector.extract_strided_slice %add3A_1129 {offsets = [0, 192], sizes = [512, 64], strides = [1, 1]} : vector<512x256xf32> to vector<512x64xf32>
    %dot_general3A_1190 = arith.constant dense<0.000000e+00> : vector<512x512xf32>
    %dot_general3A_1191 = tpu.matmul %slice3A_1187, %slice3A_1188, %dot_general3A_1190 {dimension_numbers = #tpu.dot_dimension_numbers<[1], [1], [0], [0], [0, 0, 1, 0], [], []>, transpose_lhs_hint = false} : vector<512x64xf32>, vector<512x64xf32>, vector<512x512xf32> -> vector<512x512xf32>
    %add3A_1192 = arith.addf %dot_general3A_1191, %select_n3A_27 : vector<512x512xf32>
    %exp3A_1193 = math.exp %add3A_1192 : vector<512x512xf32>
    %broadcast_in_dim3A_1194 = arith.constant 1.000000e+00 : f32
    %broadcast_in_dim3A_1195 = vector.broadcast %broadcast_in_dim3A_1194 : f32 to vector<512x1xf32>
    %concatenate3A_1196 = tpu.concatenate %slice3A_1189, %broadcast_in_dim3A_1195 in 1 : vector<512x64xf32>, vector<512x1xf32> -> vector<512x65xf32>
    %dot_general3A_1197 = arith.constant dense<0.000000e+00> : vector<512x65xf32>
    %dot_general3A_1198 = tpu.matmul %exp3A_1193, %concatenate3A_1196, %dot_general3A_1197 {dimension_numbers = #tpu.dot_dimension_numbers<[1], [0], [0], [1], [0, 0, 1, 1], [], []>, transpose_lhs_hint = false} : vector<512x512xf32>, vector<512x65xf32>, vector<512x65xf32> -> vector<512x65xf32>
    %slice3A_1199 = vector.extract_strided_slice %dot_general3A_1198 {offsets = [0, 0], sizes = [512, 64], strides = [1, 1]} : vector<512x65xf32> to vector<512x64xf32>
    %slice3A_1200 = vector.extract_strided_slice %dot_general3A_1198 {offsets = [0, 64], sizes = [512, 1], strides = [1, 1]} : vector<512x65xf32> to vector<512x1xf32>
    %add3A_1201 = arith.constant 1.000000e-16 : f32
    %add3A_1202 = vector.broadcast %add3A_1201 : f32 to vector<512x1xf32>
    %add3A_1203 = arith.addf %slice3A_1200, %add3A_1202 : vector<512x1xf32>
    %div3A_1204 = vector.broadcast %add3A_1203 : vector<512x1xf32> to vector<512x64xf32>
    %div3A_1205 = arith.divf %slice3A_1199, %div3A_1204 : vector<512x64xf32>
    %concatenate3A_1206 = tpu.concatenate %div3A_1148, %div3A_1167, %div3A_1186, %div3A_1205 in 1 : vector<512x64xf32>, vector<512x64xf32>, vector<512x64xf32>, vector<512x64xf32> -> vector<512x256xf32>
    %get3A_1207 = arith.constant 0 : index
    %get3A_1208 = arith.constant 0 : index
    %get3A_1209 = vector.load %arg38[%get3A_1207, %get3A_1208] : memref<256x256xf32, #tpu.memory_space<vmem>>, vector<256x256xf32>
    %dot_general3A_1210 = arith.constant dense<0.000000e+00> : vector<512x256xf32>
    %dot_general3A_1211 = tpu.matmul %max3A_1096, %get3A_1209, %dot_general3A_1210 {dimension_numbers = #tpu.dot_dimension_numbers<[1], [0], [0], [1], [0, 0, 1, 1], [], []>, transpose_lhs_hint = false} : vector<512x256xf32>, vector<256x256xf32>, vector<512x256xf32> -> vector<512x256xf32>
    %get3A_1212 = arith.constant 0 : index
    %get3A_1213 = vector.load %arg39[%get3A_1212] : memref<256xf32, #tpu.memory_space<vmem>>, vector<256xf32>
    %broadcast_in_dim3A_1214 = vector.shape_cast %get3A_1213 : vector<256xf32> to vector<1x256xf32>
    %add3A_1215 = vector.broadcast %broadcast_in_dim3A_1214 : vector<1x256xf32> to vector<512x256xf32>
    %add3A_1216 = arith.addf %dot_general3A_1211, %add3A_1215 : vector<512x256xf32>
    %add3A_1217 = arith.addf %concatenate3A_1206, %add3A_1216 : vector<512x256xf32>
    %add3A_1218 = arith.addf %max3A_1096, %add3A_1217 : vector<512x256xf32>
    %max3A_1219 = arith.constant 0.000000e+00 : f32
    %max3A_1220 = vector.broadcast %max3A_1219 : f32 to vector<512x256xf32>
    %max3A_1221 = arith.maximumf %add3A_1218, %max3A_1220 : vector<512x256xf32>
    %get3A_1222 = arith.constant 0 : index
    %get3A_1223 = arith.constant 0 : index
    %get3A_1224 = vector.load %arg40[%get3A_1222, %get3A_1223] : memref<256x256xf32, #tpu.memory_space<vmem>>, vector<256x256xf32>
    %dot_general3A_1225 = arith.constant dense<0.000000e+00> : vector<512x256xf32>
    %dot_general3A_1226 = tpu.matmul %max3A_1221, %get3A_1224, %dot_general3A_1225 {dimension_numbers = #tpu.dot_dimension_numbers<[1], [0], [0], [1], [0, 0, 1, 1], [], []>, transpose_lhs_hint = false} : vector<512x256xf32>, vector<256x256xf32>, vector<512x256xf32> -> vector<512x256xf32>
    %get3A_1227 = arith.constant 0 : index
    %get3A_1228 = vector.load %arg41[%get3A_1227] : memref<256xf32, #tpu.memory_space<vmem>>, vector<256xf32>
    %broadcast_in_dim3A_1229 = vector.shape_cast %get3A_1228 : vector<256xf32> to vector<1x256xf32>
    %add3A_1230 = vector.broadcast %broadcast_in_dim3A_1229 : vector<1x256xf32> to vector<512x256xf32>
    %add3A_1231 = arith.addf %dot_general3A_1226, %add3A_1230 : vector<512x256xf32>
    %mul3A_1232 = arith.constant 1.250000e-01 : f32
    %mul3A_1233 = vector.broadcast %mul3A_1232 : f32 to vector<512x256xf32>
    %mul3A_1234 = arith.mulf %add3A_1231, %mul3A_1233 : vector<512x256xf32>
    %get3A_1235 = arith.constant 0 : index
    %get3A_1236 = arith.constant 0 : index
    %get3A_1237 = vector.load %arg42[%get3A_1235, %get3A_1236] : memref<256x256xf32, #tpu.memory_space<vmem>>, vector<256x256xf32>
    %dot_general3A_1238 = arith.constant dense<0.000000e+00> : vector<512x256xf32>
    %dot_general3A_1239 = tpu.matmul %max3A_1221, %get3A_1237, %dot_general3A_1238 {dimension_numbers = #tpu.dot_dimension_numbers<[1], [0], [0], [1], [0, 0, 1, 1], [], []>, transpose_lhs_hint = false} : vector<512x256xf32>, vector<256x256xf32>, vector<512x256xf32> -> vector<512x256xf32>
    %get3A_1240 = arith.constant 0 : index
    %get3A_1241 = vector.load %arg43[%get3A_1240] : memref<256xf32, #tpu.memory_space<vmem>>, vector<256xf32>
    %broadcast_in_dim3A_1242 = vector.shape_cast %get3A_1241 : vector<256xf32> to vector<1x256xf32>
    %add3A_1243 = vector.broadcast %broadcast_in_dim3A_1242 : vector<1x256xf32> to vector<512x256xf32>
    %add3A_1244 = arith.addf %dot_general3A_1239, %add3A_1243 : vector<512x256xf32>
    %get3A_1245 = arith.constant 0 : index
    %get3A_1246 = arith.constant 0 : index
    %get3A_1247 = vector.load %arg44[%get3A_1245, %get3A_1246] : memref<256x256xf32, #tpu.memory_space<vmem>>, vector<256x256xf32>
    %dot_general3A_1248 = arith.constant dense<0.000000e+00> : vector<512x256xf32>
    %dot_general3A_1249 = tpu.matmul %max3A_1221, %get3A_1247, %dot_general3A_1248 {dimension_numbers = #tpu.dot_dimension_numbers<[1], [0], [0], [1], [0, 0, 1, 1], [], []>, transpose_lhs_hint = false} : vector<512x256xf32>, vector<256x256xf32>, vector<512x256xf32> -> vector<512x256xf32>
    %get3A_1250 = arith.constant 0 : index
    %get3A_1251 = vector.load %arg45[%get3A_1250] : memref<256xf32, #tpu.memory_space<vmem>>, vector<256xf32>
    %broadcast_in_dim3A_1252 = vector.shape_cast %get3A_1251 : vector<256xf32> to vector<1x256xf32>
    %add3A_1253 = vector.broadcast %broadcast_in_dim3A_1252 : vector<1x256xf32> to vector<512x256xf32>
    %add3A_1254 = arith.addf %dot_general3A_1249, %add3A_1253 : vector<512x256xf32>
    %slice3A_1255 = vector.extract_strided_slice %mul3A_1234 {offsets = [0, 0], sizes = [512, 64], strides = [1, 1]} : vector<512x256xf32> to vector<512x64xf32>
    %slice3A_1256 = vector.extract_strided_slice %add3A_1244 {offsets = [0, 0], sizes = [512, 64], strides = [1, 1]} : vector<512x256xf32> to vector<512x64xf32>
    %slice3A_1257 = vector.extract_strided_slice %add3A_1254 {offsets = [0, 0], sizes = [512, 64], strides = [1, 1]} : vector<512x256xf32> to vector<512x64xf32>
    %dot_general3A_1258 = arith.constant dense<0.000000e+00> : vector<512x512xf32>
    %dot_general3A_1259 = tpu.matmul %slice3A_1255, %slice3A_1256, %dot_general3A_1258 {dimension_numbers = #tpu.dot_dimension_numbers<[1], [1], [0], [0], [0, 0, 1, 0], [], []>, transpose_lhs_hint = false} : vector<512x64xf32>, vector<512x64xf32>, vector<512x512xf32> -> vector<512x512xf32>
    %add3A_1260 = arith.addf %dot_general3A_1259, %select_n3A_27 : vector<512x512xf32>
    %exp3A_1261 = math.exp %add3A_1260 : vector<512x512xf32>
    %broadcast_in_dim3A_1262 = arith.constant 1.000000e+00 : f32
    %broadcast_in_dim3A_1263 = vector.broadcast %broadcast_in_dim3A_1262 : f32 to vector<512x1xf32>
    %concatenate3A_1264 = tpu.concatenate %slice3A_1257, %broadcast_in_dim3A_1263 in 1 : vector<512x64xf32>, vector<512x1xf32> -> vector<512x65xf32>
    %dot_general3A_1265 = arith.constant dense<0.000000e+00> : vector<512x65xf32>
    %dot_general3A_1266 = tpu.matmul %exp3A_1261, %concatenate3A_1264, %dot_general3A_1265 {dimension_numbers = #tpu.dot_dimension_numbers<[1], [0], [0], [1], [0, 0, 1, 1], [], []>, transpose_lhs_hint = false} : vector<512x512xf32>, vector<512x65xf32>, vector<512x65xf32> -> vector<512x65xf32>
    %slice3A_1267 = vector.extract_strided_slice %dot_general3A_1266 {offsets = [0, 0], sizes = [512, 64], strides = [1, 1]} : vector<512x65xf32> to vector<512x64xf32>
    %slice3A_1268 = vector.extract_strided_slice %dot_general3A_1266 {offsets = [0, 64], sizes = [512, 1], strides = [1, 1]} : vector<512x65xf32> to vector<512x1xf32>
    %add3A_1269 = arith.constant 1.000000e-16 : f32
    %add3A_1270 = vector.broadcast %add3A_1269 : f32 to vector<512x1xf32>
    %add3A_1271 = arith.addf %slice3A_1268, %add3A_1270 : vector<512x1xf32>
    %div3A_1272 = vector.broadcast %add3A_1271 : vector<512x1xf32> to vector<512x64xf32>
    %div3A_1273 = arith.divf %slice3A_1267, %div3A_1272 : vector<512x64xf32>
    %slice3A_1274 = vector.extract_strided_slice %mul3A_1234 {offsets = [0, 64], sizes = [512, 64], strides = [1, 1]} : vector<512x256xf32> to vector<512x64xf32>
    %slice3A_1275 = vector.extract_strided_slice %add3A_1244 {offsets = [0, 64], sizes = [512, 64], strides = [1, 1]} : vector<512x256xf32> to vector<512x64xf32>
    %slice3A_1276 = vector.extract_strided_slice %add3A_1254 {offsets = [0, 64], sizes = [512, 64], strides = [1, 1]} : vector<512x256xf32> to vector<512x64xf32>
    %dot_general3A_1277 = arith.constant dense<0.000000e+00> : vector<512x512xf32>
    %dot_general3A_1278 = tpu.matmul %slice3A_1274, %slice3A_1275, %dot_general3A_1277 {dimension_numbers = #tpu.dot_dimension_numbers<[1], [1], [0], [0], [0, 0, 1, 0], [], []>, transpose_lhs_hint = false} : vector<512x64xf32>, vector<512x64xf32>, vector<512x512xf32> -> vector<512x512xf32>
    %add3A_1279 = arith.addf %dot_general3A_1278, %select_n3A_27 : vector<512x512xf32>
    %exp3A_1280 = math.exp %add3A_1279 : vector<512x512xf32>
    %broadcast_in_dim3A_1281 = arith.constant 1.000000e+00 : f32
    %broadcast_in_dim3A_1282 = vector.broadcast %broadcast_in_dim3A_1281 : f32 to vector<512x1xf32>
    %concatenate3A_1283 = tpu.concatenate %slice3A_1276, %broadcast_in_dim3A_1282 in 1 : vector<512x64xf32>, vector<512x1xf32> -> vector<512x65xf32>
    %dot_general3A_1284 = arith.constant dense<0.000000e+00> : vector<512x65xf32>
    %dot_general3A_1285 = tpu.matmul %exp3A_1280, %concatenate3A_1283, %dot_general3A_1284 {dimension_numbers = #tpu.dot_dimension_numbers<[1], [0], [0], [1], [0, 0, 1, 1], [], []>, transpose_lhs_hint = false} : vector<512x512xf32>, vector<512x65xf32>, vector<512x65xf32> -> vector<512x65xf32>
    %slice3A_1286 = vector.extract_strided_slice %dot_general3A_1285 {offsets = [0, 0], sizes = [512, 64], strides = [1, 1]} : vector<512x65xf32> to vector<512x64xf32>
    %slice3A_1287 = vector.extract_strided_slice %dot_general3A_1285 {offsets = [0, 64], sizes = [512, 1], strides = [1, 1]} : vector<512x65xf32> to vector<512x1xf32>
    %add3A_1288 = arith.constant 1.000000e-16 : f32
    %add3A_1289 = vector.broadcast %add3A_1288 : f32 to vector<512x1xf32>
    %add3A_1290 = arith.addf %slice3A_1287, %add3A_1289 : vector<512x1xf32>
    %div3A_1291 = vector.broadcast %add3A_1290 : vector<512x1xf32> to vector<512x64xf32>
    %div3A_1292 = arith.divf %slice3A_1286, %div3A_1291 : vector<512x64xf32>
    %slice3A_1293 = vector.extract_strided_slice %mul3A_1234 {offsets = [0, 128], sizes = [512, 64], strides = [1, 1]} : vector<512x256xf32> to vector<512x64xf32>
    %slice3A_1294 = vector.extract_strided_slice %add3A_1244 {offsets = [0, 128], sizes = [512, 64], strides = [1, 1]} : vector<512x256xf32> to vector<512x64xf32>
    %slice3A_1295 = vector.extract_strided_slice %add3A_1254 {offsets = [0, 128], sizes = [512, 64], strides = [1, 1]} : vector<512x256xf32> to vector<512x64xf32>
    %dot_general3A_1296 = arith.constant dense<0.000000e+00> : vector<512x512xf32>
    %dot_general3A_1297 = tpu.matmul %slice3A_1293, %slice3A_1294, %dot_general3A_1296 {dimension_numbers = #tpu.dot_dimension_numbers<[1], [1], [0], [0], [0, 0, 1, 0], [], []>, transpose_lhs_hint = false} : vector<512x64xf32>, vector<512x64xf32>, vector<512x512xf32> -> vector<512x512xf32>
    %add3A_1298 = arith.addf %dot_general3A_1297, %select_n3A_27 : vector<512x512xf32>
    %exp3A_1299 = math.exp %add3A_1298 : vector<512x512xf32>
    %broadcast_in_dim3A_1300 = arith.constant 1.000000e+00 : f32
    %broadcast_in_dim3A_1301 = vector.broadcast %broadcast_in_dim3A_1300 : f32 to vector<512x1xf32>
    %concatenate3A_1302 = tpu.concatenate %slice3A_1295, %broadcast_in_dim3A_1301 in 1 : vector<512x64xf32>, vector<512x1xf32> -> vector<512x65xf32>
    %dot_general3A_1303 = arith.constant dense<0.000000e+00> : vector<512x65xf32>
    %dot_general3A_1304 = tpu.matmul %exp3A_1299, %concatenate3A_1302, %dot_general3A_1303 {dimension_numbers = #tpu.dot_dimension_numbers<[1], [0], [0], [1], [0, 0, 1, 1], [], []>, transpose_lhs_hint = false} : vector<512x512xf32>, vector<512x65xf32>, vector<512x65xf32> -> vector<512x65xf32>
    %slice3A_1305 = vector.extract_strided_slice %dot_general3A_1304 {offsets = [0, 0], sizes = [512, 64], strides = [1, 1]} : vector<512x65xf32> to vector<512x64xf32>
    %slice3A_1306 = vector.extract_strided_slice %dot_general3A_1304 {offsets = [0, 64], sizes = [512, 1], strides = [1, 1]} : vector<512x65xf32> to vector<512x1xf32>
    %add3A_1307 = arith.constant 1.000000e-16 : f32
    %add3A_1308 = vector.broadcast %add3A_1307 : f32 to vector<512x1xf32>
    %add3A_1309 = arith.addf %slice3A_1306, %add3A_1308 : vector<512x1xf32>
    %div3A_1310 = vector.broadcast %add3A_1309 : vector<512x1xf32> to vector<512x64xf32>
    %div3A_1311 = arith.divf %slice3A_1305, %div3A_1310 : vector<512x64xf32>
    %slice3A_1312 = vector.extract_strided_slice %mul3A_1234 {offsets = [0, 192], sizes = [512, 64], strides = [1, 1]} : vector<512x256xf32> to vector<512x64xf32>
    %slice3A_1313 = vector.extract_strided_slice %add3A_1244 {offsets = [0, 192], sizes = [512, 64], strides = [1, 1]} : vector<512x256xf32> to vector<512x64xf32>
    %slice3A_1314 = vector.extract_strided_slice %add3A_1254 {offsets = [0, 192], sizes = [512, 64], strides = [1, 1]} : vector<512x256xf32> to vector<512x64xf32>
    %dot_general3A_1315 = arith.constant dense<0.000000e+00> : vector<512x512xf32>
    %dot_general3A_1316 = tpu.matmul %slice3A_1312, %slice3A_1313, %dot_general3A_1315 {dimension_numbers = #tpu.dot_dimension_numbers<[1], [1], [0], [0], [0, 0, 1, 0], [], []>, transpose_lhs_hint = false} : vector<512x64xf32>, vector<512x64xf32>, vector<512x512xf32> -> vector<512x512xf32>
    %add3A_1317 = arith.addf %dot_general3A_1316, %select_n3A_27 : vector<512x512xf32>
    %exp3A_1318 = math.exp %add3A_1317 : vector<512x512xf32>
    %broadcast_in_dim3A_1319 = arith.constant 1.000000e+00 : f32
    %broadcast_in_dim3A_1320 = vector.broadcast %broadcast_in_dim3A_1319 : f32 to vector<512x1xf32>
    %concatenate3A_1321 = tpu.concatenate %slice3A_1314, %broadcast_in_dim3A_1320 in 1 : vector<512x64xf32>, vector<512x1xf32> -> vector<512x65xf32>
    %dot_general3A_1322 = arith.constant dense<0.000000e+00> : vector<512x65xf32>
    %dot_general3A_1323 = tpu.matmul %exp3A_1318, %concatenate3A_1321, %dot_general3A_1322 {dimension_numbers = #tpu.dot_dimension_numbers<[1], [0], [0], [1], [0, 0, 1, 1], [], []>, transpose_lhs_hint = false} : vector<512x512xf32>, vector<512x65xf32>, vector<512x65xf32> -> vector<512x65xf32>
    %slice3A_1324 = vector.extract_strided_slice %dot_general3A_1323 {offsets = [0, 0], sizes = [512, 64], strides = [1, 1]} : vector<512x65xf32> to vector<512x64xf32>
    %slice3A_1325 = vector.extract_strided_slice %dot_general3A_1323 {offsets = [0, 64], sizes = [512, 1], strides = [1, 1]} : vector<512x65xf32> to vector<512x1xf32>
    %add3A_1326 = arith.constant 1.000000e-16 : f32
    %add3A_1327 = vector.broadcast %add3A_1326 : f32 to vector<512x1xf32>
    %add3A_1328 = arith.addf %slice3A_1325, %add3A_1327 : vector<512x1xf32>
    %div3A_1329 = vector.broadcast %add3A_1328 : vector<512x1xf32> to vector<512x64xf32>
    %div3A_1330 = arith.divf %slice3A_1324, %div3A_1329 : vector<512x64xf32>
    %concatenate3A_1331 = tpu.concatenate %div3A_1273, %div3A_1292, %div3A_1311, %div3A_1330 in 1 : vector<512x64xf32>, vector<512x64xf32>, vector<512x64xf32>, vector<512x64xf32> -> vector<512x256xf32>
    %get3A_1332 = arith.constant 0 : index
    %get3A_1333 = arith.constant 0 : index
    %get3A_1334 = vector.load %arg46[%get3A_1332, %get3A_1333] : memref<256x256xf32, #tpu.memory_space<vmem>>, vector<256x256xf32>
    %dot_general3A_1335 = arith.constant dense<0.000000e+00> : vector<512x256xf32>
    %dot_general3A_1336 = tpu.matmul %max3A_1221, %get3A_1334, %dot_general3A_1335 {dimension_numbers = #tpu.dot_dimension_numbers<[1], [0], [0], [1], [0, 0, 1, 1], [], []>, transpose_lhs_hint = false} : vector<512x256xf32>, vector<256x256xf32>, vector<512x256xf32> -> vector<512x256xf32>
    %get3A_1337 = arith.constant 0 : index
    %get3A_1338 = vector.load %arg47[%get3A_1337] : memref<256xf32, #tpu.memory_space<vmem>>, vector<256xf32>
    %broadcast_in_dim3A_1339 = vector.shape_cast %get3A_1338 : vector<256xf32> to vector<1x256xf32>
    %add3A_1340 = vector.broadcast %broadcast_in_dim3A_1339 : vector<1x256xf32> to vector<512x256xf32>
    %add3A_1341 = arith.addf %dot_general3A_1336, %add3A_1340 : vector<512x256xf32>
    %add3A_1342 = arith.addf %concatenate3A_1331, %add3A_1341 : vector<512x256xf32>
    %add3A_1343 = arith.addf %max3A_1221, %add3A_1342 : vector<512x256xf32>
    %max3A_1344 = arith.constant 0.000000e+00 : f32
    %max3A_1345 = vector.broadcast %max3A_1344 : f32 to vector<512x256xf32>
    %max3A_1346 = arith.maximumf %add3A_1343, %max3A_1345 : vector<512x256xf32>
    %swap3A = arith.constant 0 : index
    %swap3A_1347 = arith.constant 0 : index
    %swap3A_1348 = vector.load %arg64[%swap3A, %swap3A_1347] : memref<512x256xf32, #tpu.memory_space<vmem>>, vector<512x256xf32>
    tpu.vector_store %arg64[%swap3A, %swap3A_1347], %max3A_1346 {strides = array<i32>} : memref<512x256xf32, #tpu.memory_space<vmem>>, vector<512x256xf32>,
    %get3A_1349 = arith.constant 0 : index
    %get3A_1350 = arith.constant 0 : index
    %get3A_1351 = vector.load %arg48[%get3A_1349, %get3A_1350] : memref<514x256xf32, #tpu.memory_space<vmem>>, vector<514x256xf32>
    %get3A_1352 = arith.constant 0 : index
    %get3A_1353 = vector.load %arg50[%get3A_1352] : memref<256xf32, #tpu.memory_space<vmem>>, vector<256xf32>
    %mul3A_1354 = arith.constant 0.999994993 : f32
    %mul3A_1355 = vector.broadcast %mul3A_1354 : f32 to vector<256xf32>
    %mul3A_1356 = arith.mulf %get3A_1353, %mul3A_1355 : vector<256xf32>
    %slice3A_1357 = vector.extract_strided_slice %get3A_1351 {offsets = [0, 0], sizes = [256, 256], strides = [1, 1]} : vector<514x256xf32> to vector<256x256xf32>
    %broadcast_in_dim3A_1358 = vector.shape_cast %mul3A_1356 : vector<256xf32> to vector<1x256xf32>
    %mul3A_1359 = vector.broadcast %broadcast_in_dim3A_1358 : vector<1x256xf32> to vector<256x256xf32>
    %mul3A_1360 = arith.mulf %slice3A_1357, %mul3A_1359 : vector<256x256xf32>
    %slice3A_1361 = vector.extract_strided_slice %get3A_1351 {offsets = [256, 0], sizes = [256, 256], strides = [1, 1]} : vector<514x256xf32> to vector<256x256xf32>
    %broadcast_in_dim3A_1362 = vector.shape_cast %mul3A_1356 : vector<256xf32> to vector<1x256xf32>
    %mul3A_1363 = vector.broadcast %broadcast_in_dim3A_1362 : vector<1x256xf32> to vector<256x256xf32>
    %mul3A_1364 = arith.mulf %slice3A_1361, %mul3A_1363 : vector<256x256xf32>
    %slice3A_1365 = vector.extract_strided_slice %get3A_1351 {offsets = [512, 0], sizes = [2, 256], strides = [1, 1]} : vector<514x256xf32> to vector<2x256xf32>
    %broadcast_in_dim3A_1366 = vector.shape_cast %mul3A_1356 : vector<256xf32> to vector<1x256xf32>
    %mul3A_1367 = vector.broadcast %broadcast_in_dim3A_1366 : vector<1x256xf32> to vector<2x256xf32>
    %mul3A_1368 = arith.mulf %slice3A_1365, %mul3A_1367 : vector<2x256xf32>
    %get3A_1369 = arith.constant 0 : index
    %get3A_1370 = vector.load %arg49[%get3A_1369] : memref<256xf32, #tpu.memory_space<vmem>>, vector<256xf32>
    %mul3A_1371 = arith.mulf %get3A_1370, %mul3A_1356 : vector<256xf32>
    %get3A_1372 = arith.constant 0 : index
    %get3A_1373 = vector.load %arg51[%get3A_1372] : memref<256xf32, #tpu.memory_space<vmem>>, vector<256xf32>
    %add3A_1374 = arith.addf %mul3A_1371, %get3A_1373 : vector<256xf32>
    %dot_general3A_1375 = arith.constant dense<0.000000e+00> : vector<512x256xf32>
    %dot_general3A_1376 = tpu.matmul %max3A_1346, %mul3A_1360, %dot_general3A_1375 {dimension_numbers = #tpu.dot_dimension_numbers<[1], [0], [0], [1], [0, 0, 1, 1], [], []>, transpose_lhs_hint = false} : vector<512x256xf32>, vector<256x256xf32>, vector<512x256xf32> -> vector<512x256xf32>
    %dot_general3A_1377 = arith.constant dense<0.000000e+00> : vector<512x256xf32>
    %dot_general3A_1378 = tpu.matmul %get3A_4, %mul3A_1368, %dot_general3A_1377 {dimension_numbers = #tpu.dot_dimension_numbers<[1], [0], [0], [1], [0, 0, 1, 1], [], []>, transpose_lhs_hint = false} : vector<512x2xf32>, vector<2x256xf32>, vector<512x256xf32> -> vector<512x256xf32>
    %sub3A = arith.subf %dot_general3A_1376, %dot_general3A_1378 : vector<512x256xf32>
    %broadcast_in_dim3A_1379 = vector.shape_cast %add3A_1374 : vector<256xf32> to vector<1x256xf32>
    %add3A_1380 = vector.broadcast %broadcast_in_dim3A_1379 : vector<1x256xf32> to vector<512x256xf32>
    %add3A_1381 = arith.addf %sub3A, %add3A_1380 : vector<512x256xf32>
    %swap3A_1382 = arith.constant 0 : index
    %swap3A_1383 = arith.constant 0 : index
    %swap3A_1384 = vector.load %arg65[%swap3A_1382, %swap3A_1383] : memref<512x256xf32, #tpu.memory_space<vmem>>, vector<512x256xf32>
    tpu.vector_store %arg65[%swap3A_1382, %swap3A_1383], %add3A_1381 {strides = array<i32>} : memref<512x256xf32, #tpu.memory_space<vmem>>, vector<512x256xf32>,
    %dot_general3A_1385 = arith.constant dense<0.000000e+00> : vector<512x256xf32>
    %dot_general3A_1386 = tpu.matmul %max3A_1346, %mul3A_1364, %dot_general3A_1385 {dimension_numbers = #tpu.dot_dimension_numbers<[1], [0], [0], [1], [0, 0, 1, 1], [], []>, transpose_lhs_hint = false} : vector<512x256xf32>, vector<256x256xf32>, vector<512x256xf32> -> vector<512x256xf32>
    %dot_general3A_1387 = arith.constant dense<0.000000e+00> : vector<512x256xf32>
    %dot_general3A_1388 = tpu.matmul %get3A_4, %mul3A_1368, %dot_general3A_1387 {dimension_numbers = #tpu.dot_dimension_numbers<[1], [0], [0], [1], [0, 0, 1, 1], [], []>, transpose_lhs_hint = false} : vector<512x2xf32>, vector<2x256xf32>, vector<512x256xf32> -> vector<512x256xf32>
    %add3A_1389 = arith.addf %dot_general3A_1386, %dot_general3A_1388 : vector<512x256xf32>
    %swap3A_1390 = arith.constant 0 : index
    %swap3A_1391 = arith.constant 0 : index
    %swap3A_1392 = vector.load %arg66[%swap3A_1390, %swap3A_1391] : memref<512x256xf32, #tpu.memory_space<vmem>>, vector<512x256xf32>
    tpu.vector_store %arg66[%swap3A_1390, %swap3A_1391], %add3A_1389 {strides = array<i32>} : memref<512x256xf32, #tpu.memory_space<vmem>>, vector<512x256xf32>,
    %get3A_1393 = arith.constant 0 : index
    %get3A_1394 = arith.constant 0 : index
    %get3A_1395 = vector.load %arg52[%get3A_1393, %get3A_1394] : memref<258x256xf32, #tpu.memory_space<vmem>>, vector<258x256xf32>
    %get3A_1396 = arith.constant 0 : index
    %get3A_1397 = vector.load %arg54[%get3A_1396] : memref<256xf32, #tpu.memory_space<vmem>>, vector<256xf32>
    %mul3A_1398 = arith.constant 0.999994993 : f32
    %mul3A_1399 = vector.broadcast %mul3A_1398 : f32 to vector<256xf32>
    %mul3A_1400 = arith.mulf %get3A_1397, %mul3A_1399 : vector<256xf32>
    %slice3A_1401 = vector.extract_strided_slice %get3A_1395 {offsets = [0, 0], sizes = [256, 256], strides = [1, 1]} : vector<258x256xf32> to vector<256x256xf32>
    %broadcast_in_dim3A_1402 = vector.shape_cast %mul3A_1400 : vector<256xf32> to vector<1x256xf32>
    %mul3A_1403 = vector.broadcast %broadcast_in_dim3A_1402 : vector<1x256xf32> to vector<256x256xf32>
    %mul3A_1404 = arith.mulf %slice3A_1401, %mul3A_1403 : vector<256x256xf32>
    %dot_general3A_1405 = arith.constant dense<0.000000e+00> : vector<512x256xf32>
    %dot_general3A_1406 = tpu.matmul %max3A_1346, %mul3A_1404, %dot_general3A_1405 {dimension_numbers = #tpu.dot_dimension_numbers<[1], [0], [0], [1], [0, 0, 1, 1], [], []>, transpose_lhs_hint = false} : vector<512x256xf32>, vector<256x256xf32>, vector<512x256xf32> -> vector<512x256xf32>
    %slice3A_1407 = vector.extract_strided_slice %get3A_1395 {offsets = [256, 0], sizes = [2, 256], strides = [1, 1]} : vector<258x256xf32> to vector<2x256xf32>
    %broadcast_in_dim3A_1408 = vector.shape_cast %mul3A_1400 : vector<256xf32> to vector<1x256xf32>
    %mul3A_1409 = vector.broadcast %broadcast_in_dim3A_1408 : vector<1x256xf32> to vector<2x256xf32>
    %mul3A_1410 = arith.mulf %slice3A_1407, %mul3A_1409 : vector<2x256xf32>
    %dot_general3A_1411 = arith.constant dense<0.000000e+00> : vector<512x256xf32>
    %dot_general3A_1412 = tpu.matmul %get3A_4, %mul3A_1410, %dot_general3A_1411 {dimension_numbers = #tpu.dot_dimension_numbers<[1], [0], [0], [1], [0, 0, 1, 1], [], []>, transpose_lhs_hint = false} : vector<512x2xf32>, vector<2x256xf32>, vector<512x256xf32> -> vector<512x256xf32>
    %add3A_1413 = arith.addf %dot_general3A_1406, %dot_general3A_1412 : vector<512x256xf32>
    %get3A_1414 = arith.constant 0 : index
    %get3A_1415 = vector.load %arg53[%get3A_1414] : memref<256xf32, #tpu.memory_space<vmem>>, vector<256xf32>
    %mul3A_1416 = arith.mulf %get3A_1415, %mul3A_1400 : vector<256xf32>
    %get3A_1417 = arith.constant 0 : index
    %get3A_1418 = vector.load %arg55[%get3A_1417] : memref<256xf32, #tpu.memory_space<vmem>>, vector<256xf32>
    %add3A_1419 = arith.addf %mul3A_1416, %get3A_1418 : vector<256xf32>
    %broadcast_in_dim3A_1420 = vector.shape_cast %add3A_1419 : vector<256xf32> to vector<1x256xf32>
    %add3A_1421 = vector.broadcast %broadcast_in_dim3A_1420 : vector<1x256xf32> to vector<512x256xf32>
    %add3A_1422 = arith.addf %add3A_1413, %add3A_1421 : vector<512x256xf32>
    %max3A_1423 = arith.constant 0.000000e+00 : f32
    %max3A_1424 = vector.broadcast %max3A_1423 : f32 to vector<512x256xf32>
    %max3A_1425 = arith.maximumf %add3A_1422, %max3A_1424 : vector<512x256xf32>
    %get3A_1426 = arith.constant 0 : index
    %get3A_1427 = arith.constant 0 : index
    %get3A_1428 = vector.load %arg56[%get3A_1426, %get3A_1427] : memref<256x128xf32, #tpu.memory_space<vmem>>, vector<256x128xf32>
    %dot_general3A_1429 = arith.constant dense<0.000000e+00> : vector<512x128xf32>
    %dot_general3A_1430 = tpu.matmul %max3A_1425, %get3A_1428, %dot_general3A_1429 {dimension_numbers = #tpu.dot_dimension_numbers<[1], [0], [0], [1], [0, 0, 1, 1], [], []>, transpose_lhs_hint = false} : vector<512x256xf32>, vector<256x128xf32>, vector<512x128xf32> -> vector<512x128xf32>
    %get3A_1431 = arith.constant 0 : index
    %get3A_1432 = vector.load %arg57[%get3A_1431] : memref<128xf32, #tpu.memory_space<vmem>>, vector<128xf32>
    %broadcast_in_dim3A_1433 = vector.shape_cast %get3A_1432 : vector<128xf32> to vector<1x128xf32>
    %add3A_1434 = vector.broadcast %broadcast_in_dim3A_1433 : vector<1x128xf32> to vector<512x128xf32>
    %add3A_1435 = arith.addf %dot_general3A_1430, %add3A_1434 : vector<512x128xf32>
    %max3A_1436 = arith.constant 0.000000e+00 : f32
    %max3A_1437 = vector.broadcast %max3A_1436 : f32 to vector<512x128xf32>
    %max3A_1438 = arith.maximumf %add3A_1435, %max3A_1437 : vector<512x128xf32>
    %get3A_1439 = arith.constant 0 : index
    %get3A_1440 = arith.constant 0 : index
    %get3A_1441 = vector.load %arg58[%get3A_1439, %get3A_1440] : memref<128x2xf32, #tpu.memory_space<vmem>>, vector<128x2xf32>
    %dot_general3A_1442 = arith.constant dense<0.000000e+00> : vector<512x2xf32>
    %dot_general3A_1443 = tpu.matmul %max3A_1438, %get3A_1441, %dot_general3A_1442 {dimension_numbers = #tpu.dot_dimension_numbers<[1], [0], [0], [1], [0, 0, 1, 1], [], []>, transpose_lhs_hint = false} : vector<512x128xf32>, vector<128x2xf32>, vector<512x2xf32> -> vector<512x2xf32>
    %get3A_1444 = arith.constant 0 : index
    %get3A_1445 = vector.load %arg59[%get3A_1444] : memref<2xf32, #tpu.memory_space<vmem>>, vector<2xf32>
    %broadcast_in_dim3A_1446 = vector.shape_cast %get3A_1445 : vector<2xf32> to vector<1x2xf32>
    %add3A_1447 = vector.broadcast %broadcast_in_dim3A_1446 : vector<1x2xf32> to vector<512x2xf32>
    %add3A_1448 = arith.addf %dot_general3A_1443, %add3A_1447 : vector<512x2xf32>
    %tanh3A = math.tanh %add3A_1448 : vector<512x2xf32>
    %swap3A_1449 = arith.constant 0 : index
    %swap3A_1450 = arith.constant 0 : index
    %swap3A_1451 = vector.load %arg67[%swap3A_1449, %swap3A_1450] : memref<512x2xf32, #tpu.memory_space<vmem>>, vector<512x2xf32>
    tpu.vector_store %arg67[%swap3A_1449, %swap3A_1450], %tanh3A {strides = array<i32>} : memref<512x2xf32, #tpu.memory_space<vmem>>, vector<512x2xf32>,
    %get3A_1452 = arith.constant 0 : index
    %get3A_1453 = arith.constant 0 : index
    %get3A_1454 = vector.load %arg60[%get3A_1452, %get3A_1453] : memref<256x128xf32, #tpu.memory_space<vmem>>, vector<256x128xf32>
    %dot_general3A_1455 = arith.constant dense<0.000000e+00> : vector<512x128xf32>
    %dot_general3A_1456 = tpu.matmul %max3A_1346, %get3A_1454, %dot_general3A_1455 {dimension_numbers = #tpu.dot_dimension_numbers<[1], [0], [0], [1], [0, 0, 1, 1], [], []>, transpose_lhs_hint = false} : vector<512x256xf32>, vector<256x128xf32>, vector<512x128xf32> -> vector<512x128xf32>
    %get3A_1457 = arith.constant 0 : index
    %get3A_1458 = vector.load %arg61[%get3A_1457] : memref<128xf32, #tpu.memory_space<vmem>>, vector<128xf32>
    %broadcast_in_dim3A_1459 = vector.shape_cast %get3A_1458 : vector<128xf32> to vector<1x128xf32>
    %add3A_1460 = vector.broadcast %broadcast_in_dim3A_1459 : vector<1x128xf32> to vector<512x128xf32>
    %add3A_1461 = arith.addf %dot_general3A_1456, %add3A_1460 : vector<512x128xf32>
    %max3A_1462 = arith.constant 0.000000e+00 : f32
    %max3A_1463 = vector.broadcast %max3A_1462 : f32 to vector<512x128xf32>
    %max3A_1464 = arith.maximumf %add3A_1461, %max3A_1463 : vector<512x128xf32>
    %get3A_1465 = arith.constant 0 : index
    %get3A_1466 = arith.constant 0 : index
    %get3A_1467 = vector.load %arg62[%get3A_1465, %get3A_1466] : memref<128x5xf32, #tpu.memory_space<vmem>>, vector<128x5xf32>
    %dot_general3A_1468 = arith.constant dense<0.000000e+00> : vector<512x5xf32>
    %dot_general3A_1469 = tpu.matmul %max3A_1464, %get3A_1467, %dot_general3A_1468 {dimension_numbers = #tpu.dot_dimension_numbers<[1], [0], [0], [1], [0, 0, 1, 1], [], []>, transpose_lhs_hint = false} : vector<512x128xf32>, vector<128x5xf32>, vector<512x5xf32> -> vector<512x5xf32>
    %get3A_1470 = arith.constant 0 : index
    %get3A_1471 = vector.load %arg63[%get3A_1470] : memref<5xf32, #tpu.memory_space<vmem>>, vector<5xf32>
    %broadcast_in_dim3A_1472 = vector.shape_cast %get3A_1471 : vector<5xf32> to vector<1x5xf32>
    %add3A_1473 = vector.broadcast %broadcast_in_dim3A_1472 : vector<1x5xf32> to vector<512x5xf32>
    %add3A_1474 = arith.addf %dot_general3A_1469, %add3A_1473 : vector<512x5xf32>
    %neg3A = arith.constant 0.000000e+00 : f32
    %neg3A_1475 = vector.broadcast %neg3A : f32 to vector<512x5xf32>
    %neg3A_1476 = arith.subf %neg3A_1475, %add3A_1474 : vector<512x5xf32>
    %exp3A_1477 = math.exp %neg3A_1476 : vector<512x5xf32>
    %add3A_1478 = arith.constant 1.000000e+00 : f32
    %add3A_1479 = vector.broadcast %add3A_1478 : f32 to vector<512x5xf32>
    %add3A_1480 = arith.addf %add3A_1479, %exp3A_1477 : vector<512x5xf32>
    %div3A_1481 = arith.constant 1.000000e+00 : f32
    %div3A_1482 = vector.broadcast %div3A_1481 : f32 to vector<512x5xf32>
    %div3A_1483 = arith.divf %div3A_1482, %add3A_1480 : vector<512x5xf32>
    %swap3A_1484 = arith.constant 0 : index
    %swap3A_1485 = arith.constant 0 : index
    %swap3A_1486 = vector.load %arg68[%swap3A_1484, %swap3A_1485] : memref<512x5xf32, #tpu.memory_space<vmem>>, vector<512x5xf32>
    tpu.vector_store %arg68[%swap3A_1484, %swap3A_1485], %div3A_1483 {strides = array<i32>} : memref<512x5xf32, #tpu.memory_space<vmem>>, vector<512x5xf32>,
    return
  }
}

</mosaic_0001>

<sc_bundles>
// kernel: kernel.5.cloned.1.call-start
scs
__scs_entry_jumppad:
0x0: {  	(pc) =	sbr.rel $0x88, $3  }
0x1: {  	(tag) =	ssettag $0x0;
	lr =	simm.s32 $0x1  }
0x2: {  	[smem:$0x3F5E] =	sst lr;
	_ =	strace $0xD0000000  }
0x3: {  	_ = 	snop  }
0x4: {  	_ = 	snop  }
0x5: {  	_ = 	snop  }
0x6: {  	_ = 	snop  }
0x7: {  	_ = 	snop  }
__scs_overlays_trampoline_lowered:
0x8: {  	[smem:$0x3F6D] =	sst s0  }
0x9: {  	[smem:$0x3F6E] =	sst s1  }
0xa: {  	[smem:$0x3F6F] =	sst s2  }
0xb: {  	[smem:$0x3F70] =	sst s3  }
0xc: {  	[smem:$0x3F71] =	sst s4  }
0xd: {  	[smem:$0x3F72] =	sst s5  }
0xe: {  	[smem:$0x3F73] =	sst s6  }
0xf: {  	[smem:$0x3F74] =	sst s7  }
0x10: {  	[smem:$0x3F75] =	sst s8  }
0x11: {  	[smem:$0x3F76] =	sst s9;
	s0 =	simm.s32 @!p0 $0x0  }
0x12: {  	s1 =	sld [smem:$0x3F5C];
	s0 =	simm.s32 @p0 $0x1  }
0x13: {  	[smem:$0x3F77] =	sst s0;
	s0 =	simm.s32 @!p1 $0x0  }
0x14: {  	s2 =	sld [smem:$0x3F5B];
	s0 =	simm.s32 @p1 $0x1  }
0x15: {  	[smem:$0x3F78] =	sst s0;
	s0 =	simm.s32 @!p2 $0x0  }
0x16: {  	s3 =	sld [smem:$0x3FDB];
	s0 =	simm.s32 @p2 $0x1  }
0x17: {  	s4 =	simm.s32 $0x1BF5;
	[smem:$0x3F7A] =	sst s0  }
0x18: {  	s0 =	sld [smem:$0x3F5D];
	_ =	swait.ge [sflag:s4], $0x0  }
0x19: {  	s7 =	sld [smem:$0x3F5E]  }
0x1a: {  	s8 =	sadd.s32 $0xFFFFE003, lr  }
0x1b: {  	s9 =	sadd.s32 $0xFFFFFEF7, lr;
	s5 =	simm.s32 $0xFFFFFFFF;
	p2 =	slt.u32 s8, $0xFFFFF086  }
0x1c: {  	p1 =	slt.u32 s9, $0xF7A;
	s5 =	simm.s32 @!p2 $0x0  }
0x1d: {  	s5 =	simm.s32 @p1 $0x1;
	p0 =	seq.s32 s7, s2  }
0x1e: {  	s7 =	smul.u32 @!p0 $0xF7A, s2;
	p2 =	seq.s32 @!p0 s5, $0x0  }
0x1f: {  	s9 =	smul.u32 $0xF7A, s1;
	s8 =	simm.s32 @!p0 $0x1BF5;
	p2 =	por !p2, p0  }
0x20: {  	[sflag:s8] =	ssyncset.s32 @!p0 $0xFFFFF086;
	s6 =	sadd.s32 @!p0 s3, s7;
	s7 =	simm.s32 @!p0 $0x108  }
0x21: {  	s3 =	sadd.s32 s3, s9;
	s6 =	sadd.s32 @!p0 $0x88, s6;
	s7 =	simm.s32 @p2 $0x1082  }
0x22: {  	[simem:s7], [sflag:s8] =	dma.local @!p0 [hbm:s6], $0xF7A  }
0x23: {  	s9 =	sor.u32 $0xD0000000, s2;
	s6 =	simm.s32 $0x108;
	_ =	swait.ge @!p0 [sflag:s8], $0x0  }
0x24: {  	s3 =	sadd.s32 $0x88, s3;
	s6 =	simm.s32 @!p1 $0x1082;
	[sflag:s4] =	ssyncset.s32 $0xFFFFF086  }
0x25: {  	[simem:s6], [sflag:s4] =	dma.local [hbm:s3], $0xF7A  }
0x26: {  	[smem:$0x3F5E] =	sst s1;
	(tag) =	ssettag s2;
	_ =	strace s9  }
0x27: {  	s1 =	sld [smem:$0x3F6E]  }
0x28: {  	s2 =	sld [smem:$0x3F6F]  }
0x29: {  	s4 =	sld [smem:$0x3F71]  }
0x2a: {  	p0 =	seq.s32 s5, $0x0;
	s5 =	sld [smem:$0x3F72]  }
0x2b: {  	s6 =	sld [smem:$0x3F73]  }
0x2c: {  	s7 =	sld [smem:$0x3F74]  }
0x2d: {  	s3 =	simm.s32 $0x108;
	s8 =	sld [smem:$0x3F75]  }
0x2e: {  	s3 =	simm.s32 @!p0 $0x1082;
	s9 =	sld [smem:$0x3F76]  }
0x2f: {  	lr =	sadd.s32 s0, s3;
	s0 =	sld [smem:$0x3F6D]  }
0x30: {  	s3 =	sld [smem:$0x3F70]  }
0x31: {  	[smem:$0x3F79] =	sst s10  }
0x32: {  	s10 =	sld [smem:$0x3F77];
	_ =	sdelay $0x3  }
0x33: {  	p0 =	seq.s32 s10, $0x1;
	s10 =	sld [smem:$0x3F79];
	_ =	sdelay $0x3  }
0x34: {  	[smem:$0x3F79] =	sst s10  }
0x35: {  	s10 =	sld [smem:$0x3F78];
	_ =	sdelay $0x3  }
0x36: {  	p1 =	seq.s32 s10, $0x1;
	s10 =	sld [smem:$0x3F79];
	_ =	sdelay $0x3  }
0x37: {  	[smem:$0x3F79] =	sst s10  }
0x38: {  	s10 =	sld [smem:$0x3F7A]  }
0x39: {  	_ = 	snop;
	(pc) =	sbr.ind lr, $3  }
0x3a: {  	_ = 	snop  }
0x3b: {  	_ = 	snop  }
0x3c: {  	p2 =	seq.s32 s10, $0x1;
	s10 =	sld [smem:$0x3F79]  }
0x3d: {  	_ =	shalt  }
0x3e: {  	_ =	shalt  }
0x3f: {  	_ =	shalt  }
0x40: {  	_ =	shalt  }
0x41: {  	_ =	shalt  }
0x42: {  	_ =	shalt  }
0x43: {  	_ =	shalt  }
0x44: {  	_ =	shalt  }
0x45: {  	_ =	shalt  }
0x46: {  	_ =	shalt  }
0x47: {  	_ =	shalt  }
0x48: {  	_ =	shalt  }
0x49: {  	_ =	shalt  }
0x4a: {  	_ =	shalt  }
0x4b: {  	_ =	shalt  }
0x4c: {  	_ =	shalt  }
0x4d: {  	_ =	shalt  }
0x4e: {  	_ =	shalt  }
0x4f: {  	_ =	shalt  }
0x50: {  	_ =	shalt  }
0x51: {  	_ =	shalt  }
0x52: {  	_ =	shalt  }
0x53: {  	_ =	shalt  }
0x54: {  	_ =	shalt  }
0x55: {  	_ =	shalt  }
0x56: {  	_ =	shalt  }
0x57: {  	_ =	shalt  }
0x58: {  	_ =	shalt  }
0x59: {  	_ =	shalt  }
0x5a: {  	_ =	shalt  }
0x5b: {  	_ =	shalt  }
0x5c: {  	_ =	shalt  }
0x5d: {  	_ =	shalt  }
0x5e: {  	_ =	shalt  }
0x5f: {  	_ =	shalt  }
0x60: {  	_ =	shalt  }
0x61: {  	_ =	shalt  }
0x62: {  	_ =	shalt  }
0x63: {  	_ =	shalt  }
0x64: {  	_ =	shalt  }
0x65: {  	_ =	shalt  }
0x66: {  	_ =	shalt  }
0x67: {  	_ =	shalt  }
0x68: {  	_ =	shalt  }
0x69: {  	_ =	shalt  }
0x6a: {  	_ =	shalt  }
0x6b: {  	_ =	shalt  }
0x6c: {  	_ =	shalt  }
0x6d: {  	_ =	shalt  }
0x6e: {  	_ =	shalt  }
0x6f: {  	_ =	shalt  }
0x70: {  	_ =	shalt  }
0x71: {  	_ =	shalt  }
0x72: {  	_ =	shalt  }
0x73: {  	_ =	shalt  }
0x74: {  	_ =	shalt  }
0x75: {  	_ =	shalt  }
0x76: {  	_ =	shalt  }
0x77: {  	_ =	shalt  }
0x78: {  	_ =	shalt  }
0x79: {  	_ =	shalt  }
0x7a: {  	_ =	shalt  }
0x7b: {  	_ =	shalt  }
0x7c: {  	_ =	shalt  }
0x7d: {  	_ =	shalt  }
0x7e: {  	_ =	shalt  }
0x7f: {  	_ =	shalt  }
0x80: {  	_ =	shalt  }
0x81: {  	_ =	shalt  }
0x82: {  	_ =	shalt  }
0x83: {  	_ =	shalt  }
0x84: {  	_ =	shalt  }
0x85: {  	_ =	shalt  }
0x86: {  	_ =	shalt  }
0x87: {  	_ =	shalt  }
.Lfunc_end0:
.L_simem_size_0:
called_computation_lowered:
.L_overlay_start_0:
0x88: {  	s2 =	sld [smem:$0x3FD9]  }
0x89: {  	s3 =	sld [smem:$0x3FFE];
	_ =	sdelay $0x1  }
0x8a: {  	s1 =	srdreg.scid  }
0x8b: {  	s0 =	sand.u32 $0x1, s1  }
0x8c: {  	s14 =	sshll.u32 s0, $0xA;
	s2 =	sadd.s32 s3, s2  }
0x8d: {  	s2 =	sadd.s32 s2, s14  }
0x8e: {  	[smem:$0x3F85] =	sst s2  }
0x8f: {  	_ = 	snop  }
0x90: {  	s2 =	sld [smem:$0x3FD0];
	_ =	sdelay $0x2  }
0x91: {  	s15 =	simm.s32 $0xA;
	s4 =	simm.s32 $0x10  }
0x92: {  	[smem:s4], [sflag:s15] =	dma.local [hbm:s2], $0x1  }
0x93: {  	_ =	swait.eq [sflag:s15], $0x1  }
0x94: {  	[sflag:s15] =	ssyncset.done $0x0  }
0x95: {  	s16 =	sld [smem:$0x10];
	[sflag:s15] =	ssyncadd.s32 $0xFFFFFFFF  }
0x96: {  	s17 =	sld [smem:$0x12];
	(tm) =	ssettm $0x1  }
0x97: {  	s18 =	sld [smem:$0x3FFB];
	_ =	sdelay $0x3  }
0x98: {  	_ =	strace s18  }
0x99: {  	s4 =	sld [smem:$0x3FFC];
	_ =	sdelay $0x3  }
0x9a: {  	_ =	strace s4  }
0x9b: {  	s4 =	sld [smem:$0x3FFD];
	_ =	sdelay $0x3  }
0x9c: {  	_ =	strace s4  }
0x9d: {  	_ =	strace $0x8FFFFFFF  }
0x9e: {  	s19 =	sld [smem:$0x3FDB];
	_ =	sdelay $0x1  }
0x9f: {  	s5 =	simm.s32 $_scs_section_size  }
0xa0: {  	s6 =	simm.s32 $_size__tile_overlayer_lowered;
	s7 =	simm.s32 $_tile_overlayer_lowered  }
0xa1: {  	s22 =	simm.s32 $0x1BFF;
	s21 =	sshll.u32 s7, $0x1;
	s4 =	sadd.s32 s5, s19  }
0xa2: {  	s8 =	simm.s32 $0x0;
	s20 =	sshll.u32 s6, $0x1;
	s6 =	sadd.s32 s21, s4  }
0xa3: {  	[timem:s8], [sflag:s22] =	dma.local [hbm:s6], s20  }
0xa4: {  	_ =	swait.ge [sflag:s22], s20  }
0xa5: {  	s5 =	ssub.s32 $0x0, s20;
	[sflag:s22] =	ssyncset.done $0x0  }
0xa6: {  	[sflag:s22] =	ssyncadd.s32 s5;
	_ =	sdelay $0x1  }
0xa7: {  	s23 =	simm.s32 $0x1B8B  }
0xa8: {  	_ =	swait.ge [sflag:s23], $0x1  }
0xa9: {  	[sflag:s23] =	ssyncset.done $0x0  }
0xaa: {  	s25 =	simm.s32 $0x1B8E;
	s24 =	sld [smem:$0x3FFE];
	[sflag:s23] =	ssyncadd.s32 $0xFFFFFFFF  }
0xab: {  	s26 =	simm.s32 $execute0_lowered;
	[smem:$0x3FD2] =	sst s25  }
0xac: {  	s6 =	sshll.u32 s26, $0x1;
	_ =	strace $0x80000046;
	[dreg:$0x1] =	wrdreg $0xFFFFFFFF  }
0xad: {  	s28 =	simm.s32 $_size_execute0_lowered;
	s4 =	sadd.s32 s4, s6;
	[dreg:$0x0] =	wrdreg $0x0  }
0xae: {  	s6 =	sshll.u32 s28, $0x1;
	[dreg:$0x2] =	wrdreg s4  }
0xaf: {  	[dreg:$0x3] =	wrdreg s6  }
0xb0: {  	[dreg:$0x4] =	wrdreg $0xC0  }
0xb1: {  	_ =	task [dreg:s8], $0x5FFFF  }
0xb2: {  	[dreg:$0x1] =	wrdreg $0xFFFFFFFF  }
0xb3: {  	[dreg:$0x0] =	wrdreg $0x60  }
0xb4: {  	[dreg:$0x2] =	wrdreg s17  }
0xb5: {  	[dreg:$0x3] =	wrdreg s16  }
0xb6: {  	[dreg:$0x4] =	wrdreg s24  }
0xb7: {  	[dreg:$0x5] =	wrdreg $0xB800  }
0xb8: {  	[dreg:$0x6] =	wrdreg $0x9  }
0xb9: {  	_ =	task.clear_ibuf [dreg:s8], $0x7FFFF;
	_ =	strace $0x90000046  }
0xba: {  	s29 =	simm.s32 $0x9;
	_ =	strace $0x80000048  }
0xbb: {  	_ =	swait.ge [sflag:s29], $0x1  }
0xbc: {  	[sflag:s29] =	ssyncadd.s32 $0xFFFFFFFF  }
0xbd: {  	_ =	strace $0x90000048  }
0xbe: {  	_ =	sfence  }
0xbf: {  	s30 =	sld [smem:$0x0];
	_ =	sdelay $0x2  }
0xc0: {  	s31 =	sshll.u32 s1, $0xD;
	s1 =	sshrl.u32 s1, $0x2  }
0xc1: {  	s3 =	sand.u32 $0x4000, s31;
	s1 =	sadd.s32 s1, s30  }
0xc2: {  	s0 =	sor.u32 s3, s0;
	s1 =	sshll.u32 s1, $0x11  }
0xc3: {  	s0 =	sor.u32 s1, s0  }
0xc4: {  	s0 =	sadd.s32 $0x8F2B, s0  }
0xc5: {  	[sflag:s0] =	ssyncadd.remote.s32 $0x1  }
0xc6: {  	_ =	sfence.sel $0xFFFF  }
0xc7: {  	[dreg:$0x0] =	wrdreg $0xFFFFFFFF;
	(pc) =	sbr.abs _section_cstart, $3  }
0xc8: {  	[dreg:$0x1] =	wrdreg $0xFFFFFFFF  }
0xc9: {  	_ =	task.clear_ibuf [dreg:s8], $0x2FFFF;
	_ =	strace $0x9FFFFFFF  }
0xca: {  	(tm) =	ssettm $0x7FFFFFFF  }
0xcb: {  	_ =	shalt  }
tec
execute0_lowered:
.L_overlay_start_1:
0x0: {  	(tag) =	ssettag $0x1  }
0x1: {  	s5 =	rddreg [dreg:$0x0]  }
0x2: {  	s6 =	rddreg [dreg:$0x1]  }
0x3: {  	s3 =	rddreg [dreg:$0x2]  }
0x4: {  	s1 =	rddreg [dreg:$0x3]  }
0x5: {  	s0 =	rddreg [dreg:$0x4];
	s2 =	simm.s32 $0x0  }
0x6: {  	s4 =	srdreg.scid;
	s16 =	simm.s32 $0x1;
	s17 =	simm.s32 $0x100  }
0x7: {  	s18 =	simm.s32 $0x380;
	s19 =	simm.s32 $0x80;
	s20 =	simm.s32 $0x200  }
0x8: {  	s21 =	simm.s32 $0x300;
	s22 =	simm.s32 $0x280;
	s24 =	simm.s32 $0x20  }
0x9: {  	s25 =	simm.s32 $0x10;
	[smem:$0x7FF] =	sst s2;
	s4 =	sand.u32 $0x1, s4  }
0xa: {  	s26 =	simm.s32 $0x0;
	_ =	strace $0x80000047;
	s7 =	sshll.u32 s4, $0x4  }
0xb: {  	s8 =	ssub.s32 $0x2, s4;
	s12 =	sadd.s32 s7, s3;
	s3 =	stileid.u32  }
0xc: {  	s4 =	sshll.u32 s4, $0x5;
	s30 =	sshrl.u32 s8, $0x1;
	s23 =	sshll.u32 s3, $0x6  }
0xd: {  	s9 =	sshll.u32 s3, $0xE;
	s15 =	ssub.s32 s8, s30;
	s13 =	sshll.u32 s3, $0xC  }
0xe: {  	s31 =	sor.u32 s4, s23;
	s4 =	sadd.s32 s9, s1;
	s14 =	sadd.s32 s13, s12  }
0xf: {  	s15 =	smax.u32 s15, $0x1;
	s23 =	sor.u32 $0x1C01, s23;
	s5 =	sadd.s32 s5, s31  }
0x10: {  	s6 =	sadd.s32 s6, s31;
	s7 =	sadd.s32 $0x800, s4;
	s8 =	sadd.s32 $0x1000, s4  }
0x11: {  	s9 =	sadd.s32 $0x1800, s4;
	s10 =	sadd.s32 $0x2000, s4;
	s11 =	sadd.s32 $0x2800, s4  }
0x12: {  	v0 =	vimm.f32 $0.0e+00;
	v1 =	vimm.f32 $1.000000000e+00;
	s12 =	sadd.s32 $0x3000, s4;
	s13 =	sadd.s32 $0x3800, s4;
	s14 =	sadd.s32 $0x8400, s14  }
.LBB2_1:
0x13: {  	s28 =	simm.s32 $0x40;
	s29 =	simm.s32 $0x0  }
.LBB2_2:
0x14: {  	p0 =	sne.s32 s28, $0x1FC0;
	[tilespmem:s29+$0x380] =	vst v0;
	s29 =	smov.u32 s28;
	s28 =	sadd.s32 $0x40, s28  }
.Ltmp0:
0x15: {  	(pc) =	sbr.rel @p0 .LBB2_2-.Ltmp0, $2  }
0x16: {  	_ =	sdelay $0x2  }
0x17: {  	s29 =	sshra.s32 s29, $0x2  }
0x18: {  	[tilespmem:s29+$0x380] =	vst v0  }
0x19: {  	[tilespmem:$0x300] =	vst v1  }
0x1a: {  	[tilespmem:$0x310] =	vst v1  }
0x1b: {  	[tilespmem:$0x320] =	vst v1  }
0x1c: {  	[tilespmem:$0x330] =	vst v1  }
0x1d: {  	[tilespmem:$0x340] =	vst v1  }
0x1e: {  	[tilespmem:$0x350] =	vst v1  }
0x1f: {  	[tilespmem:$0x360] =	vst v1  }
0x20: {  	[tilespmem:$0x370] =	vst v1  }
0x21: {  	[tilespmem:s2], [sflag:$0x1] =	stream.linear.gather [hbm4b:s5+s2], $0x100, $0x38;
	[tilespmem:$0x4B80] =	vst v63  }
0x22: {  	_ =	swait.ge [sflag:s16], $0x100  }
0x23: {  	[sflag:s16] =	ssyncset.done $0x0  }
0x24: {  	[sflag:s16] =	ssyncadd.s32 $0xFFFFFF00  }
0x25: {  	[tilespmem:s17], [sflag:$0x1] =	stream.linear.gather [hbm4b:s6+s2], $0x100, $0x38;
	[tilespmem:$0x4B80] =	vst v63  }
0x26: {  	_ =	swait.ge [sflag:s16], $0x100  }
0x27: {  	[sflag:s16] =	ssyncset.done $0x0  }
0x28: {  	[sflag:s16] =	ssyncadd.s32 $0xFFFFFF00  }
0x29: {  	[spmem:s4] =	stream.linear.scatter [tilespmem:s18], [sflag:$0x1], $0x800, $0x38;
	[tilespmem:$0x4B80] =	vst v63  }
0x2a: {  	_ =	swait.ge [sflag:s16], $0x800  }
0x2b: {  	[sflag:s16] =	ssyncset.done $0x0  }
0x2c: {  	[sflag:s16] =	ssyncadd.s32 $0xFFFFF800  }
0x2d: {  	[spmem:s7] =	stream.linear.scatter [tilespmem:s18], [sflag:$0x1], $0x800, $0x38;
	[tilespmem:$0x4B80] =	vst v63  }
0x2e: {  	_ =	swait.ge [sflag:s16], $0x800  }
0x2f: {  	[sflag:s16] =	ssyncset.done $0x0  }
0x30: {  	[sflag:s16] =	ssyncadd.s32 $0xFFFFF800  }
0x31: {  	[spmem:s8] =	stream.linear.scatter [tilespmem:s18], [sflag:$0x1], $0x800, $0x38;
	[tilespmem:$0x4B80] =	vst v63  }
0x32: {  	_ =	swait.ge [sflag:s16], $0x800  }
0x33: {  	[sflag:s16] =	ssyncset.done $0x0  }
0x34: {  	[sflag:s16] =	ssyncadd.s32 $0xFFFFF800  }
0x35: {  	[spmem:s9] =	stream.linear.scatter [tilespmem:s18], [sflag:$0x1], $0x800, $0x38;
	[tilespmem:$0x4B80] =	vst v63  }
0x36: {  	_ =	swait.ge [sflag:s16], $0x800  }
0x37: {  	[sflag:s16] =	ssyncset.done $0x0  }
0x38: {  	[sflag:s16] =	ssyncadd.s32 $0xFFFFF800  }
0x39: {  	[spmem:s10] =	stream.linear.scatter [tilespmem:s18], [sflag:$0x1], $0x800, $0x38;
	[tilespmem:$0x4B80] =	vst v63  }
0x3a: {  	_ =	swait.ge [sflag:s16], $0x800  }
0x3b: {  	[sflag:s16] =	ssyncset.done $0x0  }
0x3c: {  	[sflag:s16] =	ssyncadd.s32 $0xFFFFF800  }
0x3d: {  	[spmem:s11] =	stream.linear.scatter [tilespmem:s18], [sflag:$0x1], $0x800, $0x38;
	[tilespmem:$0x4B80] =	vst v63  }
0x3e: {  	_ =	swait.ge [sflag:s16], $0x800  }
0x3f: {  	[sflag:s16] =	ssyncset.done $0x0  }
0x40: {  	[sflag:s16] =	ssyncadd.s32 $0xFFFFF800  }
0x41: {  	[spmem:s12] =	stream.linear.scatter [tilespmem:s18], [sflag:$0x1], $0x800, $0x38;
	[tilespmem:$0x4B80] =	vst v63  }
0x42: {  	_ =	swait.ge [sflag:s16], $0x800  }
0x43: {  	[sflag:s16] =	ssyncset.done $0x0  }
0x44: {  	[sflag:s16] =	ssyncadd.s32 $0xFFFFF800  }
0x45: {  	[spmem:s13] =	stream.linear.scatter [tilespmem:s18], [sflag:$0x1], $0x800, $0x38;
	[tilespmem:$0x4B80] =	vst v63  }
0x46: {  	_ =	swait.ge [sflag:s16], $0x800  }
0x47: {  	[sflag:s16] =	ssyncset.done $0x0  }
0x48: {  	[sflag:s16] =	ssyncadd.s32 $0xFFFFF800  }
0x49: {  	v2 =	vld [tilespmem:$0x0]  }
0x4a: {  	v3 =	vld [tilespmem:$0x100]  }
0x4b: {  	v4 =	vld [tilespmem:$0x10]  }
0x4c: {  	v5 =	vld [tilespmem:$0x110]  }
0x4d: {  	v6 =	vld [tilespmem:$0x20]  }
0x4e: {  	v7 =	vld [tilespmem:$0x120]  }
0x4f: {  	v8 =	vld [tilespmem:$0x30]  }
0x50: {  	v9 =	vld [tilespmem:$0x130]  }
0x51: {  	v10 =	vld [tilespmem:$0x40]  }
0x52: {  	v11 =	vld [tilespmem:$0x140]  }
0x53: {  	v12 =	vld [tilespmem:$0x50]  }
0x54: {  	v13 =	vld [tilespmem:$0x150]  }
0x55: {  	v14 =	vld [tilespmem:$0x60]  }
0x56: {  	v15 =	vld [tilespmem:$0x160]  }
0x57: {  	v16 =	vld [tilespmem:$0x70]  }
0x58: {  	v17 =	vld [tilespmem:$0x170]  }
0x59: {  	v18 =	vld [tilespmem:$0x80]  }
0x5a: {  	v19 =	vld [tilespmem:$0x180]  }
0x5b: {  	v20 =	vld [tilespmem:$0x90]  }
0x5c: {  	v21 =	vld [tilespmem:$0x190]  }
0x5d: {  	v22 =	vld [tilespmem:$0xA0];
	v3 =	vshll.u32 v3, $0x9  }
0x5e: {  	v53 =	vld [tilespmem:$0x1A0];
	v2 =	vadd.s32 v2, v3;
	v3 =	vshll.u32 v5, $0x9  }
0x5f: {  	v54 =	vld [tilespmem:$0xB0];
	[tilespmem:$0x200] =	vst v2;
	v2 =	vadd.s32 v4, v3;
	v3 =	vshll.u32 v7, $0x9  }
0x60: {  	v55 =	vld [tilespmem:$0x1B0];
	[tilespmem:$0x210] =	vst v2;
	v2 =	vadd.s32 v6, v3;
	v3 =	vshll.u32 v9, $0x9  }
0x61: {  	v56 =	vld [tilespmem:$0xC0];
	[tilespmem:$0x220] =	vst v2;
	v2 =	vadd.s32 v8, v3;
	v3 =	vshll.u32 v11, $0x9  }
0x62: {  	v57 =	vld [tilespmem:$0x1C0];
	[tilespmem:$0x230] =	vst v2;
	v2 =	vadd.s32 v10, v3;
	v3 =	vshll.u32 v13, $0x9  }
0x63: {  	v58 =	vld [tilespmem:$0xD0];
	[tilespmem:$0x240] =	vst v2;
	v2 =	vadd.s32 v12, v3;
	v3 =	vshll.u32 v15, $0x9  }
0x64: {  	v59 =	vld [tilespmem:$0x1D0];
	[tilespmem:$0x250] =	vst v2;
	v2 =	vadd.s32 v14, v3;
	v3 =	vshll.u32 v17, $0x9  }
0x65: {  	v60 =	vld [tilespmem:$0xE0];
	[tilespmem:$0x260] =	vst v2;
	v2 =	vadd.s32 v16, v3;
	v3 =	vshll.u32 v19, $0x9  }
0x66: {  	v61 =	vld [tilespmem:$0x1E0];
	[tilespmem:$0x270] =	vst v2;
	v2 =	vadd.s32 v18, v3;
	v3 =	vshll.u32 v21, $0x9  }
0x67: {  	v62 =	vld [tilespmem:$0x1F0];
	[tilespmem:$0x280] =	vst v2;
	v2 =	vadd.s32 v20, v3;
	v3 =	vshll.u32 v53, $0x9  }
0x68: {  	v63 =	vld [tilespmem:$0xF0];
	[tilespmem:$0x290] =	vst v2;
	v2 =	vadd.s32 v22, v3;
	v3 =	vshll.u32 v55, $0x9  }
0x69: {  	[tilespmem:$0x2A0] =	vst v2;
	v2 =	vadd.s32 v54, v3;
	v3 =	vshll.u32 v57, $0x9  }
0x6a: {  	[tilespmem:$0x2B0] =	vst v2;
	v2 =	vadd.s32 v56, v3;
	v3 =	vshll.u32 v59, $0x9  }
0x6b: {  	[tilespmem:$0x2C0] =	vst v2;
	v2 =	vadd.s32 v58, v3;
	v3 =	vshll.u32 v61, $0x9  }
0x6c: {  	[tilespmem:$0x2D0] =	vst v2;
	v2 =	vadd.s32 v60, v3;
	v3 =	vshll.u32 v62, $0x9  }
0x6d: {  	[tilespmem:$0x2E0] =	vst v2;
	v2 =	vadd.s32 v63, v3  }
0x6e: {  	[tilespmem:$0x2F0] =	vst v2  }
0x6f: {  	[bflag:$0x0] =	sbarrier.arrive $0xFFFF  }
0x70: {  	[spmem:s1] =	stream.indirect.scatter.add.f32 [tilespmem:s21], [sflag:$0x1], $0x1, s20, s19, $0xb8;
	[tilespmem:$0x4B80] =	vst v63  }
0x71: {  	_ =	swait.ge [sflag:s16], $0x80  }
0x72: {  	[sflag:s16] =	ssyncset.done $0x0  }
0x73: {  	[sflag:s16] =	ssyncadd.s32 $0xFFFFFF80  }
0x74: {  	[spmem:s1] =	stream.indirect.scatter.add.f32 [tilespmem:s21], [sflag:$0x1], $0x1, s22, s19, $0xb8;
	[tilespmem:$0x4B80] =	vst v63  }
0x75: {  	_ =	swait.ge [sflag:s16], $0x80  }
0x76: {  	s26 =	sadd.s32 $0x1, s26;
	[sflag:s16] =	ssyncset.done $0x0  }
0x77: {  	p0 =	sne.s32 s26, s15;
	[sflag:s16] =	ssyncadd.s32 $0xFFFFFF80  }
.Ltmp1:
0x78: {  	s28 =	sshrl.u32 s4, $0x3;
	[bflag:$0x0] =	sbarrier.arrive $0xFFFF;
	(pc) =	sbr.rel @p0 .LBB2_1-.Ltmp1, $4  }
0x79: {  	[hbm:s14@s24], [sflag:s23] =	dma.strided [spmem:s28@s25], $0x800, s16, $0x10   }
0x7a: {  	_ =	swait.ge [sflag:s16], $0x800  }
0x7b: {  	[sflag:s16] =	ssyncset.done $0x0  }
0x7c: {  	[sflag:s16] =	ssyncadd.s32 $0xFFFFF800  }
0x7d: {  	_ =	sfence.sel $0x180000  }
0x7e: {  	[bflag:$0x0] =	sbarrier.arrive $0xFFFF  }
0x7f: {  	p0 =	sne.s32 s3, $0x0;
	_ =	strace $0x90000047  }
0x80: {  	s0 =	sadd.s32 @!p0 $0x100000, s0;
	[bflag:$0x2] =	sbarrier.arrive $0xFFFF  }
0x81: {  	[sflag:s0] =	ssyncadd.tile.s32 @!p0 $0x1;
	_ =	shalt  }
.Lfunc_end2:
_tile_overlayer_lowered:
.L_overlay_start_2:
0x82: {  	(tag) =	ssettag $0x2  }
0x83: {  	s0 =	rddreg [dreg:$0x0];
	s2 =	stileid.u32  }
0x84: {  	s1 =	rddreg [dreg:$0x1];
	p0 =	sne.s32 s2, $0x0  }
0x85: {  	s3 =	rddreg [dreg:$0x2];
	[bflag:$0x3] =	sbarrier.arrive $0xFFFF;
	s2 =	simm.s32 @!p0 $0x1C01  }
0x86: {  	[timem:s3], [sflag:s2] =	dma.local @!p0 [hbm:s0], s1  }
0x87: {  	s0 =	simm.s32 @!p0 $0x1  }
0x88: {  	_ =	swait.ge @!p0 [sflag:s0], s1  }
0x89: {  	s1 =	ssub.s32 @!p0 $0x0, s1;
	[sflag:s0] =	ssyncset.done @!p0 $0x0  }
0x8a: {  	[sflag:s0] =	ssyncadd.s32 @!p0 s1  }
0x8b: {  	[bflag:$0x3] =	sbarrier.arrive $0xFFFF  }
0x8c: {  	_ =	shalt  }

</sc_bundles>
